<compile_context>
chip_gen: v7x
topology: tpu7x:2x2x1
jax: 0.10.2.dev20260603
libtpu: 0.0.44.dev20260713+nightly
codegen_flags: <defaults>
</compile_context>

<pallas_src>
import functools

import jax
import jax.numpy as jnp
from jax import lax
from jax.experimental import pallas as pl
from jax.experimental.pallas import tpu as pltpu
from jax.experimental.pallas import tpu_sc as plsc

N = 10000
E = 160000
Q = 8192
D = 256
H = 128
NC, NS = 2, 16
K = 128

EP = -(-E // (NC * NS * K)) * (NC * NS * K)
NCH = EP // (NS * K)
DCH = EP // (NC * NS * K)
NPAD = 10240
NROWS = N + 8

_RS = (N // NS) // 8 * 8
_RTAIL = N - _RS * NS

_mesh = plsc.VectorSubcoreMesh(core_axis_name="c", subcore_axis_name="s")



@functools.partial(
    pl.kernel,
    out_type=jax.ShapeDtypeStruct((NC * NPAD,), jnp.float32),
    mesh=_mesh,
    scratch_types=[
        pltpu.VMEM((DCH, K), jnp.int32),
        pltpu.VMEM((K,), jnp.float32),
        pltpu.VMEM_SHARED((NPAD,), jnp.float32),
    ],
)
def _deg_kernel(dst_hbm, zeros_hbm, out_hbm, idx_v, ones_v, acc):
    c = lax.axis_index("c")
    s = lax.axis_index("s")
    wid = c * NS + s
    stripe = NPAD // NS
    pltpu.sync_copy(zeros_hbm.at[pl.ds(s * stripe, stripe)],
                    acc.at[pl.ds(s * stripe, stripe)])
    pltpu.sync_copy(dst_hbm.at[wid], idx_v)
    for j in range(K // 16):
        ones_v[pl.ds(j * 16, 16)] = jnp.full((16,), 1.0, jnp.float32)
    plsc.subcore_barrier()

    def body(i, carry):
        pltpu.sync_copy(ones_v, acc.at[idx_v.at[i]], add=True)
        return carry

    lax.fori_loop(0, DCH, body, 0)
    plsc.subcore_barrier()
    pltpu.sync_copy(acc.at[pl.ds(s * stripe, stripe)],
                    out_hbm.at[pl.ds(c * NPAD + s * stripe, stripe)])


@functools.partial(
    pl.kernel,
    out_type=jax.ShapeDtypeStruct((NC * N, H), jnp.float32),
    mesh=_mesh,
    scratch_types=[
        pltpu.VMEM((NCH // 2, K), jnp.int32),
        pltpu.VMEM((NCH // 2, K), jnp.int32),
        pltpu.VMEM((K, H), jnp.float32),
        pltpu.VMEM((K, H), jnp.float32),
        pltpu.VMEM_SHARED((NROWS, H), jnp.float32),
        pltpu.SemaphoreType.DMA,
        pltpu.SemaphoreType.DMA,
    ],
)
def _edge_scatter(yg_hbm, ya_hbm, yb_hbm, src_hbm, dst_hbm, z_hbm, src_v,
                  dst_v, rows_a, rows_b, acc, sem_a, sem_b):
    c = lax.axis_index("c")
    s = lax.axis_index("s")
    wid = c * NS + s
    r0 = s * _RS

    def init_from(tab):
        pltpu.sync_copy(tab.at[pl.ds(r0, _RS)], acc.at[pl.ds(r0, _RS)])

        @pl.when(s == NS - 1)
        def _():
            pltpu.sync_copy(tab.at[pl.ds(NS * _RS, _RTAIL)],
                            acc.at[pl.ds(NS * _RS, _RTAIL)])

    @pl.when(c == 0)
    def _():
        init_from(ya_hbm)

    @pl.when(c == 1)
    def _():
        init_from(yb_hbm)

    plsc.subcore_barrier()

    hch = NCH // 2
    for h in range(2):
        pltpu.sync_copy(src_hbm.at[wid, pl.ds(h * hch, hch)], src_v)
        pltpu.sync_copy(dst_hbm.at[s, pl.ds(h * hch, hch)], dst_v)
        pltpu.async_copy(yg_hbm.at[src_v.at[0]], rows_a, sem_a)

        def body(t, carry):
            i0 = 2 * t
            pltpu.async_copy(yg_hbm.at[src_v.at[i0 + 1]], rows_b, sem_b)
            pltpu.make_async_copy(yg_hbm.at[src_v.at[i0]], rows_a, sem_a).wait()
            pltpu.sync_copy(rows_a, acc.at[dst_v.at[i0]], add=True)

            @pl.when(i0 + 2 < hch)
            def _():
                pltpu.async_copy(yg_hbm.at[src_v.at[i0 + 2]], rows_a, sem_a)

            pltpu.make_async_copy(yg_hbm.at[src_v.at[i0 + 1]], rows_b,
                                  sem_b).wait()
            pltpu.sync_copy(rows_b, acc.at[dst_v.at[i0 + 1]], add=True)
            return carry

        lax.fori_loop(0, hch // 2, body, 0)
    plsc.subcore_barrier()
    pltpu.sync_copy(acc.at[pl.ds(r0, _RS)],
                    z_hbm.at[pl.ds(c * N + r0, _RS)])

    @pl.when(s == NS - 1)
    def _():
        pltpu.sync_copy(acc.at[pl.ds(NS * _RS, _RTAIL)],
                        z_hbm.at[pl.ds(c * N + NS * _RS, _RTAIL)])


_ECH = 2 * Q // (NS * K)
_DGC = 2 * Q // (NC * NS * K)


@functools.partial(
    pl.kernel,
    out_type=(jax.ShapeDtypeStruct((4 * Q, H), jnp.float32),
              jax.ShapeDtypeStruct((2 * Q,), jnp.float32)),
    mesh=_mesh,
    scratch_types=[
        pltpu.VMEM((NCH // 2, K), jnp.int32),
        pltpu.VMEM((NCH // 2, K), jnp.int32),
        pltpu.VMEM((K, H), jnp.float32),
        pltpu.VMEM((K, H), jnp.float32),
        pltpu.VMEM((_ECH, K), jnp.int32),
        pltpu.VMEM((_DGC, K), jnp.int32),
        pltpu.VMEM((_DGC, K), jnp.float32),
        pltpu.VMEM_SHARED((NROWS, H), jnp.float32),
        pltpu.SemaphoreType.DMA,
        pltpu.SemaphoreType.DMA,
    ],
)
def _edge_scatter_pred(yg_hbm, ya_hbm, yb_hbm, src_hbm, dst_hbm, dinv_hbm,
                       eidx_hbm, didx_hbm, zg_hbm, dg_hbm, src_v, dst_v,
                       rows_a, rows_b, idx_v, didx_v, vals_v, acc, sem_a,
                       sem_b):
    c = lax.axis_index("c")
    s = lax.axis_index("s")
    wid = c * NS + s
    r0 = s * _RS

    def init_from(tab):
        pltpu.sync_copy(tab.at[pl.ds(r0, _RS)], acc.at[pl.ds(r0, _RS)])

        @pl.when(s == NS - 1)
        def _():
            pltpu.sync_copy(tab.at[pl.ds(NS * _RS, _RTAIL)],
                            acc.at[pl.ds(NS * _RS, _RTAIL)])

    @pl.when(c == 0)
    def _():
        init_from(ya_hbm)

    @pl.when(c == 1)
    def _():
        init_from(yb_hbm)

    pltpu.sync_copy(eidx_hbm.at[s], idx_v)
    pltpu.sync_copy(didx_hbm.at[wid], didx_v)
    plsc.subcore_barrier()

    hch = NCH // 2
    for h in range(2):
        pltpu.sync_copy(src_hbm.at[wid, pl.ds(h * hch, hch)], src_v)
        pltpu.sync_copy(dst_hbm.at[s, pl.ds(h * hch, hch)], dst_v)
        pltpu.async_copy(yg_hbm.at[src_v.at[0]], rows_a, sem_a)

        def body(t, carry):
            i0 = 2 * t
            pltpu.async_copy(yg_hbm.at[src_v.at[i0 + 1]], rows_b, sem_b)
            pltpu.make_async_copy(yg_hbm.at[src_v.at[i0]], rows_a, sem_a).wait()
            pltpu.sync_copy(rows_a, acc.at[dst_v.at[i0]], add=True)

            @pl.when(i0 + 2 < hch)
            def _():
                pltpu.async_copy(yg_hbm.at[src_v.at[i0 + 2]], rows_a, sem_a)

            pltpu.make_async_copy(yg_hbm.at[src_v.at[i0 + 1]], rows_b,
                                  sem_b).wait()
            pltpu.sync_copy(rows_b, acc.at[dst_v.at[i0 + 1]], add=True)
            return carry

        lax.fori_loop(0, hch // 2, body, 0)
    plsc.subcore_barrier()

    rb = c * 2 * Q + s * _ECH * K
    pltpu.async_copy(acc.at[idx_v.at[0]], rows_a, sem_a)

    def ebody(t, carry):
        i0 = 2 * t
        pltpu.async_copy(acc.at[idx_v.at[i0 + 1]], rows_b, sem_b)
        pltpu.make_async_copy(acc.at[idx_v.at[i0]], rows_a, sem_a).wait()
        pltpu.sync_copy(rows_a, zg_hbm.at[pl.ds(rb + i0 * K, K)])

        @pl.when(i0 + 2 < _ECH)
        def _():
            pltpu.async_copy(acc.at[idx_v.at[i0 + 2]], rows_a, sem_a)

        pltpu.make_async_copy(acc.at[idx_v.at[i0 + 1]], rows_b, sem_b).wait()
        pltpu.sync_copy(rows_b, zg_hbm.at[pl.ds(rb + (i0 + 1) * K, K)])
        return carry

    lax.fori_loop(0, _ECH // 2, ebody, 0)

    db = wid * _DGC * K

    def dbody(i, carry):
        pltpu.async_copy(dinv_hbm.at[didx_v.at[i]], vals_v.at[i], sem_a)
        pltpu.make_async_copy(dinv_hbm.at[didx_v.at[i]], vals_v.at[i],
                              sem_a).wait()
        pltpu.sync_copy(vals_v.at[i], dg_hbm.at[pl.ds(db + i * K, K)])
        return carry

    lax.fori_loop(0, _DGC, dbody, 0)



_BN = 1000
_NB = N // _BN


def _mm1_body(p0_ref, p1_ref, x_ref, w_ref, y3_ref, ya_ref, yb_ref,
              dinv_ref):
    deg = 1.0 + p0_ref[...] + p1_ref[...]
    dinv = lax.rsqrt(deg)
    dinv_ref[...] = dinv
    y = jnp.dot(x_ref[...], w_ref[...],
                preferred_element_type=jnp.float32) * dinv
    y3_ref[...] = y.reshape(_BN, NC, H)
    ya_ref[...] = y[:, :H]
    yb_ref[...] = y[:, H:]


_mm1 = pl.pallas_call(
    _mm1_body,
    grid=(_NB,),
    in_specs=[
        pl.BlockSpec((_BN, 1), lambda i: (i, 0)),
        pl.BlockSpec((_BN, 1), lambda i: (i, 0)),
        pl.BlockSpec((_BN, D), lambda i: (i, 0)),
        pl.BlockSpec((D, D), lambda i: (0, 0)),
    ],
    out_specs=[
        pl.BlockSpec((_BN, NC, H), lambda i: (i, 0, 0)),
        pl.BlockSpec((_BN, H), lambda i: (i, 0)),
        pl.BlockSpec((_BN, H), lambda i: (i, 0)),
        pl.BlockSpec((_BN, 1), lambda i: (i, 0)),
    ],
    out_shape=[
        jax.ShapeDtypeStruct((N, NC, H), jnp.float32),
        jax.ShapeDtypeStruct((N, H), jnp.float32),
        jax.ShapeDtypeStruct((N, H), jnp.float32),
        jax.ShapeDtypeStruct((N, 1), jnp.float32),
    ],
)


def _mm2_body(za_ref, zb_ref, dinv_ref, b1_ref, w_ref, y3_ref, ya_ref,
              yb_ref):
    dinv = dinv_ref[...]
    b = b1_ref[...]
    xa = jnp.maximum(za_ref[...] * dinv + b[:, :H], 0.0)
    xb = jnp.maximum(zb_ref[...] * dinv + b[:, H:], 0.0)
    w = w_ref[...]
    y = (jnp.dot(xa, w[:H, :], preferred_element_type=jnp.float32) +
         jnp.dot(xb, w[H:, :], preferred_element_type=jnp.float32)) * dinv
    y3_ref[...] = y.reshape(_BN, NC, H)
    ya_ref[...] = y[:, :H]
    yb_ref[...] = y[:, H:]


_mm2 = pl.pallas_call(
    _mm2_body,
    grid=(_NB,),
    in_specs=[
        pl.BlockSpec((_BN, H), lambda i: (i, 0)),
        pl.BlockSpec((_BN, H), lambda i: (_NB + i, 0)),
        pl.BlockSpec((_BN, 1), lambda i: (i, 0)),
        pl.BlockSpec((1, D), lambda i: (0, 0)),
        pl.BlockSpec((D, D), lambda i: (0, 0)),
    ],
    out_specs=[
        pl.BlockSpec((_BN, NC, H), lambda i: (i, 0, 0)),
        pl.BlockSpec((_BN, H), lambda i: (i, 0)),
        pl.BlockSpec((_BN, H), lambda i: (i, 0)),
    ],
    out_shape=[
        jax.ShapeDtypeStruct((N, NC, H), jnp.float32),
        jax.ShapeDtypeStruct((N, H), jnp.float32),
        jax.ShapeDtypeStruct((N, H), jnp.float32),
    ],
)

_BQ = 1024
_QB = Q // _BQ


def _pred_body(z0a_ref, z0b_ref, z1a_ref, z1b_ref, d0_ref, d1_ref, b2_ref,
               wp1_ref, bp1_ref, wp2_ref, bp2_ref, out_ref):
    b2 = b2_ref[...]
    d0 = d0_ref[...]
    d1 = d1_ref[...]
    ha = (z0a_ref[...] * d0 + b2[:, :H]) * (z1a_ref[...] * d1 + b2[:, :H])
    hb = (z0b_ref[...] * d0 + b2[:, H:]) * (z1b_ref[...] * d1 + b2[:, H:])
    w = wp1_ref[...]
    p = jnp.maximum(
        jnp.dot(ha, w[:H, :], preferred_element_type=jnp.float32) +
        jnp.dot(hb, w[H:, :], preferred_element_type=jnp.float32) +
        bp1_ref[...], 0.0)
    o = jnp.dot(p, wp2_ref[...], preferred_element_type=jnp.float32) + bp2_ref[...]
    out_ref[...] = jax.nn.sigmoid(o)


_pred = pl.pallas_call(
    _pred_body,
    grid=(_QB,),
    in_specs=[
        pl.BlockSpec((_BQ, H), lambda i: (i, 0)),
        pl.BlockSpec((_BQ, H), lambda i: (2 * _QB + i, 0)),
        pl.BlockSpec((_BQ, H), lambda i: (_QB + i, 0)),
        pl.BlockSpec((_BQ, H), lambda i: (3 * _QB + i, 0)),
        pl.BlockSpec((_BQ, 1), lambda i: (i, 0)),
        pl.BlockSpec((_BQ, 1), lambda i: (_QB + i, 0)),
        pl.BlockSpec((1, D), lambda i: (0, 0)),
        pl.BlockSpec((D, D), lambda i: (0, 0)),
        pl.BlockSpec((1, D), lambda i: (0, 0)),
        pl.BlockSpec((D, 1), lambda i: (0, 0)),
        pl.BlockSpec((1, 1), lambda i: (0, 0)),
    ],
    out_specs=pl.BlockSpec((_BQ, 1), lambda i: (i, 0)),
    out_shape=jax.ShapeDtypeStruct((Q, 1), jnp.float32),
)



def kernel(edge_index, edges, embedding, W1, b1, W2, b2, Wp1, bp1, Wp2, bp2):
    src = edge_index[0].astype(jnp.int32)
    dst = edge_index[1].astype(jnp.int32)
    e0 = edges[0].astype(jnp.int32)
    e1 = edges[1].astype(jnp.int32)

    pad = EP - E
    srcp = jnp.concatenate([src, jnp.zeros((pad,), jnp.int32)])
    srcflat = jnp.concatenate([2 * srcp, 2 * srcp + 1]).reshape(NC * NS, NCH, K)
    dstp = jnp.concatenate([dst, jnp.full((pad,), N, jnp.int32)])
    dst3 = dstp.reshape(NS, NCH, K)
    dstdeg = dstp.reshape(NC * NS, DCH, K)
    zeros_npad = jnp.zeros((NPAD,), jnp.float32)

    p = _deg_kernel(dstdeg, zeros_npad)
    p0 = p[:N].reshape(N, 1)
    p1 = p[NPAD:NPAD + N].reshape(N, 1)

    y31, y1a, y1b, dinv = _mm1(p0, p1, embedding, W1)
    z1 = _edge_scatter(y31.reshape(NC * N, H), y1a, y1b, srcflat, dst3)
    y32, y2a, y2b = _mm2(z1, z1, dinv, b1.reshape(1, D), W2)

    eidx = jnp.concatenate([e0, e1]).reshape(NS, _ECH, K)
    didx = jnp.concatenate([e0, e1]).reshape(NC * NS, _DGC, K)
    zg, dg = _edge_scatter_pred(y32.reshape(NC * N, H), y2a, y2b, srcflat,
                                dst3, dinv.reshape(N), eidx, didx)

    out = _pred(zg, zg, zg, zg, dg.reshape(2 * Q, 1), dg.reshape(2 * Q, 1),
                b2.reshape(1, D), Wp1, bp1.reshape(1, D), Wp2,
                bp2.reshape(1, 1))
    return out.reshape(Q)

# --- scband reference (transcript-rebuilt; emitter-appended) ---
"""Pipeline reference for scband-gcn-linear-23081154248743 (READ-ONLY COPY).

The authoritative reference and input builder live on the scoring server;
editing this copy changes nothing except your own understanding.
"""

import jax, jax.numpy as jnp
import numpy as np

N = 10000
E = 160000
Q = 8192
D = 256


def _xavier(key, shape):
    fan_in, fan_out = shape[0], shape[1]
    limit = np.sqrt(6.0 / (fan_in + fan_out))
    return jax.random.uniform(key, shape, dtype=jnp.float32, minval=-limit, maxval=limit)


def setup_inputs(seed: int = 0) -> dict:
    key = jax.random.key(seed)
    ks = jax.random.split(key, 12)
    edge_index = jax.random.randint(ks[0], (2, E), 0, N, dtype=jnp.int64)
    edges = jax.random.randint(ks[1], (2, Q), 0, N, dtype=jnp.int64)
    embedding = _xavier(ks[2], (N, D))
    W1 = _xavier(ks[3], (D, D))
    b1 = jnp.zeros((D,), dtype=jnp.float32)
    W2 = _xavier(ks[4], (D, D))
    b2 = jnp.zeros((D,), dtype=jnp.float32)
    Wp1 = _xavier(ks[5], (D, D))
    bp1 = jnp.zeros((D,), dtype=jnp.float32)
    Wp2 = _xavier(ks[6], (D, 1))
    bp2 = jnp.zeros((1,), dtype=jnp.float32)
    return {"edge_index": edge_index, "edges": edges, "embedding": embedding,
            "W1": W1, "b1": b1, "W2": W2, "b2": b2,
            "Wp1": Wp1, "bp1": bp1, "Wp2": Wp2, "bp2": bp2}


def _gcn_conv(x, W, b, src, dst, dinv):
    # GCNConv with symmetric normalization (self-loops already in src/dst)
    xw = x @ W
    norm = dinv[src] * dinv[dst]
    msg = jnp.take(xw, src, axis=0) * norm[:, None]
    out = jax.ops.segment_sum(msg, dst, num_segments=N)
    return out + b


def reference(edge_index, edges, embedding, W1, b1, W2, b2, Wp1, bp1, Wp2, bp2):
    loop = jnp.arange(N, dtype=edge_index.dtype)
    src = jnp.concatenate([edge_index[0], loop])
    dst = jnp.concatenate([edge_index[1], loop])
    deg = jax.ops.segment_sum(jnp.ones(src.shape[0], dtype=jnp.float32), dst, num_segments=N)
    dinv = jnp.where(deg > 0, jax.lax.rsqrt(jnp.maximum(deg, 1e-12)), 0.0)
    # GCN body (eval mode: dropout is identity)
    x = embedding
    x = _gcn_conv(x, W1, b1, src, dst, dinv)
    x = jax.nn.relu(x)
    x = _gcn_conv(x, W2, b2, src, dst, dinv)
    # LinkPredictor: hadamard of endpoint embeddings -> 2-layer MLP -> sigmoid
    h = jnp.take(x, edges[0], axis=0) * jnp.take(x, edges[1], axis=0)
    h = jax.nn.relu(h @ Wp1 + bp1)
    h = h @ Wp2 + bp2
    return jax.nn.sigmoid(h).squeeze(-1)

if __name__ == "__main__":
    import jax
    _d = setup_inputs()
    print(jax.jit(kernel)(*tuple(_d.values())))

</pallas_src>

<mosaic_0001>
#map = affine_map<(d0, d1) -> (0, 0)>
#map1 = affine_map<(d0, d1) -> (0, 0, 0)>
module attributes {stable_mosaic.version = 14 : i64} {
  func.func @_edge_scatter(%arg0: i32, %arg1: i32, %arg2: memref<20000x128xf32, #tpu.memory_space<hbm>>, %arg3: memref<10000x128xf32, #tpu.memory_space<hbm>>, %arg4: memref<10000x128xf32, #tpu.memory_space<hbm>>, %arg5: memref<32x80x128xi32, #tpu.memory_space<hbm>>, %arg6: memref<16x80x128xi32, #tpu.memory_space<hbm>>, %arg7: memref<20000x128xf32, #tpu.memory_space<hbm>>, %arg8: memref<40x128xi32, #tpu.memory_space<vmem>>, %arg9: memref<40x128xi32, #tpu.memory_space<vmem>>, %arg10: memref<128x128xf32, #tpu.memory_space<vmem>>, %arg11: memref<128x128xf32, #tpu.memory_space<vmem>>, %arg12: memref<10008x128xf32, #tpu.memory_space<vmem_shared>>, %arg13: memref<!tpu.dma_semaphore, #tpu.memory_space<semaphore_mem>>, %arg14: memref<!tpu.dma_semaphore, #tpu.memory_space<semaphore_mem>>) attributes {dimension_semantics = [#tpu.dimension_semantics<core_parallel>, #tpu.dimension_semantics<subcore_parallel>], iteration_bounds = array<i64: 2, 16>, scalar_prefetch = 0 : i64, scratch_operands = 7 : i64, tpu.core_type = #tpu.core_type<sc_vector_subcore>, window_params = [{transform_indices = #map}, {transform_indices = #map}, {transform_indices = #map}, {transform_indices = #map1}, {transform_indices = #map1}, {transform_indices = #map}]} {
    %mul3A = arith.constant 16 : i32
    %mul3A_0 = arith.muli %arg0, %mul3A : i32
    %add3A = arith.addi %mul3A_0, %arg1 : i32
    %mul3A_1 = arith.constant 624 : i32
    %mul3A_2 = arith.muli %arg1, %mul3A_1 : i32
    %eq3A = arith.constant 0 : i32
    %eq3A_3 = arith.cmpi eq, %arg0, %eq3A : i32
    %convert_element_type3A = arith.extui %eq3A_3 : i1 to i32
    %cond3A = arith.constant 0 : i32
    %cond3A_4 = arith.cmpi ne, %convert_element_type3A, %cond3A : i32
    scf.if %cond3A_4 {
      "tpu.region"() ({
        %run_scoped3A = tpu.sem_alloc : memref<!tpu.dma_semaphore, #tpu.memory_space<semaphore_mem>>
        %dma_start3A_48 = arith.constant 0 : i32
        %dma_start3A_49 = tpu.memref_slice %arg12[%mul3A_2, %dma_start3A_48] : memref<10008x128xf32, #tpu.memory_space<vmem_shared>> -> memref<624x128xf32, #tpu.memory_space<vmem_shared>>
        %dma_start3A_50 = arith.constant 0 : i32
        %dma_start3A_51 = tpu.memref_slice %arg3[%mul3A_2, %dma_start3A_50] : memref<10000x128xf32, #tpu.memory_space<hbm>> -> memref<624x128xf32, #tpu.memory_space<hbm>>
        tpu.enqueue_dma source(%dma_start3A_51 : memref<624x128xf32, #tpu.memory_space<hbm>>) target(%dma_start3A_49 : memref<624x128xf32, #tpu.memory_space<vmem_shared>>) target_semaphore(%run_scoped3A : memref<!tpu.dma_semaphore, #tpu.memory_space<semaphore_mem>>)
        %dma_wait3A = arith.constant 0 : i32
        %dma_wait3A_52 = tpu.memref_slice %arg12[%mul3A_2, %dma_wait3A] : memref<10008x128xf32, #tpu.memory_space<vmem_shared>> -> memref<624x128xf32, #tpu.memory_space<vmem_shared>>
        %dma_wait3A_53 = arith.constant 0 : i32
        %dma_wait3A_54 = tpu.memref_slice %arg3[%mul3A_2, %dma_wait3A_53] : memref<10000x128xf32, #tpu.memory_space<hbm>> -> memref<624x128xf32, #tpu.memory_space<hbm>>
        tpu.wait_dma2 semaphore(%run_scoped3A : memref<!tpu.dma_semaphore, #tpu.memory_space<semaphore_mem>>) src(%dma_wait3A_54 : memref<624x128xf32, #tpu.memory_space<hbm>>) dst(%dma_wait3A_52 : memref<624x128xf32, #tpu.memory_space<vmem_shared>>)
        tpu.yield
      }) : () -> ()
      %eq3A_43 = arith.constant 15 : i32
      %eq3A_44 = arith.cmpi eq, %arg1, %eq3A_43 : i32
      %convert_element_type3A_45 = arith.extui %eq3A_44 : i1 to i32
      %cond3A_46 = arith.constant 0 : i32
      %cond3A_47 = arith.cmpi ne, %convert_element_type3A_45, %cond3A_46 : i32
      scf.if %cond3A_47 {
        "tpu.region"() ({
          %run_scoped3A = tpu.sem_alloc : memref<!tpu.dma_semaphore, #tpu.memory_space<semaphore_mem>>
          %dma_start3A_48 = arith.constant 9984 : i32
          %dma_start3A_49 = arith.constant 0 : i32
          %dma_start3A_50 = tpu.memref_slice %arg12[%dma_start3A_48, %dma_start3A_49] : memref<10008x128xf32, #tpu.memory_space<vmem_shared>> -> memref<16x128xf32, #tpu.memory_space<vmem_shared>>
          %dma_start3A_51 = arith.constant 9984 : i32
          %dma_start3A_52 = arith.constant 0 : i32
          %dma_start3A_53 = tpu.memref_slice %arg3[%dma_start3A_51, %dma_start3A_52] : memref<10000x128xf32, #tpu.memory_space<hbm>> -> memref<16x128xf32, #tpu.memory_space<hbm>>
          tpu.enqueue_dma source(%dma_start3A_53 : memref<16x128xf32, #tpu.memory_space<hbm>>) target(%dma_start3A_50 : memref<16x128xf32, #tpu.memory_space<vmem_shared>>) target_semaphore(%run_scoped3A : memref<!tpu.dma_semaphore, #tpu.memory_space<semaphore_mem>>)
          %dma_wait3A = arith.constant 9984 : i32
          %dma_wait3A_54 = arith.constant 0 : i32
          %dma_wait3A_55 = tpu.memref_slice %arg12[%dma_wait3A, %dma_wait3A_54] : memref<10008x128xf32, #tpu.memory_space<vmem_shared>> -> memref<16x128xf32, #tpu.memory_space<vmem_shared>>
          %dma_wait3A_56 = arith.constant 9984 : i32
          %dma_wait3A_57 = arith.constant 0 : i32
          %dma_wait3A_58 = tpu.memref_slice %arg3[%dma_wait3A_56, %dma_wait3A_57] : memref<10000x128xf32, #tpu.memory_space<hbm>> -> memref<16x128xf32, #tpu.memory_space<hbm>>
          tpu.wait_dma2 semaphore(%run_scoped3A : memref<!tpu.dma_semaphore, #tpu.memory_space<semaphore_mem>>) src(%dma_wait3A_58 : memref<16x128xf32, #tpu.memory_space<hbm>>) dst(%dma_wait3A_55 : memref<16x128xf32, #tpu.memory_space<vmem_shared>>)
          tpu.yield
        }) : () -> ()
      } else {
      }
    } else {
    }
    %eq3A_5 = arith.constant 1 : i32
    %eq3A_6 = arith.cmpi eq, %arg0, %eq3A_5 : i32
    %convert_element_type3A_7 = arith.extui %eq3A_6 : i1 to i32
    %cond3A_8 = arith.constant 0 : i32
    %cond3A_9 = arith.cmpi ne, %convert_element_type3A_7, %cond3A_8 : i32
    scf.if %cond3A_9 {
      "tpu.region"() ({
        %run_scoped3A = tpu.sem_alloc : memref<!tpu.dma_semaphore, #tpu.memory_space<semaphore_mem>>
        %dma_start3A_48 = arith.constant 0 : i32
        %dma_start3A_49 = tpu.memref_slice %arg12[%mul3A_2, %dma_start3A_48] : memref<10008x128xf32, #tpu.memory_space<vmem_shared>> -> memref<624x128xf32, #tpu.memory_space<vmem_shared>>
        %dma_start3A_50 = arith.constant 0 : i32
        %dma_start3A_51 = tpu.memref_slice %arg4[%mul3A_2, %dma_start3A_50] : memref<10000x128xf32, #tpu.memory_space<hbm>> -> memref<624x128xf32, #tpu.memory_space<hbm>>
        tpu.enqueue_dma source(%dma_start3A_51 : memref<624x128xf32, #tpu.memory_space<hbm>>) target(%dma_start3A_49 : memref<624x128xf32, #tpu.memory_space<vmem_shared>>) target_semaphore(%run_scoped3A : memref<!tpu.dma_semaphore, #tpu.memory_space<semaphore_mem>>)
        %dma_wait3A = arith.constant 0 : i32
        %dma_wait3A_52 = tpu.memref_slice %arg12[%mul3A_2, %dma_wait3A] : memref<10008x128xf32, #tpu.memory_space<vmem_shared>> -> memref<624x128xf32, #tpu.memory_space<vmem_shared>>
        %dma_wait3A_53 = arith.constant 0 : i32
        %dma_wait3A_54 = tpu.memref_slice %arg4[%mul3A_2, %dma_wait3A_53] : memref<10000x128xf32, #tpu.memory_space<hbm>> -> memref<624x128xf32, #tpu.memory_space<hbm>>
        tpu.wait_dma2 semaphore(%run_scoped3A : memref<!tpu.dma_semaphore, #tpu.memory_space<semaphore_mem>>) src(%dma_wait3A_54 : memref<624x128xf32, #tpu.memory_space<hbm>>) dst(%dma_wait3A_52 : memref<624x128xf32, #tpu.memory_space<vmem_shared>>)
        tpu.yield
      }) : () -> ()
      %eq3A_43 = arith.constant 15 : i32
      %eq3A_44 = arith.cmpi eq, %arg1, %eq3A_43 : i32
      %convert_element_type3A_45 = arith.extui %eq3A_44 : i1 to i32
      %cond3A_46 = arith.constant 0 : i32
      %cond3A_47 = arith.cmpi ne, %convert_element_type3A_45, %cond3A_46 : i32
      scf.if %cond3A_47 {
        "tpu.region"() ({
          %run_scoped3A = tpu.sem_alloc : memref<!tpu.dma_semaphore, #tpu.memory_space<semaphore_mem>>
          %dma_start3A_48 = arith.constant 9984 : i32
          %dma_start3A_49 = arith.constant 0 : i32
          %dma_start3A_50 = tpu.memref_slice %arg12[%dma_start3A_48, %dma_start3A_49] : memref<10008x128xf32, #tpu.memory_space<vmem_shared>> -> memref<16x128xf32, #tpu.memory_space<vmem_shared>>
          %dma_start3A_51 = arith.constant 9984 : i32
          %dma_start3A_52 = arith.constant 0 : i32
          %dma_start3A_53 = tpu.memref_slice %arg4[%dma_start3A_51, %dma_start3A_52] : memref<10000x128xf32, #tpu.memory_space<hbm>> -> memref<16x128xf32, #tpu.memory_space<hbm>>
          tpu.enqueue_dma source(%dma_start3A_53 : memref<16x128xf32, #tpu.memory_space<hbm>>) target(%dma_start3A_50 : memref<16x128xf32, #tpu.memory_space<vmem_shared>>) target_semaphore(%run_scoped3A : memref<!tpu.dma_semaphore, #tpu.memory_space<semaphore_mem>>)
          %dma_wait3A = arith.constant 9984 : i32
          %dma_wait3A_54 = arith.constant 0 : i32
          %dma_wait3A_55 = tpu.memref_slice %arg12[%dma_wait3A, %dma_wait3A_54] : memref<10008x128xf32, #tpu.memory_space<vmem_shared>> -> memref<16x128xf32, #tpu.memory_space<vmem_shared>>
          %dma_wait3A_56 = arith.constant 9984 : i32
          %dma_wait3A_57 = arith.constant 0 : i32
          %dma_wait3A_58 = tpu.memref_slice %arg4[%dma_wait3A_56, %dma_wait3A_57] : memref<10000x128xf32, #tpu.memory_space<hbm>> -> memref<16x128xf32, #tpu.memory_space<hbm>>
          tpu.wait_dma2 semaphore(%run_scoped3A : memref<!tpu.dma_semaphore, #tpu.memory_space<semaphore_mem>>) src(%dma_wait3A_58 : memref<16x128xf32, #tpu.memory_space<hbm>>) dst(%dma_wait3A_55 : memref<16x128xf32, #tpu.memory_space<vmem_shared>>)
          tpu.yield
        }) : () -> ()
      } else {
      }
    } else {
    }
    %barrier3A = arith.constant 0 : index
    tpu.barrier barrier_id(%barrier3A)
    "tpu.region"() ({
      %run_scoped3A = tpu.sem_alloc : memref<!tpu.dma_semaphore, #tpu.memory_space<semaphore_mem>>
      %dma_start3A_43 = arith.constant 0 : i32
      %dma_start3A_44 = arith.constant 0 : i32
      %dma_start3A_45 = tpu.memref_slice %arg5[%add3A, %dma_start3A_43, %dma_start3A_44] : memref<32x80x128xi32, #tpu.memory_space<hbm>> -> memref<1x40x128xi32, #tpu.memory_space<hbm>>
      %dma_start3A_46 = tpu.memref_squeeze %dma_start3A_45 : memref<1x40x128xi32, #tpu.memory_space<hbm>> -> memref<40x128xi32, #tpu.memory_space<hbm>>
      %dma_start3A_47 = arith.constant 0 : i32
      %dma_start3A_48 = arith.constant 0 : i32
      %dma_start3A_49 = tpu.memref_slice %arg5[%add3A, %dma_start3A_47, %dma_start3A_48] : memref<32x80x128xi32, #tpu.memory_space<hbm>> -> memref<1x40x128xi32, #tpu.memory_space<hbm>>
      %dma_start3A_50 = tpu.memref_squeeze %dma_start3A_49 : memref<1x40x128xi32, #tpu.memory_space<hbm>> -> memref<40x128xi32, #tpu.memory_space<hbm>>
      tpu.enqueue_dma source(%dma_start3A_50 : memref<40x128xi32, #tpu.memory_space<hbm>>) target(%arg8 : memref<40x128xi32, #tpu.memory_space<vmem>>) target_semaphore(%run_scoped3A : memref<!tpu.dma_semaphore, #tpu.memory_space<semaphore_mem>>)
      %dma_wait3A = arith.constant 0 : i32
      %dma_wait3A_51 = arith.constant 0 : i32
      %dma_wait3A_52 = tpu.memref_slice %arg5[%add3A, %dma_wait3A, %dma_wait3A_51] : memref<32x80x128xi32, #tpu.memory_space<hbm>> -> memref<1x40x128xi32, #tpu.memory_space<hbm>>
      %dma_wait3A_53 = tpu.memref_squeeze %dma_wait3A_52 : memref<1x40x128xi32, #tpu.memory_space<hbm>> -> memref<40x128xi32, #tpu.memory_space<hbm>>
      %dma_wait3A_54 = arith.constant 0 : i32
      %dma_wait3A_55 = arith.constant 0 : i32
      %dma_wait3A_56 = tpu.memref_slice %arg5[%add3A, %dma_wait3A_54, %dma_wait3A_55] : memref<32x80x128xi32, #tpu.memory_space<hbm>> -> memref<1x40x128xi32, #tpu.memory_space<hbm>>
      %dma_wait3A_57 = tpu.memref_squeeze %dma_wait3A_56 : memref<1x40x128xi32, #tpu.memory_space<hbm>> -> memref<40x128xi32, #tpu.memory_space<hbm>>
      tpu.wait_dma2 semaphore(%run_scoped3A : memref<!tpu.dma_semaphore, #tpu.memory_space<semaphore_mem>>) src(%dma_wait3A_57 : memref<40x128xi32, #tpu.memory_space<hbm>>) dst(%arg8 : memref<40x128xi32, #tpu.memory_space<vmem>>)
      tpu.yield
    }) : () -> ()
    "tpu.region"() ({
      %run_scoped3A = tpu.sem_alloc : memref<!tpu.dma_semaphore, #tpu.memory_space<semaphore_mem>>
      %dma_start3A_43 = arith.constant 0 : i32
      %dma_start3A_44 = arith.constant 0 : i32
      %dma_start3A_45 = tpu.memref_slice %arg6[%arg1, %dma_start3A_43, %dma_start3A_44] : memref<16x80x128xi32, #tpu.memory_space<hbm>> -> memref<1x40x128xi32, #tpu.memory_space<hbm>>
      %dma_start3A_46 = tpu.memref_squeeze %dma_start3A_45 : memref<1x40x128xi32, #tpu.memory_space<hbm>> -> memref<40x128xi32, #tpu.memory_space<hbm>>
      %dma_start3A_47 = arith.constant 0 : i32
      %dma_start3A_48 = arith.constant 0 : i32
      %dma_start3A_49 = tpu.memref_slice %arg6[%arg1, %dma_start3A_47, %dma_start3A_48] : memref<16x80x128xi32, #tpu.memory_space<hbm>> -> memref<1x40x128xi32, #tpu.memory_space<hbm>>
      %dma_start3A_50 = tpu.memref_squeeze %dma_start3A_49 : memref<1x40x128xi32, #tpu.memory_space<hbm>> -> memref<40x128xi32, #tpu.memory_space<hbm>>
      tpu.enqueue_dma source(%dma_start3A_50 : memref<40x128xi32, #tpu.memory_space<hbm>>) target(%arg9 : memref<40x128xi32, #tpu.memory_space<vmem>>) target_semaphore(%run_scoped3A : memref<!tpu.dma_semaphore, #tpu.memory_space<semaphore_mem>>)
      %dma_wait3A = arith.constant 0 : i32
      %dma_wait3A_51 = arith.constant 0 : i32
      %dma_wait3A_52 = tpu.memref_slice %arg6[%arg1, %dma_wait3A, %dma_wait3A_51] : memref<16x80x128xi32, #tpu.memory_space<hbm>> -> memref<1x40x128xi32, #tpu.memory_space<hbm>>
      %dma_wait3A_53 = tpu.memref_squeeze %dma_wait3A_52 : memref<1x40x128xi32, #tpu.memory_space<hbm>> -> memref<40x128xi32, #tpu.memory_space<hbm>>
      %dma_wait3A_54 = arith.constant 0 : i32
      %dma_wait3A_55 = arith.constant 0 : i32
      %dma_wait3A_56 = tpu.memref_slice %arg6[%arg1, %dma_wait3A_54, %dma_wait3A_55] : memref<16x80x128xi32, #tpu.memory_space<hbm>> -> memref<1x40x128xi32, #tpu.memory_space<hbm>>
      %dma_wait3A_57 = tpu.memref_squeeze %dma_wait3A_56 : memref<1x40x128xi32, #tpu.memory_space<hbm>> -> memref<40x128xi32, #tpu.memory_space<hbm>>
      tpu.wait_dma2 semaphore(%run_scoped3A : memref<!tpu.dma_semaphore, #tpu.memory_space<semaphore_mem>>) src(%dma_wait3A_57 : memref<40x128xi32, #tpu.memory_space<hbm>>) dst(%arg9 : memref<40x128xi32, #tpu.memory_space<vmem>>)
      tpu.yield
    }) : () -> ()
    %dma_start3A = arith.constant 0 : i32
    %dma_start3A_10 = arith.constant 0 : i32
    %dma_start3A_11 = tpu.memref_slice %arg8[%dma_start3A, %dma_start3A_10] : memref<40x128xi32, #tpu.memory_space<vmem>> -> memref<1x128xi32, #tpu.memory_space<vmem>>
    %dma_start3A_12 = tpu.memref_squeeze %dma_start3A_11 : memref<1x128xi32, #tpu.memory_space<vmem>> -> memref<128xi32, #tpu.memory_space<vmem>>
    %dma_start3A_13 = arith.constant 0 : i32
    %dma_start3A_14 = arith.constant 0 : i32
    %dma_start3A_15 = tpu.memref_slice %arg2[%dma_start3A_13, %dma_start3A_14] : memref<20000x128xf32, #tpu.memory_space<hbm>> -> memref<20000x128xf32, #tpu.memory_space<hbm>>
    tpu.enqueue_indirect_dma source(%dma_start3A_15 : memref<20000x128xf32, #tpu.memory_space<hbm>>) target(%arg10 : memref<128x128xf32, #tpu.memory_space<vmem>>) offsets(%dma_start3A_12 : memref<128xi32, #tpu.memory_space<vmem>>) semaphore(%arg13 : memref<!tpu.dma_semaphore, #tpu.memory_space<semaphore_mem>>)
    %scan3A = arith.constant 0 : i32
    %scan3A_16 = arith.constant 0 : i32
    %scan3A_17 = arith.constant 20 : i32
    %scan3A_18 = arith.addi %scan3A_16, %scan3A_17 : i32
    %scan3A_19 = arith.constant 1 : i32
    scf.for %scan3A_43 = %scan3A_16 to %scan3A_18 step %scan3A_19  : i32 {
      %mul3A_44 = arith.constant 2 : i32
      %mul3A_45 = arith.muli %mul3A_44, %scan3A_43 : i32
      %add3A_46 = arith.constant 1 : i32
      %add3A_47 = arith.addi %mul3A_45, %add3A_46 : i32
      %dma_start3A_48 = arith.constant 0 : i32
      %dma_start3A_49 = tpu.memref_slice %arg8[%add3A_47, %dma_start3A_48] : memref<40x128xi32, #tpu.memory_space<vmem>> -> memref<1x128xi32, #tpu.memory_space<vmem>>
      %dma_start3A_50 = tpu.memref_squeeze %dma_start3A_49 : memref<1x128xi32, #tpu.memory_space<vmem>> -> memref<128xi32, #tpu.memory_space<vmem>>
      %dma_start3A_51 = arith.constant 0 : i32
      %dma_start3A_52 = arith.constant 0 : i32
      %dma_start3A_53 = tpu.memref_slice %arg2[%dma_start3A_51, %dma_start3A_52] : memref<20000x128xf32, #tpu.memory_space<hbm>> -> memref<20000x128xf32, #tpu.memory_space<hbm>>
      tpu.enqueue_indirect_dma source(%dma_start3A_53 : memref<20000x128xf32, #tpu.memory_space<hbm>>) target(%arg11 : memref<128x128xf32, #tpu.memory_space<vmem>>) offsets(%dma_start3A_50 : memref<128xi32, #tpu.memory_space<vmem>>) semaphore(%arg14 : memref<!tpu.dma_semaphore, #tpu.memory_space<semaphore_mem>>)
      %dma_wait3A = arith.constant 0 : i32
      %dma_wait3A_54 = tpu.memref_slice %arg8[%mul3A_45, %dma_wait3A] : memref<40x128xi32, #tpu.memory_space<vmem>> -> memref<1x128xi32, #tpu.memory_space<vmem>>
      %dma_wait3A_55 = tpu.memref_squeeze %dma_wait3A_54 : memref<1x128xi32, #tpu.memory_space<vmem>> -> memref<128xi32, #tpu.memory_space<vmem>>
      %dma_wait3A_56 = arith.constant 0 : i32
      %dma_wait3A_57 = arith.constant 0 : i32
      %dma_wait3A_58 = tpu.memref_slice %arg2[%dma_wait3A_56, %dma_wait3A_57] : memref<20000x128xf32, #tpu.memory_space<hbm>> -> memref<20000x128xf32, #tpu.memory_space<hbm>>
      tpu.wait_indirect_dma semaphore(%arg13 : memref<!tpu.dma_semaphore, #tpu.memory_space<semaphore_mem>>) src(%dma_wait3A_58 : memref<20000x128xf32, #tpu.memory_space<hbm>>) dst(%arg10 : memref<128x128xf32, #tpu.memory_space<vmem>>)
      "tpu.region"() ({
        %run_scoped3A = tpu.sem_alloc : memref<!tpu.dma_semaphore, #tpu.memory_space<semaphore_mem>>
        %dma_start3A_75 = arith.constant 0 : i32
        %dma_start3A_76 = tpu.memref_slice %arg9[%mul3A_45, %dma_start3A_75] : memref<40x128xi32, #tpu.memory_space<vmem>> -> memref<1x128xi32, #tpu.memory_space<vmem>>
        %dma_start3A_77 = tpu.memref_squeeze %dma_start3A_76 : memref<1x128xi32, #tpu.memory_space<vmem>> -> memref<128xi32, #tpu.memory_space<vmem>>
        %dma_start3A_78 = arith.constant 0 : i32
        %dma_start3A_79 = arith.constant 0 : i32
        %dma_start3A_80 = tpu.memref_slice %arg12[%dma_start3A_78, %dma_start3A_79] : memref<10008x128xf32, #tpu.memory_space<vmem_shared>> -> memref<10008x128xf32, #tpu.memory_space<vmem_shared>>
        tpu.enqueue_indirect_dma source(%arg10 : memref<128x128xf32, #tpu.memory_space<vmem>>) target(%dma_start3A_80 : memref<10008x128xf32, #tpu.memory_space<vmem_shared>>) offsets(%dma_start3A_77 : memref<128xi32, #tpu.memory_space<vmem>>) semaphore(%run_scoped3A : memref<!tpu.dma_semaphore, #tpu.memory_space<semaphore_mem>>) {add = true}
        %dma_wait3A_81 = arith.constant 0 : i32
        %dma_wait3A_82 = tpu.memref_slice %arg9[%mul3A_45, %dma_wait3A_81] : memref<40x128xi32, #tpu.memory_space<vmem>> -> memref<1x128xi32, #tpu.memory_space<vmem>>
        %dma_wait3A_83 = tpu.memref_squeeze %dma_wait3A_82 : memref<1x128xi32, #tpu.memory_space<vmem>> -> memref<128xi32, #tpu.memory_space<vmem>>
        %dma_wait3A_84 = arith.constant 0 : i32
        %dma_wait3A_85 = arith.constant 0 : i32
        %dma_wait3A_86 = tpu.memref_slice %arg12[%dma_wait3A_84, %dma_wait3A_85] : memref<10008x128xf32, #tpu.memory_space<vmem_shared>> -> memref<10008x128xf32, #tpu.memory_space<vmem_shared>>
        tpu.wait_indirect_dma semaphore(%run_scoped3A : memref<!tpu.dma_semaphore, #tpu.memory_space<semaphore_mem>>) src(%arg10 : memref<128x128xf32, #tpu.memory_space<vmem>>) dst(%dma_wait3A_86 : memref<10008x128xf32, #tpu.memory_space<vmem_shared>>)
        tpu.yield
      }) : () -> ()
      %add3A_59 = arith.constant 2 : i32
      %add3A_60 = arith.addi %mul3A_45, %add3A_59 : i32
      %lt3A = arith.constant 40 : i32
      %lt3A_61 = arith.cmpi slt, %add3A_60, %lt3A : i32
      %convert_element_type3A_62 = arith.extui %lt3A_61 : i1 to i32
      %cond3A_63 = arith.constant 0 : i32
      %cond3A_64 = arith.cmpi ne, %convert_element_type3A_62, %cond3A_63 : i32
      scf.if %cond3A_64 {
        %add3A_75 = arith.constant 2 : i32
        %add3A_76 = arith.addi %mul3A_45, %add3A_75 : i32
        %dma_start3A_77 = arith.constant 0 : i32
        %dma_start3A_78 = tpu.memref_slice %arg8[%add3A_76, %dma_start3A_77] : memref<40x128xi32, #tpu.memory_space<vmem>> -> memref<1x128xi32, #tpu.memory_space<vmem>>
        %dma_start3A_79 = tpu.memref_squeeze %dma_start3A_78 : memref<1x128xi32, #tpu.memory_space<vmem>> -> memref<128xi32, #tpu.memory_space<vmem>>
        %dma_start3A_80 = arith.constant 0 : i32
        %dma_start3A_81 = arith.constant 0 : i32
        %dma_start3A_82 = tpu.memref_slice %arg2[%dma_start3A_80, %dma_start3A_81] : memref<20000x128xf32, #tpu.memory_space<hbm>> -> memref<20000x128xf32, #tpu.memory_space<hbm>>
        tpu.enqueue_indirect_dma source(%dma_start3A_82 : memref<20000x128xf32, #tpu.memory_space<hbm>>) target(%arg10 : memref<128x128xf32, #tpu.memory_space<vmem>>) offsets(%dma_start3A_79 : memref<128xi32, #tpu.memory_space<vmem>>) semaphore(%arg13 : memref<!tpu.dma_semaphore, #tpu.memory_space<semaphore_mem>>)
      } else {
      }
      %add3A_65 = arith.constant 1 : i32
      %add3A_66 = arith.addi %mul3A_45, %add3A_65 : i32
      %dma_wait3A_67 = arith.constant 0 : i32
      %dma_wait3A_68 = tpu.memref_slice %arg8[%add3A_66, %dma_wait3A_67] : memref<40x128xi32, #tpu.memory_space<vmem>> -> memref<1x128xi32, #tpu.memory_space<vmem>>
      %dma_wait3A_69 = tpu.memref_squeeze %dma_wait3A_68 : memref<1x128xi32, #tpu.memory_space<vmem>> -> memref<128xi32, #tpu.memory_space<vmem>>
      %dma_wait3A_70 = arith.constant 0 : i32
      %dma_wait3A_71 = arith.constant 0 : i32
      %dma_wait3A_72 = tpu.memref_slice %arg2[%dma_wait3A_70, %dma_wait3A_71] : memref<20000x128xf32, #tpu.memory_space<hbm>> -> memref<20000x128xf32, #tpu.memory_space<hbm>>
      tpu.wait_indirect_dma semaphore(%arg14 : memref<!tpu.dma_semaphore, #tpu.memory_space<semaphore_mem>>) src(%dma_wait3A_72 : memref<20000x128xf32, #tpu.memory_space<hbm>>) dst(%arg11 : memref<128x128xf32, #tpu.memory_space<vmem>>)
      %add3A_73 = arith.constant 1 : i32
      %add3A_74 = arith.addi %mul3A_45, %add3A_73 : i32
      "tpu.region"() ({
        %run_scoped3A = tpu.sem_alloc : memref<!tpu.dma_semaphore, #tpu.memory_space<semaphore_mem>>
        %dma_start3A_75 = arith.constant 0 : i32
        %dma_start3A_76 = tpu.memref_slice %arg9[%add3A_74, %dma_start3A_75] : memref<40x128xi32, #tpu.memory_space<vmem>> -> memref<1x128xi32, #tpu.memory_space<vmem>>
        %dma_start3A_77 = tpu.memref_squeeze %dma_start3A_76 : memref<1x128xi32, #tpu.memory_space<vmem>> -> memref<128xi32, #tpu.memory_space<vmem>>
        %dma_start3A_78 = arith.constant 0 : i32
        %dma_start3A_79 = arith.constant 0 : i32
        %dma_start3A_80 = tpu.memref_slice %arg12[%dma_start3A_78, %dma_start3A_79] : memref<10008x128xf32, #tpu.memory_space<vmem_shared>> -> memref<10008x128xf32, #tpu.memory_space<vmem_shared>>
        tpu.enqueue_indirect_dma source(%arg11 : memref<128x128xf32, #tpu.memory_space<vmem>>) target(%dma_start3A_80 : memref<10008x128xf32, #tpu.memory_space<vmem_shared>>) offsets(%dma_start3A_77 : memref<128xi32, #tpu.memory_space<vmem>>) semaphore(%run_scoped3A : memref<!tpu.dma_semaphore, #tpu.memory_space<semaphore_mem>>) {add = true}
        %dma_wait3A_81 = arith.constant 0 : i32
        %dma_wait3A_82 = tpu.memref_slice %arg9[%add3A_74, %dma_wait3A_81] : memref<40x128xi32, #tpu.memory_space<vmem>> -> memref<1x128xi32, #tpu.memory_space<vmem>>
        %dma_wait3A_83 = tpu.memref_squeeze %dma_wait3A_82 : memref<1x128xi32, #tpu.memory_space<vmem>> -> memref<128xi32, #tpu.memory_space<vmem>>
        %dma_wait3A_84 = arith.constant 0 : i32
        %dma_wait3A_85 = arith.constant 0 : i32
        %dma_wait3A_86 = tpu.memref_slice %arg12[%dma_wait3A_84, %dma_wait3A_85] : memref<10008x128xf32, #tpu.memory_space<vmem_shared>> -> memref<10008x128xf32, #tpu.memory_space<vmem_shared>>
        tpu.wait_indirect_dma semaphore(%run_scoped3A : memref<!tpu.dma_semaphore, #tpu.memory_space<semaphore_mem>>) src(%arg11 : memref<128x128xf32, #tpu.memory_space<vmem>>) dst(%dma_wait3A_86 : memref<10008x128xf32, #tpu.memory_space<vmem_shared>>)
        tpu.yield
      }) : () -> ()
    }
    %scan3A_20 = arith.constant 20 : i32
    "tpu.region"() ({
      %run_scoped3A = tpu.sem_alloc : memref<!tpu.dma_semaphore, #tpu.memory_space<semaphore_mem>>
      %dma_start3A_43 = arith.constant 40 : i32
      %dma_start3A_44 = arith.constant 0 : i32
      %dma_start3A_45 = tpu.memref_slice %arg5[%add3A, %dma_start3A_43, %dma_start3A_44] : memref<32x80x128xi32, #tpu.memory_space<hbm>> -> memref<1x40x128xi32, #tpu.memory_space<hbm>>
      %dma_start3A_46 = tpu.memref_squeeze %dma_start3A_45 : memref<1x40x128xi32, #tpu.memory_space<hbm>> -> memref<40x128xi32, #tpu.memory_space<hbm>>
      %dma_start3A_47 = arith.constant 40 : i32
      %dma_start3A_48 = arith.constant 0 : i32
      %dma_start3A_49 = tpu.memref_slice %arg5[%add3A, %dma_start3A_47, %dma_start3A_48] : memref<32x80x128xi32, #tpu.memory_space<hbm>> -> memref<1x40x128xi32, #tpu.memory_space<hbm>>
      %dma_start3A_50 = tpu.memref_squeeze %dma_start3A_49 : memref<1x40x128xi32, #tpu.memory_space<hbm>> -> memref<40x128xi32, #tpu.memory_space<hbm>>
      tpu.enqueue_dma source(%dma_start3A_50 : memref<40x128xi32, #tpu.memory_space<hbm>>) target(%arg8 : memref<40x128xi32, #tpu.memory_space<vmem>>) target_semaphore(%run_scoped3A : memref<!tpu.dma_semaphore, #tpu.memory_space<semaphore_mem>>)
      %dma_wait3A = arith.constant 40 : i32
      %dma_wait3A_51 = arith.constant 0 : i32
      %dma_wait3A_52 = tpu.memref_slice %arg5[%add3A, %dma_wait3A, %dma_wait3A_51] : memref<32x80x128xi32, #tpu.memory_space<hbm>> -> memref<1x40x128xi32, #tpu.memory_space<hbm>>
      %dma_wait3A_53 = tpu.memref_squeeze %dma_wait3A_52 : memref<1x40x128xi32, #tpu.memory_space<hbm>> -> memref<40x128xi32, #tpu.memory_space<hbm>>
      %dma_wait3A_54 = arith.constant 40 : i32
      %dma_wait3A_55 = arith.constant 0 : i32
      %dma_wait3A_56 = tpu.memref_slice %arg5[%add3A, %dma_wait3A_54, %dma_wait3A_55] : memref<32x80x128xi32, #tpu.memory_space<hbm>> -> memref<1x40x128xi32, #tpu.memory_space<hbm>>
      %dma_wait3A_57 = tpu.memref_squeeze %dma_wait3A_56 : memref<1x40x128xi32, #tpu.memory_space<hbm>> -> memref<40x128xi32, #tpu.memory_space<hbm>>
      tpu.wait_dma2 semaphore(%run_scoped3A : memref<!tpu.dma_semaphore, #tpu.memory_space<semaphore_mem>>) src(%dma_wait3A_57 : memref<40x128xi32, #tpu.memory_space<hbm>>) dst(%arg8 : memref<40x128xi32, #tpu.memory_space<vmem>>)
      tpu.yield
    }) : () -> ()
    "tpu.region"() ({
      %run_scoped3A = tpu.sem_alloc : memref<!tpu.dma_semaphore, #tpu.memory_space<semaphore_mem>>
      %dma_start3A_43 = arith.constant 40 : i32
      %dma_start3A_44 = arith.constant 0 : i32
      %dma_start3A_45 = tpu.memref_slice %arg6[%arg1, %dma_start3A_43, %dma_start3A_44] : memref<16x80x128xi32, #tpu.memory_space<hbm>> -> memref<1x40x128xi32, #tpu.memory_space<hbm>>
      %dma_start3A_46 = tpu.memref_squeeze %dma_start3A_45 : memref<1x40x128xi32, #tpu.memory_space<hbm>> -> memref<40x128xi32, #tpu.memory_space<hbm>>
      %dma_start3A_47 = arith.constant 40 : i32
      %dma_start3A_48 = arith.constant 0 : i32
      %dma_start3A_49 = tpu.memref_slice %arg6[%arg1, %dma_start3A_47, %dma_start3A_48] : memref<16x80x128xi32, #tpu.memory_space<hbm>> -> memref<1x40x128xi32, #tpu.memory_space<hbm>>
      %dma_start3A_50 = tpu.memref_squeeze %dma_start3A_49 : memref<1x40x128xi32, #tpu.memory_space<hbm>> -> memref<40x128xi32, #tpu.memory_space<hbm>>
      tpu.enqueue_dma source(%dma_start3A_50 : memref<40x128xi32, #tpu.memory_space<hbm>>) target(%arg9 : memref<40x128xi32, #tpu.memory_space<vmem>>) target_semaphore(%run_scoped3A : memref<!tpu.dma_semaphore, #tpu.memory_space<semaphore_mem>>)
      %dma_wait3A = arith.constant 40 : i32
      %dma_wait3A_51 = arith.constant 0 : i32
      %dma_wait3A_52 = tpu.memref_slice %arg6[%arg1, %dma_wait3A, %dma_wait3A_51] : memref<16x80x128xi32, #tpu.memory_space<hbm>> -> memref<1x40x128xi32, #tpu.memory_space<hbm>>
      %dma_wait3A_53 = tpu.memref_squeeze %dma_wait3A_52 : memref<1x40x128xi32, #tpu.memory_space<hbm>> -> memref<40x128xi32, #tpu.memory_space<hbm>>
      %dma_wait3A_54 = arith.constant 40 : i32
      %dma_wait3A_55 = arith.constant 0 : i32
      %dma_wait3A_56 = tpu.memref_slice %arg6[%arg1, %dma_wait3A_54, %dma_wait3A_55] : memref<16x80x128xi32, #tpu.memory_space<hbm>> -> memref<1x40x128xi32, #tpu.memory_space<hbm>>
      %dma_wait3A_57 = tpu.memref_squeeze %dma_wait3A_56 : memref<1x40x128xi32, #tpu.memory_space<hbm>> -> memref<40x128xi32, #tpu.memory_space<hbm>>
      tpu.wait_dma2 semaphore(%run_scoped3A : memref<!tpu.dma_semaphore, #tpu.memory_space<semaphore_mem>>) src(%dma_wait3A_57 : memref<40x128xi32, #tpu.memory_space<hbm>>) dst(%arg9 : memref<40x128xi32, #tpu.memory_space<vmem>>)
      tpu.yield
    }) : () -> ()
    %dma_start3A_21 = arith.constant 0 : i32
    %dma_start3A_22 = arith.constant 0 : i32
    %dma_start3A_23 = tpu.memref_slice %arg8[%dma_start3A_21, %dma_start3A_22] : memref<40x128xi32, #tpu.memory_space<vmem>> -> memref<1x128xi32, #tpu.memory_space<vmem>>
    %dma_start3A_24 = tpu.memref_squeeze %dma_start3A_23 : memref<1x128xi32, #tpu.memory_space<vmem>> -> memref<128xi32, #tpu.memory_space<vmem>>
    %dma_start3A_25 = arith.constant 0 : i32
    %dma_start3A_26 = arith.constant 0 : i32
    %dma_start3A_27 = tpu.memref_slice %arg2[%dma_start3A_25, %dma_start3A_26] : memref<20000x128xf32, #tpu.memory_space<hbm>> -> memref<20000x128xf32, #tpu.memory_space<hbm>>
    tpu.enqueue_indirect_dma source(%dma_start3A_27 : memref<20000x128xf32, #tpu.memory_space<hbm>>) target(%arg10 : memref<128x128xf32, #tpu.memory_space<vmem>>) offsets(%dma_start3A_24 : memref<128xi32, #tpu.memory_space<vmem>>) semaphore(%arg13 : memref<!tpu.dma_semaphore, #tpu.memory_space<semaphore_mem>>)
    %scan3A_28 = arith.constant 0 : i32
    %scan3A_29 = arith.constant 0 : i32
    %scan3A_30 = arith.constant 20 : i32
    %scan3A_31 = arith.addi %scan3A_29, %scan3A_30 : i32
    %scan3A_32 = arith.constant 1 : i32
    scf.for %scan3A_43 = %scan3A_29 to %scan3A_31 step %scan3A_32  : i32 {
      %mul3A_44 = arith.constant 2 : i32
      %mul3A_45 = arith.muli %mul3A_44, %scan3A_43 : i32
      %add3A_46 = arith.constant 1 : i32
      %add3A_47 = arith.addi %mul3A_45, %add3A_46 : i32
      %dma_start3A_48 = arith.constant 0 : i32
      %dma_start3A_49 = tpu.memref_slice %arg8[%add3A_47, %dma_start3A_48] : memref<40x128xi32, #tpu.memory_space<vmem>> -> memref<1x128xi32, #tpu.memory_space<vmem>>
      %dma_start3A_50 = tpu.memref_squeeze %dma_start3A_49 : memref<1x128xi32, #tpu.memory_space<vmem>> -> memref<128xi32, #tpu.memory_space<vmem>>
      %dma_start3A_51 = arith.constant 0 : i32
      %dma_start3A_52 = arith.constant 0 : i32
      %dma_start3A_53 = tpu.memref_slice %arg2[%dma_start3A_51, %dma_start3A_52] : memref<20000x128xf32, #tpu.memory_space<hbm>> -> memref<20000x128xf32, #tpu.memory_space<hbm>>
      tpu.enqueue_indirect_dma source(%dma_start3A_53 : memref<20000x128xf32, #tpu.memory_space<hbm>>) target(%arg11 : memref<128x128xf32, #tpu.memory_space<vmem>>) offsets(%dma_start3A_50 : memref<128xi32, #tpu.memory_space<vmem>>) semaphore(%arg14 : memref<!tpu.dma_semaphore, #tpu.memory_space<semaphore_mem>>)
      %dma_wait3A = arith.constant 0 : i32
      %dma_wait3A_54 = tpu.memref_slice %arg8[%mul3A_45, %dma_wait3A] : memref<40x128xi32, #tpu.memory_space<vmem>> -> memref<1x128xi32, #tpu.memory_space<vmem>>
      %dma_wait3A_55 = tpu.memref_squeeze %dma_wait3A_54 : memref<1x128xi32, #tpu.memory_space<vmem>> -> memref<128xi32, #tpu.memory_space<vmem>>
      %dma_wait3A_56 = arith.constant 0 : i32
      %dma_wait3A_57 = arith.constant 0 : i32
      %dma_wait3A_58 = tpu.memref_slice %arg2[%dma_wait3A_56, %dma_wait3A_57] : memref<20000x128xf32, #tpu.memory_space<hbm>> -> memref<20000x128xf32, #tpu.memory_space<hbm>>
      tpu.wait_indirect_dma semaphore(%arg13 : memref<!tpu.dma_semaphore, #tpu.memory_space<semaphore_mem>>) src(%dma_wait3A_58 : memref<20000x128xf32, #tpu.memory_space<hbm>>) dst(%arg10 : memref<128x128xf32, #tpu.memory_space<vmem>>)
      "tpu.region"() ({
        %run_scoped3A = tpu.sem_alloc : memref<!tpu.dma_semaphore, #tpu.memory_space<semaphore_mem>>
        %dma_start3A_75 = arith.constant 0 : i32
        %dma_start3A_76 = tpu.memref_slice %arg9[%mul3A_45, %dma_start3A_75] : memref<40x128xi32, #tpu.memory_space<vmem>> -> memref<1x128xi32, #tpu.memory_space<vmem>>
        %dma_start3A_77 = tpu.memref_squeeze %dma_start3A_76 : memref<1x128xi32, #tpu.memory_space<vmem>> -> memref<128xi32, #tpu.memory_space<vmem>>
        %dma_start3A_78 = arith.constant 0 : i32
        %dma_start3A_79 = arith.constant 0 : i32
        %dma_start3A_80 = tpu.memref_slice %arg12[%dma_start3A_78, %dma_start3A_79] : memref<10008x128xf32, #tpu.memory_space<vmem_shared>> -> memref<10008x128xf32, #tpu.memory_space<vmem_shared>>
        tpu.enqueue_indirect_dma source(%arg10 : memref<128x128xf32, #tpu.memory_space<vmem>>) target(%dma_start3A_80 : memref<10008x128xf32, #tpu.memory_space<vmem_shared>>) offsets(%dma_start3A_77 : memref<128xi32, #tpu.memory_space<vmem>>) semaphore(%run_scoped3A : memref<!tpu.dma_semaphore, #tpu.memory_space<semaphore_mem>>) {add = true}
        %dma_wait3A_81 = arith.constant 0 : i32
        %dma_wait3A_82 = tpu.memref_slice %arg9[%mul3A_45, %dma_wait3A_81] : memref<40x128xi32, #tpu.memory_space<vmem>> -> memref<1x128xi32, #tpu.memory_space<vmem>>
        %dma_wait3A_83 = tpu.memref_squeeze %dma_wait3A_82 : memref<1x128xi32, #tpu.memory_space<vmem>> -> memref<128xi32, #tpu.memory_space<vmem>>
        %dma_wait3A_84 = arith.constant 0 : i32
        %dma_wait3A_85 = arith.constant 0 : i32
        %dma_wait3A_86 = tpu.memref_slice %arg12[%dma_wait3A_84, %dma_wait3A_85] : memref<10008x128xf32, #tpu.memory_space<vmem_shared>> -> memref<10008x128xf32, #tpu.memory_space<vmem_shared>>
        tpu.wait_indirect_dma semaphore(%run_scoped3A : memref<!tpu.dma_semaphore, #tpu.memory_space<semaphore_mem>>) src(%arg10 : memref<128x128xf32, #tpu.memory_space<vmem>>) dst(%dma_wait3A_86 : memref<10008x128xf32, #tpu.memory_space<vmem_shared>>)
        tpu.yield
      }) : () -> ()
      %add3A_59 = arith.constant 2 : i32
      %add3A_60 = arith.addi %mul3A_45, %add3A_59 : i32
      %lt3A = arith.constant 40 : i32
      %lt3A_61 = arith.cmpi slt, %add3A_60, %lt3A : i32
      %convert_element_type3A_62 = arith.extui %lt3A_61 : i1 to i32
      %cond3A_63 = arith.constant 0 : i32
      %cond3A_64 = arith.cmpi ne, %convert_element_type3A_62, %cond3A_63 : i32
      scf.if %cond3A_64 {
        %add3A_75 = arith.constant 2 : i32
        %add3A_76 = arith.addi %mul3A_45, %add3A_75 : i32
        %dma_start3A_77 = arith.constant 0 : i32
        %dma_start3A_78 = tpu.memref_slice %arg8[%add3A_76, %dma_start3A_77] : memref<40x128xi32, #tpu.memory_space<vmem>> -> memref<1x128xi32, #tpu.memory_space<vmem>>
        %dma_start3A_79 = tpu.memref_squeeze %dma_start3A_78 : memref<1x128xi32, #tpu.memory_space<vmem>> -> memref<128xi32, #tpu.memory_space<vmem>>
        %dma_start3A_80 = arith.constant 0 : i32
        %dma_start3A_81 = arith.constant 0 : i32
        %dma_start3A_82 = tpu.memref_slice %arg2[%dma_start3A_80, %dma_start3A_81] : memref<20000x128xf32, #tpu.memory_space<hbm>> -> memref<20000x128xf32, #tpu.memory_space<hbm>>
        tpu.enqueue_indirect_dma source(%dma_start3A_82 : memref<20000x128xf32, #tpu.memory_space<hbm>>) target(%arg10 : memref<128x128xf32, #tpu.memory_space<vmem>>) offsets(%dma_start3A_79 : memref<128xi32, #tpu.memory_space<vmem>>) semaphore(%arg13 : memref<!tpu.dma_semaphore, #tpu.memory_space<semaphore_mem>>)
      } else {
      }
      %add3A_65 = arith.constant 1 : i32
      %add3A_66 = arith.addi %mul3A_45, %add3A_65 : i32
      %dma_wait3A_67 = arith.constant 0 : i32
      %dma_wait3A_68 = tpu.memref_slice %arg8[%add3A_66, %dma_wait3A_67] : memref<40x128xi32, #tpu.memory_space<vmem>> -> memref<1x128xi32, #tpu.memory_space<vmem>>
      %dma_wait3A_69 = tpu.memref_squeeze %dma_wait3A_68 : memref<1x128xi32, #tpu.memory_space<vmem>> -> memref<128xi32, #tpu.memory_space<vmem>>
      %dma_wait3A_70 = arith.constant 0 : i32
      %dma_wait3A_71 = arith.constant 0 : i32
      %dma_wait3A_72 = tpu.memref_slice %arg2[%dma_wait3A_70, %dma_wait3A_71] : memref<20000x128xf32, #tpu.memory_space<hbm>> -> memref<20000x128xf32, #tpu.memory_space<hbm>>
      tpu.wait_indirect_dma semaphore(%arg14 : memref<!tpu.dma_semaphore, #tpu.memory_space<semaphore_mem>>) src(%dma_wait3A_72 : memref<20000x128xf32, #tpu.memory_space<hbm>>) dst(%arg11 : memref<128x128xf32, #tpu.memory_space<vmem>>)
      %add3A_73 = arith.constant 1 : i32
      %add3A_74 = arith.addi %mul3A_45, %add3A_73 : i32
      "tpu.region"() ({
        %run_scoped3A = tpu.sem_alloc : memref<!tpu.dma_semaphore, #tpu.memory_space<semaphore_mem>>
        %dma_start3A_75 = arith.constant 0 : i32
        %dma_start3A_76 = tpu.memref_slice %arg9[%add3A_74, %dma_start3A_75] : memref<40x128xi32, #tpu.memory_space<vmem>> -> memref<1x128xi32, #tpu.memory_space<vmem>>
        %dma_start3A_77 = tpu.memref_squeeze %dma_start3A_76 : memref<1x128xi32, #tpu.memory_space<vmem>> -> memref<128xi32, #tpu.memory_space<vmem>>
        %dma_start3A_78 = arith.constant 0 : i32
        %dma_start3A_79 = arith.constant 0 : i32
        %dma_start3A_80 = tpu.memref_slice %arg12[%dma_start3A_78, %dma_start3A_79] : memref<10008x128xf32, #tpu.memory_space<vmem_shared>> -> memref<10008x128xf32, #tpu.memory_space<vmem_shared>>
        tpu.enqueue_indirect_dma source(%arg11 : memref<128x128xf32, #tpu.memory_space<vmem>>) target(%dma_start3A_80 : memref<10008x128xf32, #tpu.memory_space<vmem_shared>>) offsets(%dma_start3A_77 : memref<128xi32, #tpu.memory_space<vmem>>) semaphore(%run_scoped3A : memref<!tpu.dma_semaphore, #tpu.memory_space<semaphore_mem>>) {add = true}
        %dma_wait3A_81 = arith.constant 0 : i32
        %dma_wait3A_82 = tpu.memref_slice %arg9[%add3A_74, %dma_wait3A_81] : memref<40x128xi32, #tpu.memory_space<vmem>> -> memref<1x128xi32, #tpu.memory_space<vmem>>
        %dma_wait3A_83 = tpu.memref_squeeze %dma_wait3A_82 : memref<1x128xi32, #tpu.memory_space<vmem>> -> memref<128xi32, #tpu.memory_space<vmem>>
        %dma_wait3A_84 = arith.constant 0 : i32
        %dma_wait3A_85 = arith.constant 0 : i32
        %dma_wait3A_86 = tpu.memref_slice %arg12[%dma_wait3A_84, %dma_wait3A_85] : memref<10008x128xf32, #tpu.memory_space<vmem_shared>> -> memref<10008x128xf32, #tpu.memory_space<vmem_shared>>
        tpu.wait_indirect_dma semaphore(%run_scoped3A : memref<!tpu.dma_semaphore, #tpu.memory_space<semaphore_mem>>) src(%arg11 : memref<128x128xf32, #tpu.memory_space<vmem>>) dst(%dma_wait3A_86 : memref<10008x128xf32, #tpu.memory_space<vmem_shared>>)
        tpu.yield
      }) : () -> ()
    }
    %scan3A_33 = arith.constant 20 : i32
    %barrier3A_34 = arith.constant 0 : index
    tpu.barrier barrier_id(%barrier3A_34)
    %mul3A_35 = arith.constant 10000 : i32
    %mul3A_36 = arith.muli %arg0, %mul3A_35 : i32
    %add3A_37 = arith.addi %mul3A_36, %mul3A_2 : i32
    "tpu.region"() ({
      %run_scoped3A = tpu.sem_alloc : memref<!tpu.dma_semaphore, #tpu.memory_space<semaphore_mem>>
      %dma_start3A_43 = arith.constant 0 : i32
      %dma_start3A_44 = tpu.memref_slice %arg7[%add3A_37, %dma_start3A_43] : memref<20000x128xf32, #tpu.memory_space<hbm>> -> memref<624x128xf32, #tpu.memory_space<hbm>>
      %dma_start3A_45 = arith.constant 0 : i32
      %dma_start3A_46 = tpu.memref_slice %arg12[%mul3A_2, %dma_start3A_45] : memref<10008x128xf32, #tpu.memory_space<vmem_shared>> -> memref<624x128xf32, #tpu.memory_space<vmem_shared>>
      tpu.enqueue_dma source(%dma_start3A_46 : memref<624x128xf32, #tpu.memory_space<vmem_shared>>) target(%dma_start3A_44 : memref<624x128xf32, #tpu.memory_space<hbm>>) target_semaphore(%run_scoped3A : memref<!tpu.dma_semaphore, #tpu.memory_space<semaphore_mem>>)
      %dma_wait3A = arith.constant 0 : i32
      %dma_wait3A_47 = tpu.memref_slice %arg7[%add3A_37, %dma_wait3A] : memref<20000x128xf32, #tpu.memory_space<hbm>> -> memref<624x128xf32, #tpu.memory_space<hbm>>
      %dma_wait3A_48 = arith.constant 0 : i32
      %dma_wait3A_49 = tpu.memref_slice %arg12[%mul3A_2, %dma_wait3A_48] : memref<10008x128xf32, #tpu.memory_space<vmem_shared>> -> memref<624x128xf32, #tpu.memory_space<vmem_shared>>
      tpu.wait_dma2 semaphore(%run_scoped3A : memref<!tpu.dma_semaphore, #tpu.memory_space<semaphore_mem>>) src(%dma_wait3A_49 : memref<624x128xf32, #tpu.memory_space<vmem_shared>>) dst(%dma_wait3A_47 : memref<624x128xf32, #tpu.memory_space<hbm>>)
      tpu.yield
    }) : () -> ()
    %eq3A_38 = arith.constant 15 : i32
    %eq3A_39 = arith.cmpi eq, %arg1, %eq3A_38 : i32
    %convert_element_type3A_40 = arith.extui %eq3A_39 : i1 to i32
    %cond3A_41 = arith.constant 0 : i32
    %cond3A_42 = arith.cmpi ne, %convert_element_type3A_40, %cond3A_41 : i32
    scf.if %cond3A_42 {
      %mul3A_43 = arith.constant 10000 : i32
      %mul3A_44 = arith.muli %arg0, %mul3A_43 : i32
      %add3A_45 = arith.constant 9984 : i32
      %add3A_46 = arith.addi %mul3A_44, %add3A_45 : i32
      "tpu.region"() ({
        %run_scoped3A = tpu.sem_alloc : memref<!tpu.dma_semaphore, #tpu.memory_space<semaphore_mem>>
        %dma_start3A_47 = arith.constant 0 : i32
        %dma_start3A_48 = tpu.memref_slice %arg7[%add3A_46, %dma_start3A_47] : memref<20000x128xf32, #tpu.memory_space<hbm>> -> memref<16x128xf32, #tpu.memory_space<hbm>>
        %dma_start3A_49 = arith.constant 9984 : i32
        %dma_start3A_50 = arith.constant 0 : i32
        %dma_start3A_51 = tpu.memref_slice %arg12[%dma_start3A_49, %dma_start3A_50] : memref<10008x128xf32, #tpu.memory_space<vmem_shared>> -> memref<16x128xf32, #tpu.memory_space<vmem_shared>>
        tpu.enqueue_dma source(%dma_start3A_51 : memref<16x128xf32, #tpu.memory_space<vmem_shared>>) target(%dma_start3A_48 : memref<16x128xf32, #tpu.memory_space<hbm>>) target_semaphore(%run_scoped3A : memref<!tpu.dma_semaphore, #tpu.memory_space<semaphore_mem>>)
        %dma_wait3A = arith.constant 0 : i32
        %dma_wait3A_52 = tpu.memref_slice %arg7[%add3A_46, %dma_wait3A] : memref<20000x128xf32, #tpu.memory_space<hbm>> -> memref<16x128xf32, #tpu.memory_space<hbm>>
        %dma_wait3A_53 = arith.constant 9984 : i32
        %dma_wait3A_54 = arith.constant 0 : i32
        %dma_wait3A_55 = tpu.memref_slice %arg12[%dma_wait3A_53, %dma_wait3A_54] : memref<10008x128xf32, #tpu.memory_space<vmem_shared>> -> memref<16x128xf32, #tpu.memory_space<vmem_shared>>
        tpu.wait_dma2 semaphore(%run_scoped3A : memref<!tpu.dma_semaphore, #tpu.memory_space<semaphore_mem>>) src(%dma_wait3A_55 : memref<16x128xf32, #tpu.memory_space<vmem_shared>>) dst(%dma_wait3A_52 : memref<16x128xf32, #tpu.memory_space<hbm>>)
        tpu.yield
      }) : () -> ()
    } else {
    }
    return
  }
}

#map = affine_map<(d0, d1) -> (0, 0)>
#map1 = affine_map<(d0, d1) -> (0, 0, 0)>
#map2 = affine_map<(d0, d1) -> (0)>
module attributes {stable_mosaic.version = 14 : i64} {
  func.func @_edge_scatter_pred(%arg0: i32, %arg1: i32, %arg2: memref<20000x128xf32, #tpu.memory_space<hbm>>, %arg3: memref<10000x128xf32, #tpu.memory_space<hbm>>, %arg4: memref<10000x128xf32, #tpu.memory_space<hbm>>, %arg5: memref<32x80x128xi32, #tpu.memory_space<hbm>>, %arg6: memref<16x80x128xi32, #tpu.memory_space<hbm>>, %arg7: memref<10000xf32, #tpu.memory_space<hbm>>, %arg8: memref<16x8x128xi32, #tpu.memory_space<hbm>>, %arg9: memref<32x4x128xi32, #tpu.memory_space<hbm>>, %arg10: memref<32768x128xf32, #tpu.memory_space<hbm>>, %arg11: memref<16384xf32, #tpu.memory_space<hbm>>, %arg12: memref<40x128xi32, #tpu.memory_space<vmem>>, %arg13: memref<40x128xi32, #tpu.memory_space<vmem>>, %arg14: memref<128x128xf32, #tpu.memory_space<vmem>>, %arg15: memref<128x128xf32, #tpu.memory_space<vmem>>, %arg16: memref<8x128xi32, #tpu.memory_space<vmem>>, %arg17: memref<4x128xi32, #tpu.memory_space<vmem>>, %arg18: memref<4x128xf32, #tpu.memory_space<vmem>>, %arg19: memref<10008x128xf32, #tpu.memory_space<vmem_shared>>, %arg20: memref<!tpu.dma_semaphore, #tpu.memory_space<semaphore_mem>>, %arg21: memref<!tpu.dma_semaphore, #tpu.memory_space<semaphore_mem>>) attributes {dimension_semantics = [#tpu.dimension_semantics<core_parallel>, #tpu.dimension_semantics<subcore_parallel>], iteration_bounds = array<i64: 2, 16>, scalar_prefetch = 0 : i64, scratch_operands = 10 : i64, tpu.core_type = #tpu.core_type<sc_vector_subcore>, window_params = [{transform_indices = #map}, {transform_indices = #map}, {transform_indices = #map}, {transform_indices = #map1}, {transform_indices = #map1}, {transform_indices = #map2}, {transform_indices = #map1}, {transform_indices = #map1}, {transform_indices = #map}, {transform_indices = #map2}]} {
    %mul3A = arith.constant 16 : i32
    %mul3A_0 = arith.muli %arg0, %mul3A : i32
    %add3A = arith.addi %mul3A_0, %arg1 : i32
    %mul3A_1 = arith.constant 624 : i32
    %mul3A_2 = arith.muli %arg1, %mul3A_1 : i32
    %eq3A = arith.constant 0 : i32
    %eq3A_3 = arith.cmpi eq, %arg0, %eq3A : i32
    %convert_element_type3A = arith.extui %eq3A_3 : i1 to i32
    %cond3A = arith.constant 0 : i32
    %cond3A_4 = arith.cmpi ne, %convert_element_type3A, %cond3A : i32
    scf.if %cond3A_4 {
      "tpu.region"() ({
        %run_scoped3A = tpu.sem_alloc : memref<!tpu.dma_semaphore, #tpu.memory_space<semaphore_mem>>
        %dma_start3A_72 = arith.constant 0 : i32
        %dma_start3A_73 = tpu.memref_slice %arg19[%mul3A_2, %dma_start3A_72] : memref<10008x128xf32, #tpu.memory_space<vmem_shared>> -> memref<624x128xf32, #tpu.memory_space<vmem_shared>>
        %dma_start3A_74 = arith.constant 0 : i32
        %dma_start3A_75 = tpu.memref_slice %arg3[%mul3A_2, %dma_start3A_74] : memref<10000x128xf32, #tpu.memory_space<hbm>> -> memref<624x128xf32, #tpu.memory_space<hbm>>
        tpu.enqueue_dma source(%dma_start3A_75 : memref<624x128xf32, #tpu.memory_space<hbm>>) target(%dma_start3A_73 : memref<624x128xf32, #tpu.memory_space<vmem_shared>>) target_semaphore(%run_scoped3A : memref<!tpu.dma_semaphore, #tpu.memory_space<semaphore_mem>>)
        %dma_wait3A = arith.constant 0 : i32
        %dma_wait3A_76 = tpu.memref_slice %arg19[%mul3A_2, %dma_wait3A] : memref<10008x128xf32, #tpu.memory_space<vmem_shared>> -> memref<624x128xf32, #tpu.memory_space<vmem_shared>>
        %dma_wait3A_77 = arith.constant 0 : i32
        %dma_wait3A_78 = tpu.memref_slice %arg3[%mul3A_2, %dma_wait3A_77] : memref<10000x128xf32, #tpu.memory_space<hbm>> -> memref<624x128xf32, #tpu.memory_space<hbm>>
        tpu.wait_dma2 semaphore(%run_scoped3A : memref<!tpu.dma_semaphore, #tpu.memory_space<semaphore_mem>>) src(%dma_wait3A_78 : memref<624x128xf32, #tpu.memory_space<hbm>>) dst(%dma_wait3A_76 : memref<624x128xf32, #tpu.memory_space<vmem_shared>>)
        tpu.yield
      }) : () -> ()
      %eq3A_67 = arith.constant 15 : i32
      %eq3A_68 = arith.cmpi eq, %arg1, %eq3A_67 : i32
      %convert_element_type3A_69 = arith.extui %eq3A_68 : i1 to i32
      %cond3A_70 = arith.constant 0 : i32
      %cond3A_71 = arith.cmpi ne, %convert_element_type3A_69, %cond3A_70 : i32
      scf.if %cond3A_71 {
        "tpu.region"() ({
          %run_scoped3A = tpu.sem_alloc : memref<!tpu.dma_semaphore, #tpu.memory_space<semaphore_mem>>
          %dma_start3A_72 = arith.constant 9984 : i32
          %dma_start3A_73 = arith.constant 0 : i32
          %dma_start3A_74 = tpu.memref_slice %arg19[%dma_start3A_72, %dma_start3A_73] : memref<10008x128xf32, #tpu.memory_space<vmem_shared>> -> memref<16x128xf32, #tpu.memory_space<vmem_shared>>
          %dma_start3A_75 = arith.constant 9984 : i32
          %dma_start3A_76 = arith.constant 0 : i32
          %dma_start3A_77 = tpu.memref_slice %arg3[%dma_start3A_75, %dma_start3A_76] : memref<10000x128xf32, #tpu.memory_space<hbm>> -> memref<16x128xf32, #tpu.memory_space<hbm>>
          tpu.enqueue_dma source(%dma_start3A_77 : memref<16x128xf32, #tpu.memory_space<hbm>>) target(%dma_start3A_74 : memref<16x128xf32, #tpu.memory_space<vmem_shared>>) target_semaphore(%run_scoped3A : memref<!tpu.dma_semaphore, #tpu.memory_space<semaphore_mem>>)
          %dma_wait3A = arith.constant 9984 : i32
          %dma_wait3A_78 = arith.constant 0 : i32
          %dma_wait3A_79 = tpu.memref_slice %arg19[%dma_wait3A, %dma_wait3A_78] : memref<10008x128xf32, #tpu.memory_space<vmem_shared>> -> memref<16x128xf32, #tpu.memory_space<vmem_shared>>
          %dma_wait3A_80 = arith.constant 9984 : i32
          %dma_wait3A_81 = arith.constant 0 : i32
          %dma_wait3A_82 = tpu.memref_slice %arg3[%dma_wait3A_80, %dma_wait3A_81] : memref<10000x128xf32, #tpu.memory_space<hbm>> -> memref<16x128xf32, #tpu.memory_space<hbm>>
          tpu.wait_dma2 semaphore(%run_scoped3A : memref<!tpu.dma_semaphore, #tpu.memory_space<semaphore_mem>>) src(%dma_wait3A_82 : memref<16x128xf32, #tpu.memory_space<hbm>>) dst(%dma_wait3A_79 : memref<16x128xf32, #tpu.memory_space<vmem_shared>>)
          tpu.yield
        }) : () -> ()
      } else {
      }
    } else {
    }
    %eq3A_5 = arith.constant 1 : i32
    %eq3A_6 = arith.cmpi eq, %arg0, %eq3A_5 : i32
    %convert_element_type3A_7 = arith.extui %eq3A_6 : i1 to i32
    %cond3A_8 = arith.constant 0 : i32
    %cond3A_9 = arith.cmpi ne, %convert_element_type3A_7, %cond3A_8 : i32
    scf.if %cond3A_9 {
      "tpu.region"() ({
        %run_scoped3A = tpu.sem_alloc : memref<!tpu.dma_semaphore, #tpu.memory_space<semaphore_mem>>
        %dma_start3A_72 = arith.constant 0 : i32
        %dma_start3A_73 = tpu.memref_slice %arg19[%mul3A_2, %dma_start3A_72] : memref<10008x128xf32, #tpu.memory_space<vmem_shared>> -> memref<624x128xf32, #tpu.memory_space<vmem_shared>>
        %dma_start3A_74 = arith.constant 0 : i32
        %dma_start3A_75 = tpu.memref_slice %arg4[%mul3A_2, %dma_start3A_74] : memref<10000x128xf32, #tpu.memory_space<hbm>> -> memref<624x128xf32, #tpu.memory_space<hbm>>
        tpu.enqueue_dma source(%dma_start3A_75 : memref<624x128xf32, #tpu.memory_space<hbm>>) target(%dma_start3A_73 : memref<624x128xf32, #tpu.memory_space<vmem_shared>>) target_semaphore(%run_scoped3A : memref<!tpu.dma_semaphore, #tpu.memory_space<semaphore_mem>>)
        %dma_wait3A = arith.constant 0 : i32
        %dma_wait3A_76 = tpu.memref_slice %arg19[%mul3A_2, %dma_wait3A] : memref<10008x128xf32, #tpu.memory_space<vmem_shared>> -> memref<624x128xf32, #tpu.memory_space<vmem_shared>>
        %dma_wait3A_77 = arith.constant 0 : i32
        %dma_wait3A_78 = tpu.memref_slice %arg4[%mul3A_2, %dma_wait3A_77] : memref<10000x128xf32, #tpu.memory_space<hbm>> -> memref<624x128xf32, #tpu.memory_space<hbm>>
        tpu.wait_dma2 semaphore(%run_scoped3A : memref<!tpu.dma_semaphore, #tpu.memory_space<semaphore_mem>>) src(%dma_wait3A_78 : memref<624x128xf32, #tpu.memory_space<hbm>>) dst(%dma_wait3A_76 : memref<624x128xf32, #tpu.memory_space<vmem_shared>>)
        tpu.yield
      }) : () -> ()
      %eq3A_67 = arith.constant 15 : i32
      %eq3A_68 = arith.cmpi eq, %arg1, %eq3A_67 : i32
      %convert_element_type3A_69 = arith.extui %eq3A_68 : i1 to i32
      %cond3A_70 = arith.constant 0 : i32
      %cond3A_71 = arith.cmpi ne, %convert_element_type3A_69, %cond3A_70 : i32
      scf.if %cond3A_71 {
        "tpu.region"() ({
          %run_scoped3A = tpu.sem_alloc : memref<!tpu.dma_semaphore, #tpu.memory_space<semaphore_mem>>
          %dma_start3A_72 = arith.constant 9984 : i32
          %dma_start3A_73 = arith.constant 0 : i32
          %dma_start3A_74 = tpu.memref_slice %arg19[%dma_start3A_72, %dma_start3A_73] : memref<10008x128xf32, #tpu.memory_space<vmem_shared>> -> memref<16x128xf32, #tpu.memory_space<vmem_shared>>
          %dma_start3A_75 = arith.constant 9984 : i32
          %dma_start3A_76 = arith.constant 0 : i32
          %dma_start3A_77 = tpu.memref_slice %arg4[%dma_start3A_75, %dma_start3A_76] : memref<10000x128xf32, #tpu.memory_space<hbm>> -> memref<16x128xf32, #tpu.memory_space<hbm>>
          tpu.enqueue_dma source(%dma_start3A_77 : memref<16x128xf32, #tpu.memory_space<hbm>>) target(%dma_start3A_74 : memref<16x128xf32, #tpu.memory_space<vmem_shared>>) target_semaphore(%run_scoped3A : memref<!tpu.dma_semaphore, #tpu.memory_space<semaphore_mem>>)
          %dma_wait3A = arith.constant 9984 : i32
          %dma_wait3A_78 = arith.constant 0 : i32
          %dma_wait3A_79 = tpu.memref_slice %arg19[%dma_wait3A, %dma_wait3A_78] : memref<10008x128xf32, #tpu.memory_space<vmem_shared>> -> memref<16x128xf32, #tpu.memory_space<vmem_shared>>
          %dma_wait3A_80 = arith.constant 9984 : i32
          %dma_wait3A_81 = arith.constant 0 : i32
          %dma_wait3A_82 = tpu.memref_slice %arg4[%dma_wait3A_80, %dma_wait3A_81] : memref<10000x128xf32, #tpu.memory_space<hbm>> -> memref<16x128xf32, #tpu.memory_space<hbm>>
          tpu.wait_dma2 semaphore(%run_scoped3A : memref<!tpu.dma_semaphore, #tpu.memory_space<semaphore_mem>>) src(%dma_wait3A_82 : memref<16x128xf32, #tpu.memory_space<hbm>>) dst(%dma_wait3A_79 : memref<16x128xf32, #tpu.memory_space<vmem_shared>>)
          tpu.yield
        }) : () -> ()
      } else {
      }
    } else {
    }
    "tpu.region"() ({
      %run_scoped3A = tpu.sem_alloc : memref<!tpu.dma_semaphore, #tpu.memory_space<semaphore_mem>>
      %dma_start3A_67 = arith.constant 0 : i32
      %dma_start3A_68 = arith.constant 0 : i32
      %dma_start3A_69 = tpu.memref_slice %arg8[%arg1, %dma_start3A_67, %dma_start3A_68] : memref<16x8x128xi32, #tpu.memory_space<hbm>> -> memref<1x8x128xi32, #tpu.memory_space<hbm>>
      %dma_start3A_70 = tpu.memref_squeeze %dma_start3A_69 : memref<1x8x128xi32, #tpu.memory_space<hbm>> -> memref<8x128xi32, #tpu.memory_space<hbm>>
      %dma_start3A_71 = arith.constant 0 : i32
      %dma_start3A_72 = arith.constant 0 : i32
      %dma_start3A_73 = tpu.memref_slice %arg8[%arg1, %dma_start3A_71, %dma_start3A_72] : memref<16x8x128xi32, #tpu.memory_space<hbm>> -> memref<1x8x128xi32, #tpu.memory_space<hbm>>
      %dma_start3A_74 = tpu.memref_squeeze %dma_start3A_73 : memref<1x8x128xi32, #tpu.memory_space<hbm>> -> memref<8x128xi32, #tpu.memory_space<hbm>>
      tpu.enqueue_dma source(%dma_start3A_74 : memref<8x128xi32, #tpu.memory_space<hbm>>) target(%arg16 : memref<8x128xi32, #tpu.memory_space<vmem>>) target_semaphore(%run_scoped3A : memref<!tpu.dma_semaphore, #tpu.memory_space<semaphore_mem>>)
      %dma_wait3A = arith.constant 0 : i32
      %dma_wait3A_75 = arith.constant 0 : i32
      %dma_wait3A_76 = tpu.memref_slice %arg8[%arg1, %dma_wait3A, %dma_wait3A_75] : memref<16x8x128xi32, #tpu.memory_space<hbm>> -> memref<1x8x128xi32, #tpu.memory_space<hbm>>
      %dma_wait3A_77 = tpu.memref_squeeze %dma_wait3A_76 : memref<1x8x128xi32, #tpu.memory_space<hbm>> -> memref<8x128xi32, #tpu.memory_space<hbm>>
      %dma_wait3A_78 = arith.constant 0 : i32
      %dma_wait3A_79 = arith.constant 0 : i32
      %dma_wait3A_80 = tpu.memref_slice %arg8[%arg1, %dma_wait3A_78, %dma_wait3A_79] : memref<16x8x128xi32, #tpu.memory_space<hbm>> -> memref<1x8x128xi32, #tpu.memory_space<hbm>>
      %dma_wait3A_81 = tpu.memref_squeeze %dma_wait3A_80 : memref<1x8x128xi32, #tpu.memory_space<hbm>> -> memref<8x128xi32, #tpu.memory_space<hbm>>
      tpu.wait_dma2 semaphore(%run_scoped3A : memref<!tpu.dma_semaphore, #tpu.memory_space<semaphore_mem>>) src(%dma_wait3A_81 : memref<8x128xi32, #tpu.memory_space<hbm>>) dst(%arg16 : memref<8x128xi32, #tpu.memory_space<vmem>>)
      tpu.yield
    }) : () -> ()
    "tpu.region"() ({
      %run_scoped3A = tpu.sem_alloc : memref<!tpu.dma_semaphore, #tpu.memory_space<semaphore_mem>>
      %dma_start3A_67 = arith.constant 0 : i32
      %dma_start3A_68 = arith.constant 0 : i32
      %dma_start3A_69 = tpu.memref_slice %arg9[%add3A, %dma_start3A_67, %dma_start3A_68] : memref<32x4x128xi32, #tpu.memory_space<hbm>> -> memref<1x4x128xi32, #tpu.memory_space<hbm>>
      %dma_start3A_70 = tpu.memref_squeeze %dma_start3A_69 : memref<1x4x128xi32, #tpu.memory_space<hbm>> -> memref<4x128xi32, #tpu.memory_space<hbm>>
      %dma_start3A_71 = arith.constant 0 : i32
      %dma_start3A_72 = arith.constant 0 : i32
      %dma_start3A_73 = tpu.memref_slice %arg9[%add3A, %dma_start3A_71, %dma_start3A_72] : memref<32x4x128xi32, #tpu.memory_space<hbm>> -> memref<1x4x128xi32, #tpu.memory_space<hbm>>
      %dma_start3A_74 = tpu.memref_squeeze %dma_start3A_73 : memref<1x4x128xi32, #tpu.memory_space<hbm>> -> memref<4x128xi32, #tpu.memory_space<hbm>>
      tpu.enqueue_dma source(%dma_start3A_74 : memref<4x128xi32, #tpu.memory_space<hbm>>) target(%arg17 : memref<4x128xi32, #tpu.memory_space<vmem>>) target_semaphore(%run_scoped3A : memref<!tpu.dma_semaphore, #tpu.memory_space<semaphore_mem>>)
      %dma_wait3A = arith.constant 0 : i32
      %dma_wait3A_75 = arith.constant 0 : i32
      %dma_wait3A_76 = tpu.memref_slice %arg9[%add3A, %dma_wait3A, %dma_wait3A_75] : memref<32x4x128xi32, #tpu.memory_space<hbm>> -> memref<1x4x128xi32, #tpu.memory_space<hbm>>
      %dma_wait3A_77 = tpu.memref_squeeze %dma_wait3A_76 : memref<1x4x128xi32, #tpu.memory_space<hbm>> -> memref<4x128xi32, #tpu.memory_space<hbm>>
      %dma_wait3A_78 = arith.constant 0 : i32
      %dma_wait3A_79 = arith.constant 0 : i32
      %dma_wait3A_80 = tpu.memref_slice %arg9[%add3A, %dma_wait3A_78, %dma_wait3A_79] : memref<32x4x128xi32, #tpu.memory_space<hbm>> -> memref<1x4x128xi32, #tpu.memory_space<hbm>>
      %dma_wait3A_81 = tpu.memref_squeeze %dma_wait3A_80 : memref<1x4x128xi32, #tpu.memory_space<hbm>> -> memref<4x128xi32, #tpu.memory_space<hbm>>
      tpu.wait_dma2 semaphore(%run_scoped3A : memref<!tpu.dma_semaphore, #tpu.memory_space<semaphore_mem>>) src(%dma_wait3A_81 : memref<4x128xi32, #tpu.memory_space<hbm>>) dst(%arg17 : memref<4x128xi32, #tpu.memory_space<vmem>>)
      tpu.yield
    }) : () -> ()
    %barrier3A = arith.constant 0 : index
    tpu.barrier barrier_id(%barrier3A)
    "tpu.region"() ({
      %run_scoped3A = tpu.sem_alloc : memref<!tpu.dma_semaphore, #tpu.memory_space<semaphore_mem>>
      %dma_start3A_67 = arith.constant 0 : i32
      %dma_start3A_68 = arith.constant 0 : i32
      %dma_start3A_69 = tpu.memref_slice %arg5[%add3A, %dma_start3A_67, %dma_start3A_68] : memref<32x80x128xi32, #tpu.memory_space<hbm>> -> memref<1x40x128xi32, #tpu.memory_space<hbm>>
      %dma_start3A_70 = tpu.memref_squeeze %dma_start3A_69 : memref<1x40x128xi32, #tpu.memory_space<hbm>> -> memref<40x128xi32, #tpu.memory_space<hbm>>
      %dma_start3A_71 = arith.constant 0 : i32
      %dma_start3A_72 = arith.constant 0 : i32
      %dma_start3A_73 = tpu.memref_slice %arg5[%add3A, %dma_start3A_71, %dma_start3A_72] : memref<32x80x128xi32, #tpu.memory_space<hbm>> -> memref<1x40x128xi32, #tpu.memory_space<hbm>>
      %dma_start3A_74 = tpu.memref_squeeze %dma_start3A_73 : memref<1x40x128xi32, #tpu.memory_space<hbm>> -> memref<40x128xi32, #tpu.memory_space<hbm>>
      tpu.enqueue_dma source(%dma_start3A_74 : memref<40x128xi32, #tpu.memory_space<hbm>>) target(%arg12 : memref<40x128xi32, #tpu.memory_space<vmem>>) target_semaphore(%run_scoped3A : memref<!tpu.dma_semaphore, #tpu.memory_space<semaphore_mem>>)
      %dma_wait3A = arith.constant 0 : i32
      %dma_wait3A_75 = arith.constant 0 : i32
      %dma_wait3A_76 = tpu.memref_slice %arg5[%add3A, %dma_wait3A, %dma_wait3A_75] : memref<32x80x128xi32, #tpu.memory_space<hbm>> -> memref<1x40x128xi32, #tpu.memory_space<hbm>>
      %dma_wait3A_77 = tpu.memref_squeeze %dma_wait3A_76 : memref<1x40x128xi32, #tpu.memory_space<hbm>> -> memref<40x128xi32, #tpu.memory_space<hbm>>
      %dma_wait3A_78 = arith.constant 0 : i32
      %dma_wait3A_79 = arith.constant 0 : i32
      %dma_wait3A_80 = tpu.memref_slice %arg5[%add3A, %dma_wait3A_78, %dma_wait3A_79] : memref<32x80x128xi32, #tpu.memory_space<hbm>> -> memref<1x40x128xi32, #tpu.memory_space<hbm>>
      %dma_wait3A_81 = tpu.memref_squeeze %dma_wait3A_80 : memref<1x40x128xi32, #tpu.memory_space<hbm>> -> memref<40x128xi32, #tpu.memory_space<hbm>>
      tpu.wait_dma2 semaphore(%run_scoped3A : memref<!tpu.dma_semaphore, #tpu.memory_space<semaphore_mem>>) src(%dma_wait3A_81 : memref<40x128xi32, #tpu.memory_space<hbm>>) dst(%arg12 : memref<40x128xi32, #tpu.memory_space<vmem>>)
      tpu.yield
    }) : () -> ()
    "tpu.region"() ({
      %run_scoped3A = tpu.sem_alloc : memref<!tpu.dma_semaphore, #tpu.memory_space<semaphore_mem>>
      %dma_start3A_67 = arith.constant 0 : i32
      %dma_start3A_68 = arith.constant 0 : i32
      %dma_start3A_69 = tpu.memref_slice %arg6[%arg1, %dma_start3A_67, %dma_start3A_68] : memref<16x80x128xi32, #tpu.memory_space<hbm>> -> memref<1x40x128xi32, #tpu.memory_space<hbm>>
      %dma_start3A_70 = tpu.memref_squeeze %dma_start3A_69 : memref<1x40x128xi32, #tpu.memory_space<hbm>> -> memref<40x128xi32, #tpu.memory_space<hbm>>
      %dma_start3A_71 = arith.constant 0 : i32
      %dma_start3A_72 = arith.constant 0 : i32
      %dma_start3A_73 = tpu.memref_slice %arg6[%arg1, %dma_start3A_71, %dma_start3A_72] : memref<16x80x128xi32, #tpu.memory_space<hbm>> -> memref<1x40x128xi32, #tpu.memory_space<hbm>>
      %dma_start3A_74 = tpu.memref_squeeze %dma_start3A_73 : memref<1x40x128xi32, #tpu.memory_space<hbm>> -> memref<40x128xi32, #tpu.memory_space<hbm>>
      tpu.enqueue_dma source(%dma_start3A_74 : memref<40x128xi32, #tpu.memory_space<hbm>>) target(%arg13 : memref<40x128xi32, #tpu.memory_space<vmem>>) target_semaphore(%run_scoped3A : memref<!tpu.dma_semaphore, #tpu.memory_space<semaphore_mem>>)
      %dma_wait3A = arith.constant 0 : i32
      %dma_wait3A_75 = arith.constant 0 : i32
      %dma_wait3A_76 = tpu.memref_slice %arg6[%arg1, %dma_wait3A, %dma_wait3A_75] : memref<16x80x128xi32, #tpu.memory_space<hbm>> -> memref<1x40x128xi32, #tpu.memory_space<hbm>>
      %dma_wait3A_77 = tpu.memref_squeeze %dma_wait3A_76 : memref<1x40x128xi32, #tpu.memory_space<hbm>> -> memref<40x128xi32, #tpu.memory_space<hbm>>
      %dma_wait3A_78 = arith.constant 0 : i32
      %dma_wait3A_79 = arith.constant 0 : i32
      %dma_wait3A_80 = tpu.memref_slice %arg6[%arg1, %dma_wait3A_78, %dma_wait3A_79] : memref<16x80x128xi32, #tpu.memory_space<hbm>> -> memref<1x40x128xi32, #tpu.memory_space<hbm>>
      %dma_wait3A_81 = tpu.memref_squeeze %dma_wait3A_80 : memref<1x40x128xi32, #tpu.memory_space<hbm>> -> memref<40x128xi32, #tpu.memory_space<hbm>>
      tpu.wait_dma2 semaphore(%run_scoped3A : memref<!tpu.dma_semaphore, #tpu.memory_space<semaphore_mem>>) src(%dma_wait3A_81 : memref<40x128xi32, #tpu.memory_space<hbm>>) dst(%arg13 : memref<40x128xi32, #tpu.memory_space<vmem>>)
      tpu.yield
    }) : () -> ()
    %dma_start3A = arith.constant 0 : i32
    %dma_start3A_10 = arith.constant 0 : i32
    %dma_start3A_11 = tpu.memref_slice %arg12[%dma_start3A, %dma_start3A_10] : memref<40x128xi32, #tpu.memory_space<vmem>> -> memref<1x128xi32, #tpu.memory_space<vmem>>
    %dma_start3A_12 = tpu.memref_squeeze %dma_start3A_11 : memref<1x128xi32, #tpu.memory_space<vmem>> -> memref<128xi32, #tpu.memory_space<vmem>>
    %dma_start3A_13 = arith.constant 0 : i32
    %dma_start3A_14 = arith.constant 0 : i32
    %dma_start3A_15 = tpu.memref_slice %arg2[%dma_start3A_13, %dma_start3A_14] : memref<20000x128xf32, #tpu.memory_space<hbm>> -> memref<20000x128xf32, #tpu.memory_space<hbm>>
    tpu.enqueue_indirect_dma source(%dma_start3A_15 : memref<20000x128xf32, #tpu.memory_space<hbm>>) target(%arg14 : memref<128x128xf32, #tpu.memory_space<vmem>>) offsets(%dma_start3A_12 : memref<128xi32, #tpu.memory_space<vmem>>) semaphore(%arg20 : memref<!tpu.dma_semaphore, #tpu.memory_space<semaphore_mem>>)
    %scan3A = arith.constant 0 : i32
    %scan3A_16 = arith.constant 0 : i32
    %scan3A_17 = arith.constant 20 : i32
    %scan3A_18 = arith.addi %scan3A_16, %scan3A_17 : i32
    %scan3A_19 = arith.constant 1 : i32
    scf.for %scan3A_67 = %scan3A_16 to %scan3A_18 step %scan3A_19  : i32 {
      %mul3A_68 = arith.constant 2 : i32
      %mul3A_69 = arith.muli %mul3A_68, %scan3A_67 : i32
      %add3A_70 = arith.constant 1 : i32
      %add3A_71 = arith.addi %mul3A_69, %add3A_70 : i32
      %dma_start3A_72 = arith.constant 0 : i32
      %dma_start3A_73 = tpu.memref_slice %arg12[%add3A_71, %dma_start3A_72] : memref<40x128xi32, #tpu.memory_space<vmem>> -> memref<1x128xi32, #tpu.memory_space<vmem>>
      %dma_start3A_74 = tpu.memref_squeeze %dma_start3A_73 : memref<1x128xi32, #tpu.memory_space<vmem>> -> memref<128xi32, #tpu.memory_space<vmem>>
      %dma_start3A_75 = arith.constant 0 : i32
      %dma_start3A_76 = arith.constant 0 : i32
      %dma_start3A_77 = tpu.memref_slice %arg2[%dma_start3A_75, %dma_start3A_76] : memref<20000x128xf32, #tpu.memory_space<hbm>> -> memref<20000x128xf32, #tpu.memory_space<hbm>>
      tpu.enqueue_indirect_dma source(%dma_start3A_77 : memref<20000x128xf32, #tpu.memory_space<hbm>>) target(%arg15 : memref<128x128xf32, #tpu.memory_space<vmem>>) offsets(%dma_start3A_74 : memref<128xi32, #tpu.memory_space<vmem>>) semaphore(%arg21 : memref<!tpu.dma_semaphore, #tpu.memory_space<semaphore_mem>>)
      %dma_wait3A = arith.constant 0 : i32
      %dma_wait3A_78 = tpu.memref_slice %arg12[%mul3A_69, %dma_wait3A] : memref<40x128xi32, #tpu.memory_space<vmem>> -> memref<1x128xi32, #tpu.memory_space<vmem>>
      %dma_wait3A_79 = tpu.memref_squeeze %dma_wait3A_78 : memref<1x128xi32, #tpu.memory_space<vmem>> -> memref<128xi32, #tpu.memory_space<vmem>>
      %dma_wait3A_80 = arith.constant 0 : i32
      %dma_wait3A_81 = arith.constant 0 : i32
      %dma_wait3A_82 = tpu.memref_slice %arg2[%dma_wait3A_80, %dma_wait3A_81] : memref<20000x128xf32, #tpu.memory_space<hbm>> -> memref<20000x128xf32, #tpu.memory_space<hbm>>
      tpu.wait_indirect_dma semaphore(%arg20 : memref<!tpu.dma_semaphore, #tpu.memory_space<semaphore_mem>>) src(%dma_wait3A_82 : memref<20000x128xf32, #tpu.memory_space<hbm>>) dst(%arg14 : memref<128x128xf32, #tpu.memory_space<vmem>>)
      "tpu.region"() ({
        %run_scoped3A = tpu.sem_alloc : memref<!tpu.dma_semaphore, #tpu.memory_space<semaphore_mem>>
        %dma_start3A_99 = arith.constant 0 : i32
        %dma_start3A_100 = tpu.memref_slice %arg13[%mul3A_69, %dma_start3A_99] : memref<40x128xi32, #tpu.memory_space<vmem>> -> memref<1x128xi32, #tpu.memory_space<vmem>>
        %dma_start3A_101 = tpu.memref_squeeze %dma_start3A_100 : memref<1x128xi32, #tpu.memory_space<vmem>> -> memref<128xi32, #tpu.memory_space<vmem>>
        %dma_start3A_102 = arith.constant 0 : i32
        %dma_start3A_103 = arith.constant 0 : i32
        %dma_start3A_104 = tpu.memref_slice %arg19[%dma_start3A_102, %dma_start3A_103] : memref<10008x128xf32, #tpu.memory_space<vmem_shared>> -> memref<10008x128xf32, #tpu.memory_space<vmem_shared>>
        tpu.enqueue_indirect_dma source(%arg14 : memref<128x128xf32, #tpu.memory_space<vmem>>) target(%dma_start3A_104 : memref<10008x128xf32, #tpu.memory_space<vmem_shared>>) offsets(%dma_start3A_101 : memref<128xi32, #tpu.memory_space<vmem>>) semaphore(%run_scoped3A : memref<!tpu.dma_semaphore, #tpu.memory_space<semaphore_mem>>) {add = true}
        %dma_wait3A_105 = arith.constant 0 : i32
        %dma_wait3A_106 = tpu.memref_slice %arg13[%mul3A_69, %dma_wait3A_105] : memref<40x128xi32, #tpu.memory_space<vmem>> -> memref<1x128xi32, #tpu.memory_space<vmem>>
        %dma_wait3A_107 = tpu.memref_squeeze %dma_wait3A_106 : memref<1x128xi32, #tpu.memory_space<vmem>> -> memref<128xi32, #tpu.memory_space<vmem>>
        %dma_wait3A_108 = arith.constant 0 : i32
        %dma_wait3A_109 = arith.constant 0 : i32
        %dma_wait3A_110 = tpu.memref_slice %arg19[%dma_wait3A_108, %dma_wait3A_109] : memref<10008x128xf32, #tpu.memory_space<vmem_shared>> -> memref<10008x128xf32, #tpu.memory_space<vmem_shared>>
        tpu.wait_indirect_dma semaphore(%run_scoped3A : memref<!tpu.dma_semaphore, #tpu.memory_space<semaphore_mem>>) src(%arg14 : memref<128x128xf32, #tpu.memory_space<vmem>>) dst(%dma_wait3A_110 : memref<10008x128xf32, #tpu.memory_space<vmem_shared>>)
        tpu.yield
      }) : () -> ()
      %add3A_83 = arith.constant 2 : i32
      %add3A_84 = arith.addi %mul3A_69, %add3A_83 : i32
      %lt3A = arith.constant 40 : i32
      %lt3A_85 = arith.cmpi slt, %add3A_84, %lt3A : i32
      %convert_element_type3A_86 = arith.extui %lt3A_85 : i1 to i32
      %cond3A_87 = arith.constant 0 : i32
      %cond3A_88 = arith.cmpi ne, %convert_element_type3A_86, %cond3A_87 : i32
      scf.if %cond3A_88 {
        %add3A_99 = arith.constant 2 : i32
        %add3A_100 = arith.addi %mul3A_69, %add3A_99 : i32
        %dma_start3A_101 = arith.constant 0 : i32
        %dma_start3A_102 = tpu.memref_slice %arg12[%add3A_100, %dma_start3A_101] : memref<40x128xi32, #tpu.memory_space<vmem>> -> memref<1x128xi32, #tpu.memory_space<vmem>>
        %dma_start3A_103 = tpu.memref_squeeze %dma_start3A_102 : memref<1x128xi32, #tpu.memory_space<vmem>> -> memref<128xi32, #tpu.memory_space<vmem>>
        %dma_start3A_104 = arith.constant 0 : i32
        %dma_start3A_105 = arith.constant 0 : i32
        %dma_start3A_106 = tpu.memref_slice %arg2[%dma_start3A_104, %dma_start3A_105] : memref<20000x128xf32, #tpu.memory_space<hbm>> -> memref<20000x128xf32, #tpu.memory_space<hbm>>
        tpu.enqueue_indirect_dma source(%dma_start3A_106 : memref<20000x128xf32, #tpu.memory_space<hbm>>) target(%arg14 : memref<128x128xf32, #tpu.memory_space<vmem>>) offsets(%dma_start3A_103 : memref<128xi32, #tpu.memory_space<vmem>>) semaphore(%arg20 : memref<!tpu.dma_semaphore, #tpu.memory_space<semaphore_mem>>)
      } else {
      }
      %add3A_89 = arith.constant 1 : i32
      %add3A_90 = arith.addi %mul3A_69, %add3A_89 : i32
      %dma_wait3A_91 = arith.constant 0 : i32
      %dma_wait3A_92 = tpu.memref_slice %arg12[%add3A_90, %dma_wait3A_91] : memref<40x128xi32, #tpu.memory_space<vmem>> -> memref<1x128xi32, #tpu.memory_space<vmem>>
      %dma_wait3A_93 = tpu.memref_squeeze %dma_wait3A_92 : memref<1x128xi32, #tpu.memory_space<vmem>> -> memref<128xi32, #tpu.memory_space<vmem>>
      %dma_wait3A_94 = arith.constant 0 : i32
      %dma_wait3A_95 = arith.constant 0 : i32
      %dma_wait3A_96 = tpu.memref_slice %arg2[%dma_wait3A_94, %dma_wait3A_95] : memref<20000x128xf32, #tpu.memory_space<hbm>> -> memref<20000x128xf32, #tpu.memory_space<hbm>>
      tpu.wait_indirect_dma semaphore(%arg21 : memref<!tpu.dma_semaphore, #tpu.memory_space<semaphore_mem>>) src(%dma_wait3A_96 : memref<20000x128xf32, #tpu.memory_space<hbm>>) dst(%arg15 : memref<128x128xf32, #tpu.memory_space<vmem>>)
      %add3A_97 = arith.constant 1 : i32
      %add3A_98 = arith.addi %mul3A_69, %add3A_97 : i32
      "tpu.region"() ({
        %run_scoped3A = tpu.sem_alloc : memref<!tpu.dma_semaphore, #tpu.memory_space<semaphore_mem>>
        %dma_start3A_99 = arith.constant 0 : i32
        %dma_start3A_100 = tpu.memref_slice %arg13[%add3A_98, %dma_start3A_99] : memref<40x128xi32, #tpu.memory_space<vmem>> -> memref<1x128xi32, #tpu.memory_space<vmem>>
        %dma_start3A_101 = tpu.memref_squeeze %dma_start3A_100 : memref<1x128xi32, #tpu.memory_space<vmem>> -> memref<128xi32, #tpu.memory_space<vmem>>
        %dma_start3A_102 = arith.constant 0 : i32
        %dma_start3A_103 = arith.constant 0 : i32
        %dma_start3A_104 = tpu.memref_slice %arg19[%dma_start3A_102, %dma_start3A_103] : memref<10008x128xf32, #tpu.memory_space<vmem_shared>> -> memref<10008x128xf32, #tpu.memory_space<vmem_shared>>
        tpu.enqueue_indirect_dma source(%arg15 : memref<128x128xf32, #tpu.memory_space<vmem>>) target(%dma_start3A_104 : memref<10008x128xf32, #tpu.memory_space<vmem_shared>>) offsets(%dma_start3A_101 : memref<128xi32, #tpu.memory_space<vmem>>) semaphore(%run_scoped3A : memref<!tpu.dma_semaphore, #tpu.memory_space<semaphore_mem>>) {add = true}
        %dma_wait3A_105 = arith.constant 0 : i32
        %dma_wait3A_106 = tpu.memref_slice %arg13[%add3A_98, %dma_wait3A_105] : memref<40x128xi32, #tpu.memory_space<vmem>> -> memref<1x128xi32, #tpu.memory_space<vmem>>
        %dma_wait3A_107 = tpu.memref_squeeze %dma_wait3A_106 : memref<1x128xi32, #tpu.memory_space<vmem>> -> memref<128xi32, #tpu.memory_space<vmem>>
        %dma_wait3A_108 = arith.constant 0 : i32
        %dma_wait3A_109 = arith.constant 0 : i32
        %dma_wait3A_110 = tpu.memref_slice %arg19[%dma_wait3A_108, %dma_wait3A_109] : memref<10008x128xf32, #tpu.memory_space<vmem_shared>> -> memref<10008x128xf32, #tpu.memory_space<vmem_shared>>
        tpu.wait_indirect_dma semaphore(%run_scoped3A : memref<!tpu.dma_semaphore, #tpu.memory_space<semaphore_mem>>) src(%arg15 : memref<128x128xf32, #tpu.memory_space<vmem>>) dst(%dma_wait3A_110 : memref<10008x128xf32, #tpu.memory_space<vmem_shared>>)
        tpu.yield
      }) : () -> ()
    }
    %scan3A_20 = arith.constant 20 : i32
    "tpu.region"() ({
      %run_scoped3A = tpu.sem_alloc : memref<!tpu.dma_semaphore, #tpu.memory_space<semaphore_mem>>
      %dma_start3A_67 = arith.constant 40 : i32
      %dma_start3A_68 = arith.constant 0 : i32
      %dma_start3A_69 = tpu.memref_slice %arg5[%add3A, %dma_start3A_67, %dma_start3A_68] : memref<32x80x128xi32, #tpu.memory_space<hbm>> -> memref<1x40x128xi32, #tpu.memory_space<hbm>>
      %dma_start3A_70 = tpu.memref_squeeze %dma_start3A_69 : memref<1x40x128xi32, #tpu.memory_space<hbm>> -> memref<40x128xi32, #tpu.memory_space<hbm>>
      %dma_start3A_71 = arith.constant 40 : i32
      %dma_start3A_72 = arith.constant 0 : i32
      %dma_start3A_73 = tpu.memref_slice %arg5[%add3A, %dma_start3A_71, %dma_start3A_72] : memref<32x80x128xi32, #tpu.memory_space<hbm>> -> memref<1x40x128xi32, #tpu.memory_space<hbm>>
      %dma_start3A_74 = tpu.memref_squeeze %dma_start3A_73 : memref<1x40x128xi32, #tpu.memory_space<hbm>> -> memref<40x128xi32, #tpu.memory_space<hbm>>
      tpu.enqueue_dma source(%dma_start3A_74 : memref<40x128xi32, #tpu.memory_space<hbm>>) target(%arg12 : memref<40x128xi32, #tpu.memory_space<vmem>>) target_semaphore(%run_scoped3A : memref<!tpu.dma_semaphore, #tpu.memory_space<semaphore_mem>>)
      %dma_wait3A = arith.constant 40 : i32
      %dma_wait3A_75 = arith.constant 0 : i32
      %dma_wait3A_76 = tpu.memref_slice %arg5[%add3A, %dma_wait3A, %dma_wait3A_75] : memref<32x80x128xi32, #tpu.memory_space<hbm>> -> memref<1x40x128xi32, #tpu.memory_space<hbm>>
      %dma_wait3A_77 = tpu.memref_squeeze %dma_wait3A_76 : memref<1x40x128xi32, #tpu.memory_space<hbm>> -> memref<40x128xi32, #tpu.memory_space<hbm>>
      %dma_wait3A_78 = arith.constant 40 : i32
      %dma_wait3A_79 = arith.constant 0 : i32
      %dma_wait3A_80 = tpu.memref_slice %arg5[%add3A, %dma_wait3A_78, %dma_wait3A_79] : memref<32x80x128xi32, #tpu.memory_space<hbm>> -> memref<1x40x128xi32, #tpu.memory_space<hbm>>
      %dma_wait3A_81 = tpu.memref_squeeze %dma_wait3A_80 : memref<1x40x128xi32, #tpu.memory_space<hbm>> -> memref<40x128xi32, #tpu.memory_space<hbm>>
      tpu.wait_dma2 semaphore(%run_scoped3A : memref<!tpu.dma_semaphore, #tpu.memory_space<semaphore_mem>>) src(%dma_wait3A_81 : memref<40x128xi32, #tpu.memory_space<hbm>>) dst(%arg12 : memref<40x128xi32, #tpu.memory_space<vmem>>)
      tpu.yield
    }) : () -> ()
    "tpu.region"() ({
      %run_scoped3A = tpu.sem_alloc : memref<!tpu.dma_semaphore, #tpu.memory_space<semaphore_mem>>
      %dma_start3A_67 = arith.constant 40 : i32
      %dma_start3A_68 = arith.constant 0 : i32
      %dma_start3A_69 = tpu.memref_slice %arg6[%arg1, %dma_start3A_67, %dma_start3A_68] : memref<16x80x128xi32, #tpu.memory_space<hbm>> -> memref<1x40x128xi32, #tpu.memory_space<hbm>>
      %dma_start3A_70 = tpu.memref_squeeze %dma_start3A_69 : memref<1x40x128xi32, #tpu.memory_space<hbm>> -> memref<40x128xi32, #tpu.memory_space<hbm>>
      %dma_start3A_71 = arith.constant 40 : i32
      %dma_start3A_72 = arith.constant 0 : i32
      %dma_start3A_73 = tpu.memref_slice %arg6[%arg1, %dma_start3A_71, %dma_start3A_72] : memref<16x80x128xi32, #tpu.memory_space<hbm>> -> memref<1x40x128xi32, #tpu.memory_space<hbm>>
      %dma_start3A_74 = tpu.memref_squeeze %dma_start3A_73 : memref<1x40x128xi32, #tpu.memory_space<hbm>> -> memref<40x128xi32, #tpu.memory_space<hbm>>
      tpu.enqueue_dma source(%dma_start3A_74 : memref<40x128xi32, #tpu.memory_space<hbm>>) target(%arg13 : memref<40x128xi32, #tpu.memory_space<vmem>>) target_semaphore(%run_scoped3A : memref<!tpu.dma_semaphore, #tpu.memory_space<semaphore_mem>>)
      %dma_wait3A = arith.constant 40 : i32
      %dma_wait3A_75 = arith.constant 0 : i32
      %dma_wait3A_76 = tpu.memref_slice %arg6[%arg1, %dma_wait3A, %dma_wait3A_75] : memref<16x80x128xi32, #tpu.memory_space<hbm>> -> memref<1x40x128xi32, #tpu.memory_space<hbm>>
      %dma_wait3A_77 = tpu.memref_squeeze %dma_wait3A_76 : memref<1x40x128xi32, #tpu.memory_space<hbm>> -> memref<40x128xi32, #tpu.memory_space<hbm>>
      %dma_wait3A_78 = arith.constant 40 : i32
      %dma_wait3A_79 = arith.constant 0 : i32
      %dma_wait3A_80 = tpu.memref_slice %arg6[%arg1, %dma_wait3A_78, %dma_wait3A_79] : memref<16x80x128xi32, #tpu.memory_space<hbm>> -> memref<1x40x128xi32, #tpu.memory_space<hbm>>
      %dma_wait3A_81 = tpu.memref_squeeze %dma_wait3A_80 : memref<1x40x128xi32, #tpu.memory_space<hbm>> -> memref<40x128xi32, #tpu.memory_space<hbm>>
      tpu.wait_dma2 semaphore(%run_scoped3A : memref<!tpu.dma_semaphore, #tpu.memory_space<semaphore_mem>>) src(%dma_wait3A_81 : memref<40x128xi32, #tpu.memory_space<hbm>>) dst(%arg13 : memref<40x128xi32, #tpu.memory_space<vmem>>)
      tpu.yield
    }) : () -> ()
    %dma_start3A_21 = arith.constant 0 : i32
    %dma_start3A_22 = arith.constant 0 : i32
    %dma_start3A_23 = tpu.memref_slice %arg12[%dma_start3A_21, %dma_start3A_22] : memref<40x128xi32, #tpu.memory_space<vmem>> -> memref<1x128xi32, #tpu.memory_space<vmem>>
    %dma_start3A_24 = tpu.memref_squeeze %dma_start3A_23 : memref<1x128xi32, #tpu.memory_space<vmem>> -> memref<128xi32, #tpu.memory_space<vmem>>
    %dma_start3A_25 = arith.constant 0 : i32
    %dma_start3A_26 = arith.constant 0 : i32
    %dma_start3A_27 = tpu.memref_slice %arg2[%dma_start3A_25, %dma_start3A_26] : memref<20000x128xf32, #tpu.memory_space<hbm>> -> memref<20000x128xf32, #tpu.memory_space<hbm>>
    tpu.enqueue_indirect_dma source(%dma_start3A_27 : memref<20000x128xf32, #tpu.memory_space<hbm>>) target(%arg14 : memref<128x128xf32, #tpu.memory_space<vmem>>) offsets(%dma_start3A_24 : memref<128xi32, #tpu.memory_space<vmem>>) semaphore(%arg20 : memref<!tpu.dma_semaphore, #tpu.memory_space<semaphore_mem>>)
    %scan3A_28 = arith.constant 0 : i32
    %scan3A_29 = arith.constant 0 : i32
    %scan3A_30 = arith.constant 20 : i32
    %scan3A_31 = arith.addi %scan3A_29, %scan3A_30 : i32
    %scan3A_32 = arith.constant 1 : i32
    scf.for %scan3A_67 = %scan3A_29 to %scan3A_31 step %scan3A_32  : i32 {
      %mul3A_68 = arith.constant 2 : i32
      %mul3A_69 = arith.muli %mul3A_68, %scan3A_67 : i32
      %add3A_70 = arith.constant 1 : i32
      %add3A_71 = arith.addi %mul3A_69, %add3A_70 : i32
      %dma_start3A_72 = arith.constant 0 : i32
      %dma_start3A_73 = tpu.memref_slice %arg12[%add3A_71, %dma_start3A_72] : memref<40x128xi32, #tpu.memory_space<vmem>> -> memref<1x128xi32, #tpu.memory_space<vmem>>
      %dma_start3A_74 = tpu.memref_squeeze %dma_start3A_73 : memref<1x128xi32, #tpu.memory_space<vmem>> -> memref<128xi32, #tpu.memory_space<vmem>>
      %dma_start3A_75 = arith.constant 0 : i32
      %dma_start3A_76 = arith.constant 0 : i32
      %dma_start3A_77 = tpu.memref_slice %arg2[%dma_start3A_75, %dma_start3A_76] : memref<20000x128xf32, #tpu.memory_space<hbm>> -> memref<20000x128xf32, #tpu.memory_space<hbm>>
      tpu.enqueue_indirect_dma source(%dma_start3A_77 : memref<20000x128xf32, #tpu.memory_space<hbm>>) target(%arg15 : memref<128x128xf32, #tpu.memory_space<vmem>>) offsets(%dma_start3A_74 : memref<128xi32, #tpu.memory_space<vmem>>) semaphore(%arg21 : memref<!tpu.dma_semaphore, #tpu.memory_space<semaphore_mem>>)
      %dma_wait3A = arith.constant 0 : i32
      %dma_wait3A_78 = tpu.memref_slice %arg12[%mul3A_69, %dma_wait3A] : memref<40x128xi32, #tpu.memory_space<vmem>> -> memref<1x128xi32, #tpu.memory_space<vmem>>
      %dma_wait3A_79 = tpu.memref_squeeze %dma_wait3A_78 : memref<1x128xi32, #tpu.memory_space<vmem>> -> memref<128xi32, #tpu.memory_space<vmem>>
      %dma_wait3A_80 = arith.constant 0 : i32
      %dma_wait3A_81 = arith.constant 0 : i32
      %dma_wait3A_82 = tpu.memref_slice %arg2[%dma_wait3A_80, %dma_wait3A_81] : memref<20000x128xf32, #tpu.memory_space<hbm>> -> memref<20000x128xf32, #tpu.memory_space<hbm>>
      tpu.wait_indirect_dma semaphore(%arg20 : memref<!tpu.dma_semaphore, #tpu.memory_space<semaphore_mem>>) src(%dma_wait3A_82 : memref<20000x128xf32, #tpu.memory_space<hbm>>) dst(%arg14 : memref<128x128xf32, #tpu.memory_space<vmem>>)
      "tpu.region"() ({
        %run_scoped3A = tpu.sem_alloc : memref<!tpu.dma_semaphore, #tpu.memory_space<semaphore_mem>>
        %dma_start3A_99 = arith.constant 0 : i32
        %dma_start3A_100 = tpu.memref_slice %arg13[%mul3A_69, %dma_start3A_99] : memref<40x128xi32, #tpu.memory_space<vmem>> -> memref<1x128xi32, #tpu.memory_space<vmem>>
        %dma_start3A_101 = tpu.memref_squeeze %dma_start3A_100 : memref<1x128xi32, #tpu.memory_space<vmem>> -> memref<128xi32, #tpu.memory_space<vmem>>
        %dma_start3A_102 = arith.constant 0 : i32
        %dma_start3A_103 = arith.constant 0 : i32
        %dma_start3A_104 = tpu.memref_slice %arg19[%dma_start3A_102, %dma_start3A_103] : memref<10008x128xf32, #tpu.memory_space<vmem_shared>> -> memref<10008x128xf32, #tpu.memory_space<vmem_shared>>
        tpu.enqueue_indirect_dma source(%arg14 : memref<128x128xf32, #tpu.memory_space<vmem>>) target(%dma_start3A_104 : memref<10008x128xf32, #tpu.memory_space<vmem_shared>>) offsets(%dma_start3A_101 : memref<128xi32, #tpu.memory_space<vmem>>) semaphore(%run_scoped3A : memref<!tpu.dma_semaphore, #tpu.memory_space<semaphore_mem>>) {add = true}
        %dma_wait3A_105 = arith.constant 0 : i32
        %dma_wait3A_106 = tpu.memref_slice %arg13[%mul3A_69, %dma_wait3A_105] : memref<40x128xi32, #tpu.memory_space<vmem>> -> memref<1x128xi32, #tpu.memory_space<vmem>>
        %dma_wait3A_107 = tpu.memref_squeeze %dma_wait3A_106 : memref<1x128xi32, #tpu.memory_space<vmem>> -> memref<128xi32, #tpu.memory_space<vmem>>
        %dma_wait3A_108 = arith.constant 0 : i32
        %dma_wait3A_109 = arith.constant 0 : i32
        %dma_wait3A_110 = tpu.memref_slice %arg19[%dma_wait3A_108, %dma_wait3A_109] : memref<10008x128xf32, #tpu.memory_space<vmem_shared>> -> memref<10008x128xf32, #tpu.memory_space<vmem_shared>>
        tpu.wait_indirect_dma semaphore(%run_scoped3A : memref<!tpu.dma_semaphore, #tpu.memory_space<semaphore_mem>>) src(%arg14 : memref<128x128xf32, #tpu.memory_space<vmem>>) dst(%dma_wait3A_110 : memref<10008x128xf32, #tpu.memory_space<vmem_shared>>)
        tpu.yield
      }) : () -> ()
      %add3A_83 = arith.constant 2 : i32
      %add3A_84 = arith.addi %mul3A_69, %add3A_83 : i32
      %lt3A = arith.constant 40 : i32
      %lt3A_85 = arith.cmpi slt, %add3A_84, %lt3A : i32
      %convert_element_type3A_86 = arith.extui %lt3A_85 : i1 to i32
      %cond3A_87 = arith.constant 0 : i32
      %cond3A_88 = arith.cmpi ne, %convert_element_type3A_86, %cond3A_87 : i32
      scf.if %cond3A_88 {
        %add3A_99 = arith.constant 2 : i32
        %add3A_100 = arith.addi %mul3A_69, %add3A_99 : i32
        %dma_start3A_101 = arith.constant 0 : i32
        %dma_start3A_102 = tpu.memref_slice %arg12[%add3A_100, %dma_start3A_101] : memref<40x128xi32, #tpu.memory_space<vmem>> -> memref<1x128xi32, #tpu.memory_space<vmem>>
        %dma_start3A_103 = tpu.memref_squeeze %dma_start3A_102 : memref<1x128xi32, #tpu.memory_space<vmem>> -> memref<128xi32, #tpu.memory_space<vmem>>
        %dma_start3A_104 = arith.constant 0 : i32
        %dma_start3A_105 = arith.constant 0 : i32
        %dma_start3A_106 = tpu.memref_slice %arg2[%dma_start3A_104, %dma_start3A_105] : memref<20000x128xf32, #tpu.memory_space<hbm>> -> memref<20000x128xf32, #tpu.memory_space<hbm>>
        tpu.enqueue_indirect_dma source(%dma_start3A_106 : memref<20000x128xf32, #tpu.memory_space<hbm>>) target(%arg14 : memref<128x128xf32, #tpu.memory_space<vmem>>) offsets(%dma_start3A_103 : memref<128xi32, #tpu.memory_space<vmem>>) semaphore(%arg20 : memref<!tpu.dma_semaphore, #tpu.memory_space<semaphore_mem>>)
      } else {
      }
      %add3A_89 = arith.constant 1 : i32
      %add3A_90 = arith.addi %mul3A_69, %add3A_89 : i32
      %dma_wait3A_91 = arith.constant 0 : i32
      %dma_wait3A_92 = tpu.memref_slice %arg12[%add3A_90, %dma_wait3A_91] : memref<40x128xi32, #tpu.memory_space<vmem>> -> memref<1x128xi32, #tpu.memory_space<vmem>>
      %dma_wait3A_93 = tpu.memref_squeeze %dma_wait3A_92 : memref<1x128xi32, #tpu.memory_space<vmem>> -> memref<128xi32, #tpu.memory_space<vmem>>
      %dma_wait3A_94 = arith.constant 0 : i32
      %dma_wait3A_95 = arith.constant 0 : i32
      %dma_wait3A_96 = tpu.memref_slice %arg2[%dma_wait3A_94, %dma_wait3A_95] : memref<20000x128xf32, #tpu.memory_space<hbm>> -> memref<20000x128xf32, #tpu.memory_space<hbm>>
      tpu.wait_indirect_dma semaphore(%arg21 : memref<!tpu.dma_semaphore, #tpu.memory_space<semaphore_mem>>) src(%dma_wait3A_96 : memref<20000x128xf32, #tpu.memory_space<hbm>>) dst(%arg15 : memref<128x128xf32, #tpu.memory_space<vmem>>)
      %add3A_97 = arith.constant 1 : i32
      %add3A_98 = arith.addi %mul3A_69, %add3A_97 : i32
      "tpu.region"() ({
        %run_scoped3A = tpu.sem_alloc : memref<!tpu.dma_semaphore, #tpu.memory_space<semaphore_mem>>
        %dma_start3A_99 = arith.constant 0 : i32
        %dma_start3A_100 = tpu.memref_slice %arg13[%add3A_98, %dma_start3A_99] : memref<40x128xi32, #tpu.memory_space<vmem>> -> memref<1x128xi32, #tpu.memory_space<vmem>>
        %dma_start3A_101 = tpu.memref_squeeze %dma_start3A_100 : memref<1x128xi32, #tpu.memory_space<vmem>> -> memref<128xi32, #tpu.memory_space<vmem>>
        %dma_start3A_102 = arith.constant 0 : i32
        %dma_start3A_103 = arith.constant 0 : i32
        %dma_start3A_104 = tpu.memref_slice %arg19[%dma_start3A_102, %dma_start3A_103] : memref<10008x128xf32, #tpu.memory_space<vmem_shared>> -> memref<10008x128xf32, #tpu.memory_space<vmem_shared>>
        tpu.enqueue_indirect_dma source(%arg15 : memref<128x128xf32, #tpu.memory_space<vmem>>) target(%dma_start3A_104 : memref<10008x128xf32, #tpu.memory_space<vmem_shared>>) offsets(%dma_start3A_101 : memref<128xi32, #tpu.memory_space<vmem>>) semaphore(%run_scoped3A : memref<!tpu.dma_semaphore, #tpu.memory_space<semaphore_mem>>) {add = true}
        %dma_wait3A_105 = arith.constant 0 : i32
        %dma_wait3A_106 = tpu.memref_slice %arg13[%add3A_98, %dma_wait3A_105] : memref<40x128xi32, #tpu.memory_space<vmem>> -> memref<1x128xi32, #tpu.memory_space<vmem>>
        %dma_wait3A_107 = tpu.memref_squeeze %dma_wait3A_106 : memref<1x128xi32, #tpu.memory_space<vmem>> -> memref<128xi32, #tpu.memory_space<vmem>>
        %dma_wait3A_108 = arith.constant 0 : i32
        %dma_wait3A_109 = arith.constant 0 : i32
        %dma_wait3A_110 = tpu.memref_slice %arg19[%dma_wait3A_108, %dma_wait3A_109] : memref<10008x128xf32, #tpu.memory_space<vmem_shared>> -> memref<10008x128xf32, #tpu.memory_space<vmem_shared>>
        tpu.wait_indirect_dma semaphore(%run_scoped3A : memref<!tpu.dma_semaphore, #tpu.memory_space<semaphore_mem>>) src(%arg15 : memref<128x128xf32, #tpu.memory_space<vmem>>) dst(%dma_wait3A_110 : memref<10008x128xf32, #tpu.memory_space<vmem_shared>>)
        tpu.yield
      }) : () -> ()
    }
    %scan3A_33 = arith.constant 20 : i32
    %barrier3A_34 = arith.constant 0 : index
    tpu.barrier barrier_id(%barrier3A_34)
    %mul3A_35 = arith.constant 2 : i32
    %mul3A_36 = arith.muli %arg0, %mul3A_35 : i32
    %mul3A_37 = arith.constant 8192 : i32
    %mul3A_38 = arith.muli %mul3A_36, %mul3A_37 : i32
    %mul3A_39 = arith.constant 8 : i32
    %mul3A_40 = arith.muli %arg1, %mul3A_39 : i32
    %mul3A_41 = arith.constant 128 : i32
    %mul3A_42 = arith.muli %mul3A_40, %mul3A_41 : i32
    %add3A_43 = arith.addi %mul3A_38, %mul3A_42 : i32
    %dma_start3A_44 = arith.constant 0 : i32
    %dma_start3A_45 = arith.constant 0 : i32
    %dma_start3A_46 = tpu.memref_slice %arg16[%dma_start3A_44, %dma_start3A_45] : memref<8x128xi32, #tpu.memory_space<vmem>> -> memref<1x128xi32, #tpu.memory_space<vmem>>
    %dma_start3A_47 = tpu.memref_squeeze %dma_start3A_46 : memref<1x128xi32, #tpu.memory_space<vmem>> -> memref<128xi32, #tpu.memory_space<vmem>>
    %dma_start3A_48 = arith.constant 0 : i32
    %dma_start3A_49 = arith.constant 0 : i32
    %dma_start3A_50 = tpu.memref_slice %arg19[%dma_start3A_48, %dma_start3A_49] : memref<10008x128xf32, #tpu.memory_space<vmem_shared>> -> memref<10008x128xf32, #tpu.memory_space<vmem_shared>>
    tpu.enqueue_indirect_dma source(%dma_start3A_50 : memref<10008x128xf32, #tpu.memory_space<vmem_shared>>) target(%arg14 : memref<128x128xf32, #tpu.memory_space<vmem>>) offsets(%dma_start3A_47 : memref<128xi32, #tpu.memory_space<vmem>>) semaphore(%arg20 : memref<!tpu.dma_semaphore, #tpu.memory_space<semaphore_mem>>)
    %scan3A_51 = arith.constant 0 : i32
    %scan3A_52 = arith.constant 0 : i32
    %scan3A_53 = arith.constant 4 : i32
    %scan3A_54 = arith.addi %scan3A_52, %scan3A_53 : i32
    %scan3A_55 = arith.constant 1 : i32
    scf.for %scan3A_67 = %scan3A_52 to %scan3A_54 step %scan3A_55  : i32 {
      %mul3A_68 = arith.constant 2 : i32
      %mul3A_69 = arith.muli %mul3A_68, %scan3A_67 : i32
      %add3A_70 = arith.constant 1 : i32
      %add3A_71 = arith.addi %mul3A_69, %add3A_70 : i32
      %dma_start3A_72 = arith.constant 0 : i32
      %dma_start3A_73 = tpu.memref_slice %arg16[%add3A_71, %dma_start3A_72] : memref<8x128xi32, #tpu.memory_space<vmem>> -> memref<1x128xi32, #tpu.memory_space<vmem>>
      %dma_start3A_74 = tpu.memref_squeeze %dma_start3A_73 : memref<1x128xi32, #tpu.memory_space<vmem>> -> memref<128xi32, #tpu.memory_space<vmem>>
      %dma_start3A_75 = arith.constant 0 : i32
      %dma_start3A_76 = arith.constant 0 : i32
      %dma_start3A_77 = tpu.memref_slice %arg19[%dma_start3A_75, %dma_start3A_76] : memref<10008x128xf32, #tpu.memory_space<vmem_shared>> -> memref<10008x128xf32, #tpu.memory_space<vmem_shared>>
      tpu.enqueue_indirect_dma source(%dma_start3A_77 : memref<10008x128xf32, #tpu.memory_space<vmem_shared>>) target(%arg15 : memref<128x128xf32, #tpu.memory_space<vmem>>) offsets(%dma_start3A_74 : memref<128xi32, #tpu.memory_space<vmem>>) semaphore(%arg21 : memref<!tpu.dma_semaphore, #tpu.memory_space<semaphore_mem>>)
      %dma_wait3A = arith.constant 0 : i32
      %dma_wait3A_78 = tpu.memref_slice %arg16[%mul3A_69, %dma_wait3A] : memref<8x128xi32, #tpu.memory_space<vmem>> -> memref<1x128xi32, #tpu.memory_space<vmem>>
      %dma_wait3A_79 = tpu.memref_squeeze %dma_wait3A_78 : memref<1x128xi32, #tpu.memory_space<vmem>> -> memref<128xi32, #tpu.memory_space<vmem>>
      %dma_wait3A_80 = arith.constant 0 : i32
      %dma_wait3A_81 = arith.constant 0 : i32
      %dma_wait3A_82 = tpu.memref_slice %arg19[%dma_wait3A_80, %dma_wait3A_81] : memref<10008x128xf32, #tpu.memory_space<vmem_shared>> -> memref<10008x128xf32, #tpu.memory_space<vmem_shared>>
      tpu.wait_indirect_dma semaphore(%arg20 : memref<!tpu.dma_semaphore, #tpu.memory_space<semaphore_mem>>) src(%dma_wait3A_82 : memref<10008x128xf32, #tpu.memory_space<vmem_shared>>) dst(%arg14 : memref<128x128xf32, #tpu.memory_space<vmem>>)
      %mul3A_83 = arith.constant 128 : i32
      %mul3A_84 = arith.muli %mul3A_69, %mul3A_83 : i32
      %add3A_85 = arith.addi %add3A_43, %mul3A_84 : i32
      "tpu.region"() ({
        %run_scoped3A = tpu.sem_alloc : memref<!tpu.dma_semaphore, #tpu.memory_space<semaphore_mem>>
        %dma_start3A_105 = arith.constant 0 : i32
        %dma_start3A_106 = tpu.memref_slice %arg10[%add3A_85, %dma_start3A_105] : memref<32768x128xf32, #tpu.memory_space<hbm>> -> memref<128x128xf32, #tpu.memory_space<hbm>>
        %dma_start3A_107 = arith.constant 0 : i32
        %dma_start3A_108 = tpu.memref_slice %arg10[%add3A_85, %dma_start3A_107] : memref<32768x128xf32, #tpu.memory_space<hbm>> -> memref<128x128xf32, #tpu.memory_space<hbm>>
        tpu.enqueue_dma source(%arg14 : memref<128x128xf32, #tpu.memory_space<vmem>>) target(%dma_start3A_108 : memref<128x128xf32, #tpu.memory_space<hbm>>) target_semaphore(%run_scoped3A : memref<!tpu.dma_semaphore, #tpu.memory_space<semaphore_mem>>)
        %dma_wait3A_109 = arith.constant 0 : i32
        %dma_wait3A_110 = tpu.memref_slice %arg10[%add3A_85, %dma_wait3A_109] : memref<32768x128xf32, #tpu.memory_space<hbm>> -> memref<128x128xf32, #tpu.memory_space<hbm>>
        %dma_wait3A_111 = arith.constant 0 : i32
        %dma_wait3A_112 = tpu.memref_slice %arg10[%add3A_85, %dma_wait3A_111] : memref<32768x128xf32, #tpu.memory_space<hbm>> -> memref<128x128xf32, #tpu.memory_space<hbm>>
        tpu.wait_dma2 semaphore(%run_scoped3A : memref<!tpu.dma_semaphore, #tpu.memory_space<semaphore_mem>>) src(%arg14 : memref<128x128xf32, #tpu.memory_space<vmem>>) dst(%dma_wait3A_112 : memref<128x128xf32, #tpu.memory_space<hbm>>)
        tpu.yield
      }) : () -> ()
      %add3A_86 = arith.constant 2 : i32
      %add3A_87 = arith.addi %mul3A_69, %add3A_86 : i32
      %lt3A = arith.constant 8 : i32
      %lt3A_88 = arith.cmpi slt, %add3A_87, %lt3A : i32
      %convert_element_type3A_89 = arith.extui %lt3A_88 : i1 to i32
      %cond3A_90 = arith.constant 0 : i32
      %cond3A_91 = arith.cmpi ne, %convert_element_type3A_89, %cond3A_90 : i32
      scf.if %cond3A_91 {
        %add3A_105 = arith.constant 2 : i32
        %add3A_106 = arith.addi %mul3A_69, %add3A_105 : i32
        %dma_start3A_107 = arith.constant 0 : i32
        %dma_start3A_108 = tpu.memref_slice %arg16[%add3A_106, %dma_start3A_107] : memref<8x128xi32, #tpu.memory_space<vmem>> -> memref<1x128xi32, #tpu.memory_space<vmem>>
        %dma_start3A_109 = tpu.memref_squeeze %dma_start3A_108 : memref<1x128xi32, #tpu.memory_space<vmem>> -> memref<128xi32, #tpu.memory_space<vmem>>
        %dma_start3A_110 = arith.constant 0 : i32
        %dma_start3A_111 = arith.constant 0 : i32
        %dma_start3A_112 = tpu.memref_slice %arg19[%dma_start3A_110, %dma_start3A_111] : memref<10008x128xf32, #tpu.memory_space<vmem_shared>> -> memref<10008x128xf32, #tpu.memory_space<vmem_shared>>
        tpu.enqueue_indirect_dma source(%dma_start3A_112 : memref<10008x128xf32, #tpu.memory_space<vmem_shared>>) target(%arg14 : memref<128x128xf32, #tpu.memory_space<vmem>>) offsets(%dma_start3A_109 : memref<128xi32, #tpu.memory_space<vmem>>) semaphore(%arg20 : memref<!tpu.dma_semaphore, #tpu.memory_space<semaphore_mem>>)
      } else {
      }
      %add3A_92 = arith.constant 1 : i32
      %add3A_93 = arith.addi %mul3A_69, %add3A_92 : i32
      %dma_wait3A_94 = arith.constant 0 : i32
      %dma_wait3A_95 = tpu.memref_slice %arg16[%add3A_93, %dma_wait3A_94] : memref<8x128xi32, #tpu.memory_space<vmem>> -> memref<1x128xi32, #tpu.memory_space<vmem>>
      %dma_wait3A_96 = tpu.memref_squeeze %dma_wait3A_95 : memref<1x128xi32, #tpu.memory_space<vmem>> -> memref<128xi32, #tpu.memory_space<vmem>>
      %dma_wait3A_97 = arith.constant 0 : i32
      %dma_wait3A_98 = arith.constant 0 : i32
      %dma_wait3A_99 = tpu.memref_slice %arg19[%dma_wait3A_97, %dma_wait3A_98] : memref<10008x128xf32, #tpu.memory_space<vmem_shared>> -> memref<10008x128xf32, #tpu.memory_space<vmem_shared>>
      tpu.wait_indirect_dma semaphore(%arg21 : memref<!tpu.dma_semaphore, #tpu.memory_space<semaphore_mem>>) src(%dma_wait3A_99 : memref<10008x128xf32, #tpu.memory_space<vmem_shared>>) dst(%arg15 : memref<128x128xf32, #tpu.memory_space<vmem>>)
      %add3A_100 = arith.constant 1 : i32
      %add3A_101 = arith.addi %mul3A_69, %add3A_100 : i32
      %mul3A_102 = arith.constant 128 : i32
      %mul3A_103 = arith.muli %add3A_101, %mul3A_102 : i32
      %add3A_104 = arith.addi %add3A_43, %mul3A_103 : i32
      "tpu.region"() ({
        %run_scoped3A = tpu.sem_alloc : memref<!tpu.dma_semaphore, #tpu.memory_space<semaphore_mem>>
        %dma_start3A_105 = arith.constant 0 : i32
        %dma_start3A_106 = tpu.memref_slice %arg10[%add3A_104, %dma_start3A_105] : memref<32768x128xf32, #tpu.memory_space<hbm>> -> memref<128x128xf32, #tpu.memory_space<hbm>>
        %dma_start3A_107 = arith.constant 0 : i32
        %dma_start3A_108 = tpu.memref_slice %arg10[%add3A_104, %dma_start3A_107] : memref<32768x128xf32, #tpu.memory_space<hbm>> -> memref<128x128xf32, #tpu.memory_space<hbm>>
        tpu.enqueue_dma source(%arg15 : memref<128x128xf32, #tpu.memory_space<vmem>>) target(%dma_start3A_108 : memref<128x128xf32, #tpu.memory_space<hbm>>) target_semaphore(%run_scoped3A : memref<!tpu.dma_semaphore, #tpu.memory_space<semaphore_mem>>)
        %dma_wait3A_109 = arith.constant 0 : i32
        %dma_wait3A_110 = tpu.memref_slice %arg10[%add3A_104, %dma_wait3A_109] : memref<32768x128xf32, #tpu.memory_space<hbm>> -> memref<128x128xf32, #tpu.memory_space<hbm>>
        %dma_wait3A_111 = arith.constant 0 : i32
        %dma_wait3A_112 = tpu.memref_slice %arg10[%add3A_104, %dma_wait3A_111] : memref<32768x128xf32, #tpu.memory_space<hbm>> -> memref<128x128xf32, #tpu.memory_space<hbm>>
        tpu.wait_dma2 semaphore(%run_scoped3A : memref<!tpu.dma_semaphore, #tpu.memory_space<semaphore_mem>>) src(%arg15 : memref<128x128xf32, #tpu.memory_space<vmem>>) dst(%dma_wait3A_112 : memref<128x128xf32, #tpu.memory_space<hbm>>)
        tpu.yield
      }) : () -> ()
    }
    %scan3A_56 = arith.constant 4 : i32
    %mul3A_57 = arith.constant 4 : i32
    %mul3A_58 = arith.muli %add3A, %mul3A_57 : i32
    %mul3A_59 = arith.constant 128 : i32
    %mul3A_60 = arith.muli %mul3A_58, %mul3A_59 : i32
    %scan3A_61 = arith.constant 0 : i32
    %scan3A_62 = arith.constant 0 : i32
    %scan3A_63 = arith.constant 4 : i32
    %scan3A_64 = arith.addi %scan3A_62, %scan3A_63 : i32
    %scan3A_65 = arith.constant 1 : i32
    scf.for %scan3A_67 = %scan3A_62 to %scan3A_64 step %scan3A_65  : i32 {
      %dma_start3A_68 = arith.constant 0 : i32
      %dma_start3A_69 = tpu.memref_slice %arg18[%scan3A_67, %dma_start3A_68] : memref<4x128xf32, #tpu.memory_space<vmem>> -> memref<1x128xf32, #tpu.memory_space<vmem>>
      %dma_start3A_70 = tpu.memref_squeeze %dma_start3A_69 : memref<1x128xf32, #tpu.memory_space<vmem>> -> memref<128xf32, #tpu.memory_space<vmem>>
      %dma_start3A_71 = arith.constant 0 : i32
      %dma_start3A_72 = tpu.memref_slice %arg17[%scan3A_67, %dma_start3A_71] : memref<4x128xi32, #tpu.memory_space<vmem>> -> memref<1x128xi32, #tpu.memory_space<vmem>>
      %dma_start3A_73 = tpu.memref_squeeze %dma_start3A_72 : memref<1x128xi32, #tpu.memory_space<vmem>> -> memref<128xi32, #tpu.memory_space<vmem>>
      %dma_start3A_74 = arith.constant 0 : i32
      %dma_start3A_75 = tpu.memref_slice %arg7[%dma_start3A_74] : memref<10000xf32, #tpu.memory_space<hbm>> -> memref<10000xf32, #tpu.memory_space<hbm>>
      tpu.enqueue_indirect_dma source(%dma_start3A_75 : memref<10000xf32, #tpu.memory_space<hbm>>) target(%dma_start3A_70 : memref<128xf32, #tpu.memory_space<vmem>>) offsets(%dma_start3A_73 : memref<128xi32, #tpu.memory_space<vmem>>) semaphore(%arg20 : memref<!tpu.dma_semaphore, #tpu.memory_space<semaphore_mem>>)
      %dma_wait3A = arith.constant 0 : i32
      %dma_wait3A_76 = tpu.memref_slice %arg18[%scan3A_67, %dma_wait3A] : memref<4x128xf32, #tpu.memory_space<vmem>> -> memref<1x128xf32, #tpu.memory_space<vmem>>
      %dma_wait3A_77 = tpu.memref_squeeze %dma_wait3A_76 : memref<1x128xf32, #tpu.memory_space<vmem>> -> memref<128xf32, #tpu.memory_space<vmem>>
      %dma_wait3A_78 = arith.constant 0 : i32
      %dma_wait3A_79 = tpu.memref_slice %arg17[%scan3A_67, %dma_wait3A_78] : memref<4x128xi32, #tpu.memory_space<vmem>> -> memref<1x128xi32, #tpu.memory_space<vmem>>
      %dma_wait3A_80 = tpu.memref_squeeze %dma_wait3A_79 : memref<1x128xi32, #tpu.memory_space<vmem>> -> memref<128xi32, #tpu.memory_space<vmem>>
      %dma_wait3A_81 = arith.constant 0 : i32
      %dma_wait3A_82 = tpu.memref_slice %arg7[%dma_wait3A_81] : memref<10000xf32, #tpu.memory_space<hbm>> -> memref<10000xf32, #tpu.memory_space<hbm>>
      tpu.wait_indirect_dma semaphore(%arg20 : memref<!tpu.dma_semaphore, #tpu.memory_space<semaphore_mem>>) src(%dma_wait3A_82 : memref<10000xf32, #tpu.memory_space<hbm>>) dst(%dma_wait3A_77 : memref<128xf32, #tpu.memory_space<vmem>>)
      %mul3A_83 = arith.constant 128 : i32
      %mul3A_84 = arith.muli %scan3A_67, %mul3A_83 : i32
      %add3A_85 = arith.addi %mul3A_60, %mul3A_84 : i32
      "tpu.region"() ({
        %run_scoped3A = tpu.sem_alloc : memref<!tpu.dma_semaphore, #tpu.memory_space<semaphore_mem>>
        %dma_start3A_86 = arith.constant 0 : i32
        %dma_start3A_87 = tpu.memref_slice %arg18[%scan3A_67, %dma_start3A_86] : memref<4x128xf32, #tpu.memory_space<vmem>> -> memref<1x128xf32, #tpu.memory_space<vmem>>
        %dma_start3A_88 = tpu.memref_squeeze %dma_start3A_87 : memref<1x128xf32, #tpu.memory_space<vmem>> -> memref<128xf32, #tpu.memory_space<vmem>>
        %dma_start3A_89 = tpu.memref_slice %arg11[%add3A_85] : memref<16384xf32, #tpu.memory_space<hbm>> -> memref<128xf32, #tpu.memory_space<hbm>>
        %dma_start3A_90 = tpu.memref_slice %arg11[%add3A_85] : memref<16384xf32, #tpu.memory_space<hbm>> -> memref<128xf32, #tpu.memory_space<hbm>>
        %dma_start3A_91 = arith.constant 0 : i32
        %dma_start3A_92 = tpu.memref_slice %arg18[%scan3A_67, %dma_start3A_91] : memref<4x128xf32, #tpu.memory_space<vmem>> -> memref<1x128xf32, #tpu.memory_space<vmem>>
        %dma_start3A_93 = tpu.memref_squeeze %dma_start3A_92 : memref<1x128xf32, #tpu.memory_space<vmem>> -> memref<128xf32, #tpu.memory_space<vmem>>
        tpu.enqueue_dma source(%dma_start3A_93 : memref<128xf32, #tpu.memory_space<vmem>>) target(%dma_start3A_90 : memref<128xf32, #tpu.memory_space<hbm>>) target_semaphore(%run_scoped3A : memref<!tpu.dma_semaphore, #tpu.memory_space<semaphore_mem>>)
        %dma_wait3A_94 = arith.constant 0 : i32
        %dma_wait3A_95 = tpu.memref_slice %arg18[%scan3A_67, %dma_wait3A_94] : memref<4x128xf32, #tpu.memory_space<vmem>> -> memref<1x128xf32, #tpu.memory_space<vmem>>
        %dma_wait3A_96 = tpu.memref_squeeze %dma_wait3A_95 : memref<1x128xf32, #tpu.memory_space<vmem>> -> memref<128xf32, #tpu.memory_space<vmem>>
        %dma_wait3A_97 = tpu.memref_slice %arg11[%add3A_85] : memref<16384xf32, #tpu.memory_space<hbm>> -> memref<128xf32, #tpu.memory_space<hbm>>
        %dma_wait3A_98 = tpu.memref_slice %arg11[%add3A_85] : memref<16384xf32, #tpu.memory_space<hbm>> -> memref<128xf32, #tpu.memory_space<hbm>>
        %dma_wait3A_99 = arith.constant 0 : i32
        %dma_wait3A_100 = tpu.memref_slice %arg18[%scan3A_67, %dma_wait3A_99] : memref<4x128xf32, #tpu.memory_space<vmem>> -> memref<1x128xf32, #tpu.memory_space<vmem>>
        %dma_wait3A_101 = tpu.memref_squeeze %dma_wait3A_100 : memref<1x128xf32, #tpu.memory_space<vmem>> -> memref<128xf32, #tpu.memory_space<vmem>>
        tpu.wait_dma2 semaphore(%run_scoped3A : memref<!tpu.dma_semaphore, #tpu.memory_space<semaphore_mem>>) src(%dma_wait3A_101 : memref<128xf32, #tpu.memory_space<vmem>>) dst(%dma_wait3A_98 : memref<128xf32, #tpu.memory_space<hbm>>)
        tpu.yield
      }) : () -> ()
    }
    %scan3A_66 = arith.constant 4 : i32
    return
  }
}

#map = affine_map<(d0, d1) -> (0, 0, 0)>
#map1 = affine_map<(d0, d1) -> (0)>
module attributes {stable_mosaic.version = 14 : i64} {
  func.func @_deg_kernel(%arg0: i32, %arg1: i32, %arg2: memref<32x40x128xi32, #tpu.memory_space<hbm>>, %arg3: memref<10240xf32, #tpu.memory_space<hbm>>, %arg4: memref<20480xf32, #tpu.memory_space<hbm>>, %arg5: memref<40x128xi32, #tpu.memory_space<vmem>>, %arg6: memref<128xf32, #tpu.memory_space<vmem>>, %arg7: memref<10240xf32, #tpu.memory_space<vmem_shared>>) attributes {dimension_semantics = [#tpu.dimension_semantics<core_parallel>, #tpu.dimension_semantics<subcore_parallel>], iteration_bounds = array<i64: 2, 16>, scalar_prefetch = 0 : i64, scratch_operands = 3 : i64, tpu.core_type = #tpu.core_type<sc_vector_subcore>, window_params = [{transform_indices = #map}, {transform_indices = #map1}, {transform_indices = #map1}]} {
    %mul3A = arith.constant 16 : i32
    %mul3A_0 = arith.muli %arg0, %mul3A : i32
    %add3A = arith.addi %mul3A_0, %arg1 : i32
    %mul3A_1 = arith.constant 640 : i32
    %mul3A_2 = arith.muli %arg1, %mul3A_1 : i32
    %mul3A_3 = arith.constant 640 : i32
    %mul3A_4 = arith.muli %arg1, %mul3A_3 : i32
    "tpu.region"() ({
      %run_scoped3A = tpu.sem_alloc : memref<!tpu.dma_semaphore, #tpu.memory_space<semaphore_mem>>
      %dma_start3A = tpu.memref_slice %arg7[%mul3A_4] : memref<10240xf32, #tpu.memory_space<vmem_shared>> -> memref<640xf32, #tpu.memory_space<vmem_shared>>
      %dma_start3A_64 = tpu.memref_slice %arg3[%mul3A_2] : memref<10240xf32, #tpu.memory_space<hbm>> -> memref<640xf32, #tpu.memory_space<hbm>>
      tpu.enqueue_dma source(%dma_start3A_64 : memref<640xf32, #tpu.memory_space<hbm>>) target(%dma_start3A : memref<640xf32, #tpu.memory_space<vmem_shared>>) target_semaphore(%run_scoped3A : memref<!tpu.dma_semaphore, #tpu.memory_space<semaphore_mem>>)
      %dma_wait3A = tpu.memref_slice %arg7[%mul3A_4] : memref<10240xf32, #tpu.memory_space<vmem_shared>> -> memref<640xf32, #tpu.memory_space<vmem_shared>>
      %dma_wait3A_65 = tpu.memref_slice %arg3[%mul3A_2] : memref<10240xf32, #tpu.memory_space<hbm>> -> memref<640xf32, #tpu.memory_space<hbm>>
      tpu.wait_dma2 semaphore(%run_scoped3A : memref<!tpu.dma_semaphore, #tpu.memory_space<semaphore_mem>>) src(%dma_wait3A_65 : memref<640xf32, #tpu.memory_space<hbm>>) dst(%dma_wait3A : memref<640xf32, #tpu.memory_space<vmem_shared>>)
      tpu.yield
    }) : () -> ()
    "tpu.region"() ({
      %run_scoped3A = tpu.sem_alloc : memref<!tpu.dma_semaphore, #tpu.memory_space<semaphore_mem>>
      %dma_start3A = arith.constant 0 : i32
      %dma_start3A_64 = arith.constant 0 : i32
      %dma_start3A_65 = tpu.memref_slice %arg2[%add3A, %dma_start3A, %dma_start3A_64] : memref<32x40x128xi32, #tpu.memory_space<hbm>> -> memref<1x40x128xi32, #tpu.memory_space<hbm>>
      %dma_start3A_66 = tpu.memref_squeeze %dma_start3A_65 : memref<1x40x128xi32, #tpu.memory_space<hbm>> -> memref<40x128xi32, #tpu.memory_space<hbm>>
      %dma_start3A_67 = arith.constant 0 : i32
      %dma_start3A_68 = arith.constant 0 : i32
      %dma_start3A_69 = tpu.memref_slice %arg2[%add3A, %dma_start3A_67, %dma_start3A_68] : memref<32x40x128xi32, #tpu.memory_space<hbm>> -> memref<1x40x128xi32, #tpu.memory_space<hbm>>
      %dma_start3A_70 = tpu.memref_squeeze %dma_start3A_69 : memref<1x40x128xi32, #tpu.memory_space<hbm>> -> memref<40x128xi32, #tpu.memory_space<hbm>>
      tpu.enqueue_dma source(%dma_start3A_70 : memref<40x128xi32, #tpu.memory_space<hbm>>) target(%arg5 : memref<40x128xi32, #tpu.memory_space<vmem>>) target_semaphore(%run_scoped3A : memref<!tpu.dma_semaphore, #tpu.memory_space<semaphore_mem>>)
      %dma_wait3A = arith.constant 0 : i32
      %dma_wait3A_71 = arith.constant 0 : i32
      %dma_wait3A_72 = tpu.memref_slice %arg2[%add3A, %dma_wait3A, %dma_wait3A_71] : memref<32x40x128xi32, #tpu.memory_space<hbm>> -> memref<1x40x128xi32, #tpu.memory_space<hbm>>
      %dma_wait3A_73 = tpu.memref_squeeze %dma_wait3A_72 : memref<1x40x128xi32, #tpu.memory_space<hbm>> -> memref<40x128xi32, #tpu.memory_space<hbm>>
      %dma_wait3A_74 = arith.constant 0 : i32
      %dma_wait3A_75 = arith.constant 0 : i32
      %dma_wait3A_76 = tpu.memref_slice %arg2[%add3A, %dma_wait3A_74, %dma_wait3A_75] : memref<32x40x128xi32, #tpu.memory_space<hbm>> -> memref<1x40x128xi32, #tpu.memory_space<hbm>>
      %dma_wait3A_77 = tpu.memref_squeeze %dma_wait3A_76 : memref<1x40x128xi32, #tpu.memory_space<hbm>> -> memref<40x128xi32, #tpu.memory_space<hbm>>
      tpu.wait_dma2 semaphore(%run_scoped3A : memref<!tpu.dma_semaphore, #tpu.memory_space<semaphore_mem>>) src(%dma_wait3A_77 : memref<40x128xi32, #tpu.memory_space<hbm>>) dst(%arg5 : memref<40x128xi32, #tpu.memory_space<vmem>>)
      tpu.yield
    }) : () -> ()
    %broadcast_in_dim3A = arith.constant 1.000000e+00 : f32
    %broadcast_in_dim3A_5 = vector.broadcast %broadcast_in_dim3A : f32 to vector<16xf32>
    %swap3A = arith.constant 0 : index
    %swap3A_6 = tpu.vector_load %arg6[%swap3A] {strides = array<i32>} : memref<128xf32, #tpu.memory_space<vmem>>, vector<16xf32>,
    %swap3A_7 = vector.shape_cast %swap3A_6 : vector<16xf32> to vector<16xf32>
    %swap3A_8 = vector.shape_cast %broadcast_in_dim3A_5 : vector<16xf32> to vector<16xf32>
    tpu.vector_store %arg6[%swap3A], %swap3A_8 {strides = array<i32>} : memref<128xf32, #tpu.memory_space<vmem>>, vector<16xf32>,
    %broadcast_in_dim3A_9 = arith.constant 1.000000e+00 : f32
    %broadcast_in_dim3A_10 = vector.broadcast %broadcast_in_dim3A_9 : f32 to vector<16xf32>
    %swap3A_11 = arith.constant 16 : index
    %swap3A_12 = tpu.vector_load %arg6[%swap3A_11] {strides = array<i32>} : memref<128xf32, #tpu.memory_space<vmem>>, vector<16xf32>,
    %swap3A_13 = vector.shape_cast %swap3A_12 : vector<16xf32> to vector<16xf32>
    %swap3A_14 = vector.shape_cast %broadcast_in_dim3A_10 : vector<16xf32> to vector<16xf32>
    tpu.vector_store %arg6[%swap3A_11], %swap3A_14 {strides = array<i32>} : memref<128xf32, #tpu.memory_space<vmem>>, vector<16xf32>,
    %broadcast_in_dim3A_15 = arith.constant 1.000000e+00 : f32
    %broadcast_in_dim3A_16 = vector.broadcast %broadcast_in_dim3A_15 : f32 to vector<16xf32>
    %swap3A_17 = arith.constant 32 : index
    %swap3A_18 = tpu.vector_load %arg6[%swap3A_17] {strides = array<i32>} : memref<128xf32, #tpu.memory_space<vmem>>, vector<16xf32>,
    %swap3A_19 = vector.shape_cast %swap3A_18 : vector<16xf32> to vector<16xf32>
    %swap3A_20 = vector.shape_cast %broadcast_in_dim3A_16 : vector<16xf32> to vector<16xf32>
    tpu.vector_store %arg6[%swap3A_17], %swap3A_20 {strides = array<i32>} : memref<128xf32, #tpu.memory_space<vmem>>, vector<16xf32>,
    %broadcast_in_dim3A_21 = arith.constant 1.000000e+00 : f32
    %broadcast_in_dim3A_22 = vector.broadcast %broadcast_in_dim3A_21 : f32 to vector<16xf32>
    %swap3A_23 = arith.constant 48 : index
    %swap3A_24 = tpu.vector_load %arg6[%swap3A_23] {strides = array<i32>} : memref<128xf32, #tpu.memory_space<vmem>>, vector<16xf32>,
    %swap3A_25 = vector.shape_cast %swap3A_24 : vector<16xf32> to vector<16xf32>
    %swap3A_26 = vector.shape_cast %broadcast_in_dim3A_22 : vector<16xf32> to vector<16xf32>
    tpu.vector_store %arg6[%swap3A_23], %swap3A_26 {strides = array<i32>} : memref<128xf32, #tpu.memory_space<vmem>>, vector<16xf32>,
    %broadcast_in_dim3A_27 = arith.constant 1.000000e+00 : f32
    %broadcast_in_dim3A_28 = vector.broadcast %broadcast_in_dim3A_27 : f32 to vector<16xf32>
    %swap3A_29 = arith.constant 64 : index
    %swap3A_30 = tpu.vector_load %arg6[%swap3A_29] {strides = array<i32>} : memref<128xf32, #tpu.memory_space<vmem>>, vector<16xf32>,
    %swap3A_31 = vector.shape_cast %swap3A_30 : vector<16xf32> to vector<16xf32>
    %swap3A_32 = vector.shape_cast %broadcast_in_dim3A_28 : vector<16xf32> to vector<16xf32>
    tpu.vector_store %arg6[%swap3A_29], %swap3A_32 {strides = array<i32>} : memref<128xf32, #tpu.memory_space<vmem>>, vector<16xf32>,
    %broadcast_in_dim3A_33 = arith.constant 1.000000e+00 : f32
    %broadcast_in_dim3A_34 = vector.broadcast %broadcast_in_dim3A_33 : f32 to vector<16xf32>
    %swap3A_35 = arith.constant 80 : index
    %swap3A_36 = tpu.vector_load %arg6[%swap3A_35] {strides = array<i32>} : memref<128xf32, #tpu.memory_space<vmem>>, vector<16xf32>,
    %swap3A_37 = vector.shape_cast %swap3A_36 : vector<16xf32> to vector<16xf32>
    %swap3A_38 = vector.shape_cast %broadcast_in_dim3A_34 : vector<16xf32> to vector<16xf32>
    tpu.vector_store %arg6[%swap3A_35], %swap3A_38 {strides = array<i32>} : memref<128xf32, #tpu.memory_space<vmem>>, vector<16xf32>,
    %broadcast_in_dim3A_39 = arith.constant 1.000000e+00 : f32
    %broadcast_in_dim3A_40 = vector.broadcast %broadcast_in_dim3A_39 : f32 to vector<16xf32>
    %swap3A_41 = arith.constant 96 : index
    %swap3A_42 = tpu.vector_load %arg6[%swap3A_41] {strides = array<i32>} : memref<128xf32, #tpu.memory_space<vmem>>, vector<16xf32>,
    %swap3A_43 = vector.shape_cast %swap3A_42 : vector<16xf32> to vector<16xf32>
    %swap3A_44 = vector.shape_cast %broadcast_in_dim3A_40 : vector<16xf32> to vector<16xf32>
    tpu.vector_store %arg6[%swap3A_41], %swap3A_44 {strides = array<i32>} : memref<128xf32, #tpu.memory_space<vmem>>, vector<16xf32>,
    %broadcast_in_dim3A_45 = arith.constant 1.000000e+00 : f32
    %broadcast_in_dim3A_46 = vector.broadcast %broadcast_in_dim3A_45 : f32 to vector<16xf32>
    %swap3A_47 = arith.constant 112 : index
    %swap3A_48 = tpu.vector_load %arg6[%swap3A_47] {strides = array<i32>} : memref<128xf32, #tpu.memory_space<vmem>>, vector<16xf32>,
    %swap3A_49 = vector.shape_cast %swap3A_48 : vector<16xf32> to vector<16xf32>
    %swap3A_50 = vector.shape_cast %broadcast_in_dim3A_46 : vector<16xf32> to vector<16xf32>
    tpu.vector_store %arg6[%swap3A_47], %swap3A_50 {strides = array<i32>} : memref<128xf32, #tpu.memory_space<vmem>>, vector<16xf32>,
    %barrier3A = arith.constant 0 : index
    tpu.barrier barrier_id(%barrier3A)
    %scan3A = arith.constant 0 : i32
    %scan3A_51 = arith.constant 0 : i32
    %scan3A_52 = arith.constant 40 : i32
    %scan3A_53 = arith.addi %scan3A_51, %scan3A_52 : i32
    %scan3A_54 = arith.constant 1 : i32
    scf.for %scan3A_64 = %scan3A_51 to %scan3A_53 step %scan3A_54  : i32 {
      "tpu.region"() ({
        %run_scoped3A = tpu.sem_alloc : memref<!tpu.dma_semaphore, #tpu.memory_space<semaphore_mem>>
        %dma_start3A = arith.constant 0 : i32
        %dma_start3A_65 = tpu.memref_slice %arg5[%scan3A_64, %dma_start3A] : memref<40x128xi32, #tpu.memory_space<vmem>> -> memref<1x128xi32, #tpu.memory_space<vmem>>
        %dma_start3A_66 = tpu.memref_squeeze %dma_start3A_65 : memref<1x128xi32, #tpu.memory_space<vmem>> -> memref<128xi32, #tpu.memory_space<vmem>>
        %dma_start3A_67 = arith.constant 0 : i32
        %dma_start3A_68 = tpu.memref_slice %arg7[%dma_start3A_67] : memref<10240xf32, #tpu.memory_space<vmem_shared>> -> memref<10240xf32, #tpu.memory_space<vmem_shared>>
        tpu.enqueue_indirect_dma source(%arg6 : memref<128xf32, #tpu.memory_space<vmem>>) target(%dma_start3A_68 : memref<10240xf32, #tpu.memory_space<vmem_shared>>) offsets(%dma_start3A_66 : memref<128xi32, #tpu.memory_space<vmem>>) semaphore(%run_scoped3A : memref<!tpu.dma_semaphore, #tpu.memory_space<semaphore_mem>>) {add = true}
        %dma_wait3A = arith.constant 0 : i32
        %dma_wait3A_69 = tpu.memref_slice %arg5[%scan3A_64, %dma_wait3A] : memref<40x128xi32, #tpu.memory_space<vmem>> -> memref<1x128xi32, #tpu.memory_space<vmem>>
        %dma_wait3A_70 = tpu.memref_squeeze %dma_wait3A_69 : memref<1x128xi32, #tpu.memory_space<vmem>> -> memref<128xi32, #tpu.memory_space<vmem>>
        %dma_wait3A_71 = arith.constant 0 : i32
        %dma_wait3A_72 = tpu.memref_slice %arg7[%dma_wait3A_71] : memref<10240xf32, #tpu.memory_space<vmem_shared>> -> memref<10240xf32, #tpu.memory_space<vmem_shared>>
        tpu.wait_indirect_dma semaphore(%run_scoped3A : memref<!tpu.dma_semaphore, #tpu.memory_space<semaphore_mem>>) src(%arg6 : memref<128xf32, #tpu.memory_space<vmem>>) dst(%dma_wait3A_72 : memref<10240xf32, #tpu.memory_space<vmem_shared>>)
        tpu.yield
      }) : () -> ()
    }
    %scan3A_55 = arith.constant 40 : i32
    %barrier3A_56 = arith.constant 0 : index
    tpu.barrier barrier_id(%barrier3A_56)
    %mul3A_57 = arith.constant 640 : i32
    %mul3A_58 = arith.muli %arg1, %mul3A_57 : i32
    %mul3A_59 = arith.constant 10240 : i32
    %mul3A_60 = arith.muli %arg0, %mul3A_59 : i32
    %mul3A_61 = arith.constant 640 : i32
    %mul3A_62 = arith.muli %arg1, %mul3A_61 : i32
    %add3A_63 = arith.addi %mul3A_60, %mul3A_62 : i32
    "tpu.region"() ({
      %run_scoped3A = tpu.sem_alloc : memref<!tpu.dma_semaphore, #tpu.memory_space<semaphore_mem>>
      %dma_start3A = tpu.memref_slice %arg4[%add3A_63] : memref<20480xf32, #tpu.memory_space<hbm>> -> memref<640xf32, #tpu.memory_space<hbm>>
      %dma_start3A_64 = tpu.memref_slice %arg7[%mul3A_58] : memref<10240xf32, #tpu.memory_space<vmem_shared>> -> memref<640xf32, #tpu.memory_space<vmem_shared>>
      tpu.enqueue_dma source(%dma_start3A_64 : memref<640xf32, #tpu.memory_space<vmem_shared>>) target(%dma_start3A : memref<640xf32, #tpu.memory_space<hbm>>) target_semaphore(%run_scoped3A : memref<!tpu.dma_semaphore, #tpu.memory_space<semaphore_mem>>)
      %dma_wait3A = tpu.memref_slice %arg4[%add3A_63] : memref<20480xf32, #tpu.memory_space<hbm>> -> memref<640xf32, #tpu.memory_space<hbm>>
      %dma_wait3A_65 = tpu.memref_slice %arg7[%mul3A_58] : memref<10240xf32, #tpu.memory_space<vmem_shared>> -> memref<640xf32, #tpu.memory_space<vmem_shared>>
      tpu.wait_dma2 semaphore(%run_scoped3A : memref<!tpu.dma_semaphore, #tpu.memory_space<semaphore_mem>>) src(%dma_wait3A_65 : memref<640xf32, #tpu.memory_space<vmem_shared>>) dst(%dma_wait3A : memref<640xf32, #tpu.memory_space<hbm>>)
      tpu.yield
    }) : () -> ()
    return
  }
}

module attributes {stable_mosaic.version = 14 : i64} {
  func.func @_mm1_body(%arg0: i32, %arg1: memref<1000x1xf32, #tpu.memory_space<vmem>>, %arg2: memref<1000x1xf32, #tpu.memory_space<vmem>>, %arg3: memref<1000x256xf32, #tpu.memory_space<vmem>>, %arg4: memref<256x256xf32, #tpu.memory_space<vmem>>, %arg5: memref<1000x2x128xf32, #tpu.memory_space<vmem>>, %arg6: memref<1000x128xf32, #tpu.memory_space<vmem>>, %arg7: memref<1000x128xf32, #tpu.memory_space<vmem>>, %arg8: memref<1000x1xf32, #tpu.memory_space<vmem>>) attributes {dimension_semantics = [#tpu.dimension_semantics<arbitrary>], iteration_bounds = array<i64: 10>, scalar_prefetch = 0 : i64, scratch_operands = 0 : i64, tpu.core_type = #tpu.core_type<tc>, window_params = [{transform_indices = @transform_0, window_bounds = array<i64: 1000, 1>}, {transform_indices = @transform_1, window_bounds = array<i64: 1000, 1>}, {transform_indices = @transform_2, window_bounds = array<i64: 1000, 256>}, {pipeline_mode = #tpu.pipeline_mode<synchronous>, transform_indices = @transform_3, window_bounds = array<i64: 256, 256>}, {transform_indices = @transform_4, window_bounds = array<i64: 1000, 2, 128>}, {transform_indices = @transform_5, window_bounds = array<i64: 1000, 128>}, {transform_indices = @transform_6, window_bounds = array<i64: 1000, 128>}, {transform_indices = @transform_7, window_bounds = array<i64: 1000, 1>}]} {
    %get3A = arith.constant 0 : index
    %get3A_0 = arith.constant 0 : index
    %get3A_1 = vector.load %arg1[%get3A, %get3A_0] : memref<1000x1xf32, #tpu.memory_space<vmem>>, vector<1000x1xf32>
    %add3A = arith.constant 1.000000e+00 : f32
    %add3A_2 = vector.broadcast %add3A : f32 to vector<1000x1xf32>
    %add3A_3 = arith.addf %add3A_2, %get3A_1 : vector<1000x1xf32>
    %get3A_4 = arith.constant 0 : index
    %get3A_5 = arith.constant 0 : index
    %get3A_6 = vector.load %arg2[%get3A_4, %get3A_5] : memref<1000x1xf32, #tpu.memory_space<vmem>>, vector<1000x1xf32>
    %add3A_7 = arith.addf %add3A_3, %get3A_6 : vector<1000x1xf32>
    %rsqrt3A = math.rsqrt %add3A_7 : vector<1000x1xf32>
    %swap3A = arith.constant 0 : index
    %swap3A_8 = arith.constant 0 : index
    %swap3A_9 = vector.load %arg8[%swap3A, %swap3A_8] : memref<1000x1xf32, #tpu.memory_space<vmem>>, vector<1000x1xf32>
    tpu.vector_store %arg8[%swap3A, %swap3A_8], %rsqrt3A {strides = array<i32>} : memref<1000x1xf32, #tpu.memory_space<vmem>>, vector<1000x1xf32>,
    %get3A_10 = arith.constant 0 : index
    %get3A_11 = arith.constant 0 : index
    %get3A_12 = vector.load %arg3[%get3A_10, %get3A_11] : memref<1000x256xf32, #tpu.memory_space<vmem>>, vector<1000x256xf32>
    %get3A_13 = arith.constant 0 : index
    %get3A_14 = arith.constant 0 : index
    %get3A_15 = vector.load %arg4[%get3A_13, %get3A_14] : memref<256x256xf32, #tpu.memory_space<vmem>>, vector<256x256xf32>
    %dot_general3A = arith.constant dense<0.000000e+00> : vector<1000x256xf32>
    %dot_general3A_16 = tpu.matmul %get3A_12, %get3A_15, %dot_general3A {dimension_numbers = #tpu.dot_dimension_numbers<[1], [0], [0], [1], [0, 0, 1, 1], [], []>, transpose_lhs_hint = false} : vector<1000x256xf32>, vector<256x256xf32>, vector<1000x256xf32> -> vector<1000x256xf32>
    %mul3A = vector.broadcast %rsqrt3A : vector<1000x1xf32> to vector<1000x256xf32>
    %mul3A_17 = arith.mulf %dot_general3A_16, %mul3A : vector<1000x256xf32>
    %reshape3A = vector.shape_cast %mul3A_17 : vector<1000x256xf32> to vector<1000x2x128xf32>
    %swap3A_18 = arith.constant 0 : index
    %swap3A_19 = arith.constant 0 : index
    %swap3A_20 = arith.constant 0 : index
    %swap3A_21 = vector.load %arg5[%swap3A_18, %swap3A_19, %swap3A_20] : memref<1000x2x128xf32, #tpu.memory_space<vmem>>, vector<1000x2x128xf32>
    tpu.vector_store %arg5[%swap3A_18, %swap3A_19, %swap3A_20], %reshape3A {strides = array<i32>} : memref<1000x2x128xf32, #tpu.memory_space<vmem>>, vector<1000x2x128xf32>,
    %slice3A = vector.extract_strided_slice %mul3A_17 {offsets = [0, 0], sizes = [1000, 128], strides = [1, 1]} : vector<1000x256xf32> to vector<1000x128xf32>
    %swap3A_22 = arith.constant 0 : index
    %swap3A_23 = arith.constant 0 : index
    %swap3A_24 = vector.load %arg6[%swap3A_22, %swap3A_23] : memref<1000x128xf32, #tpu.memory_space<vmem>>, vector<1000x128xf32>
    tpu.vector_store %arg6[%swap3A_22, %swap3A_23], %slice3A {strides = array<i32>} : memref<1000x128xf32, #tpu.memory_space<vmem>>, vector<1000x128xf32>,
    %slice3A_25 = vector.extract_strided_slice %mul3A_17 {offsets = [0, 128], sizes = [1000, 128], strides = [1, 1]} : vector<1000x256xf32> to vector<1000x128xf32>
    %swap3A_26 = arith.constant 0 : index
    %swap3A_27 = arith.constant 0 : index
    %swap3A_28 = vector.load %arg7[%swap3A_26, %swap3A_27] : memref<1000x128xf32, #tpu.memory_space<vmem>>, vector<1000x128xf32>
    tpu.vector_store %arg7[%swap3A_26, %swap3A_27], %slice3A_25 {strides = array<i32>} : memref<1000x128xf32, #tpu.memory_space<vmem>>, vector<1000x128xf32>,
    return
  }
  func.func @transform_0(%arg0: i32) -> (i32, i32) {
    %c0_i32 = arith.constant 0 : i32
    %c0_i32_0 = arith.constant 0 : i32
    return %arg0, %c0_i32 : i32, i32
  }
  func.func @transform_1(%arg0: i32) -> (i32, i32) {
    %c0_i32 = arith.constant 0 : i32
    %c0_i32_0 = arith.constant 0 : i32
    return %arg0, %c0_i32 : i32, i32
  }
  func.func @transform_2(%arg0: i32) -> (i32, i32) {
    %c0_i32 = arith.constant 0 : i32
    %c0_i32_0 = arith.constant 0 : i32
    return %arg0, %c0_i32 : i32, i32
  }
  func.func @transform_3(%arg0: i32) -> (i32, i32) {
    %c0_i32 = arith.constant 0 : i32
    %c0_i32_0 = arith.constant 0 : i32
    %c0_i32_1 = arith.constant 0 : i32
    return %c0_i32, %c0_i32_0 : i32, i32
  }
  func.func @transform_4(%arg0: i32) -> (i32, i32, i32) {
    %c0_i32 = arith.constant 0 : i32
    %c0_i32_0 = arith.constant 0 : i32
    %c0_i32_1 = arith.constant 0 : i32
    return %arg0, %c0_i32, %c0_i32_0 : i32, i32, i32
  }
  func.func @transform_5(%arg0: i32) -> (i32, i32) {
    %c0_i32 = arith.constant 0 : i32
    %c0_i32_0 = arith.constant 0 : i32
    return %arg0, %c0_i32 : i32, i32
  }
  func.func @transform_6(%arg0: i32) -> (i32, i32) {
    %c0_i32 = arith.constant 0 : i32
    %c0_i32_0 = arith.constant 0 : i32
    return %arg0, %c0_i32 : i32, i32
  }
  func.func @transform_7(%arg0: i32) -> (i32, i32) {
    %c0_i32 = arith.constant 0 : i32
    %c0_i32_0 = arith.constant 0 : i32
    return %arg0, %c0_i32 : i32, i32
  }
}

module attributes {stable_mosaic.version = 14 : i64} {
  func.func @_mm2_body(%arg0: i32, %arg1: memref<1000x128xf32, #tpu.memory_space<vmem>>, %arg2: memref<1000x128xf32, #tpu.memory_space<vmem>>, %arg3: memref<1000x1xf32, #tpu.memory_space<vmem>>, %arg4: memref<1x256xf32, #tpu.memory_space<vmem>>, %arg5: memref<256x256xf32, #tpu.memory_space<vmem>>, %arg6: memref<1000x2x128xf32, #tpu.memory_space<vmem>>, %arg7: memref<1000x128xf32, #tpu.memory_space<vmem>>, %arg8: memref<1000x128xf32, #tpu.memory_space<vmem>>) attributes {dimension_semantics = [#tpu.dimension_semantics<arbitrary>], iteration_bounds = array<i64: 10>, scalar_prefetch = 0 : i64, scratch_operands = 0 : i64, tpu.core_type = #tpu.core_type<tc>, window_params = [{transform_indices = @transform_0, window_bounds = array<i64: 1000, 128>}, {transform_indices = @transform_1, window_bounds = array<i64: 1000, 128>}, {transform_indices = @transform_2, window_bounds = array<i64: 1000, 1>}, {pipeline_mode = #tpu.pipeline_mode<synchronous>, transform_indices = @transform_3, window_bounds = array<i64: 1, 256>}, {pipeline_mode = #tpu.pipeline_mode<synchronous>, transform_indices = @transform_4, window_bounds = array<i64: 256, 256>}, {transform_indices = @transform_5, window_bounds = array<i64: 1000, 2, 128>}, {transform_indices = @transform_6, window_bounds = array<i64: 1000, 128>}, {transform_indices = @transform_7, window_bounds = array<i64: 1000, 128>}]} {
    %get3A = arith.constant 0 : index
    %get3A_0 = arith.constant 0 : index
    %get3A_1 = vector.load %arg3[%get3A, %get3A_0] : memref<1000x1xf32, #tpu.memory_space<vmem>>, vector<1000x1xf32>
    %get3A_2 = arith.constant 0 : index
    %get3A_3 = arith.constant 0 : index
    %get3A_4 = vector.load %arg4[%get3A_2, %get3A_3] : memref<1x256xf32, #tpu.memory_space<vmem>>, vector<1x256xf32>
    %get3A_5 = arith.constant 0 : index
    %get3A_6 = arith.constant 0 : index
    %get3A_7 = vector.load %arg1[%get3A_5, %get3A_6] : memref<1000x128xf32, #tpu.memory_space<vmem>>, vector<1000x128xf32>
    %mul3A = vector.broadcast %get3A_1 : vector<1000x1xf32> to vector<1000x128xf32>
    %mul3A_8 = arith.mulf %get3A_7, %mul3A : vector<1000x128xf32>
    %slice3A = vector.extract_strided_slice %get3A_4 {offsets = [0, 0], sizes = [1, 128], strides = [1, 1]} : vector<1x256xf32> to vector<1x128xf32>
    %add3A = vector.broadcast %slice3A : vector<1x128xf32> to vector<1000x128xf32>
    %add3A_9 = arith.addf %mul3A_8, %add3A : vector<1000x128xf32>
    %max3A = arith.constant 0.000000e+00 : f32
    %max3A_10 = vector.broadcast %max3A : f32 to vector<1000x128xf32>
    %max3A_11 = arith.maximumf %add3A_9, %max3A_10 : vector<1000x128xf32>
    %get3A_12 = arith.constant 0 : index
    %get3A_13 = arith.constant 0 : index
    %get3A_14 = vector.load %arg2[%get3A_12, %get3A_13] : memref<1000x128xf32, #tpu.memory_space<vmem>>, vector<1000x128xf32>
    %mul3A_15 = vector.broadcast %get3A_1 : vector<1000x1xf32> to vector<1000x128xf32>
    %mul3A_16 = arith.mulf %get3A_14, %mul3A_15 : vector<1000x128xf32>
    %slice3A_17 = vector.extract_strided_slice %get3A_4 {offsets = [0, 128], sizes = [1, 128], strides = [1, 1]} : vector<1x256xf32> to vector<1x128xf32>
    %add3A_18 = vector.broadcast %slice3A_17 : vector<1x128xf32> to vector<1000x128xf32>
    %add3A_19 = arith.addf %mul3A_16, %add3A_18 : vector<1000x128xf32>
    %max3A_20 = arith.constant 0.000000e+00 : f32
    %max3A_21 = vector.broadcast %max3A_20 : f32 to vector<1000x128xf32>
    %max3A_22 = arith.maximumf %add3A_19, %max3A_21 : vector<1000x128xf32>
    %get3A_23 = arith.constant 0 : index
    %get3A_24 = arith.constant 0 : index
    %get3A_25 = vector.load %arg5[%get3A_23, %get3A_24] : memref<256x256xf32, #tpu.memory_space<vmem>>, vector<256x256xf32>
    %slice3A_26 = vector.extract_strided_slice %get3A_25 {offsets = [0, 0], sizes = [128, 256], strides = [1, 1]} : vector<256x256xf32> to vector<128x256xf32>
    %dot_general3A = arith.constant dense<0.000000e+00> : vector<1000x256xf32>
    %dot_general3A_27 = tpu.matmul %max3A_11, %slice3A_26, %dot_general3A {dimension_numbers = #tpu.dot_dimension_numbers<[1], [0], [0], [1], [0, 0, 1, 1], [], []>, transpose_lhs_hint = false} : vector<1000x128xf32>, vector<128x256xf32>, vector<1000x256xf32> -> vector<1000x256xf32>
    %slice3A_28 = vector.extract_strided_slice %get3A_25 {offsets = [128, 0], sizes = [128, 256], strides = [1, 1]} : vector<256x256xf32> to vector<128x256xf32>
    %dot_general3A_29 = arith.constant dense<0.000000e+00> : vector<1000x256xf32>
    %dot_general3A_30 = tpu.matmul %max3A_22, %slice3A_28, %dot_general3A_29 {dimension_numbers = #tpu.dot_dimension_numbers<[1], [0], [0], [1], [0, 0, 1, 1], [], []>, transpose_lhs_hint = false} : vector<1000x128xf32>, vector<128x256xf32>, vector<1000x256xf32> -> vector<1000x256xf32>
    %add3A_31 = arith.addf %dot_general3A_27, %dot_general3A_30 : vector<1000x256xf32>
    %mul3A_32 = vector.broadcast %get3A_1 : vector<1000x1xf32> to vector<1000x256xf32>
    %mul3A_33 = arith.mulf %add3A_31, %mul3A_32 : vector<1000x256xf32>
    %reshape3A = vector.shape_cast %mul3A_33 : vector<1000x256xf32> to vector<1000x2x128xf32>
    %swap3A = arith.constant 0 : index
    %swap3A_34 = arith.constant 0 : index
    %swap3A_35 = arith.constant 0 : index
    %swap3A_36 = vector.load %arg6[%swap3A, %swap3A_34, %swap3A_35] : memref<1000x2x128xf32, #tpu.memory_space<vmem>>, vector<1000x2x128xf32>
    tpu.vector_store %arg6[%swap3A, %swap3A_34, %swap3A_35], %reshape3A {strides = array<i32>} : memref<1000x2x128xf32, #tpu.memory_space<vmem>>, vector<1000x2x128xf32>,
    %slice3A_37 = vector.extract_strided_slice %mul3A_33 {offsets = [0, 0], sizes = [1000, 128], strides = [1, 1]} : vector<1000x256xf32> to vector<1000x128xf32>
    %swap3A_38 = arith.constant 0 : index
    %swap3A_39 = arith.constant 0 : index
    %swap3A_40 = vector.load %arg7[%swap3A_38, %swap3A_39] : memref<1000x128xf32, #tpu.memory_space<vmem>>, vector<1000x128xf32>
    tpu.vector_store %arg7[%swap3A_38, %swap3A_39], %slice3A_37 {strides = array<i32>} : memref<1000x128xf32, #tpu.memory_space<vmem>>, vector<1000x128xf32>,
    %slice3A_41 = vector.extract_strided_slice %mul3A_33 {offsets = [0, 128], sizes = [1000, 128], strides = [1, 1]} : vector<1000x256xf32> to vector<1000x128xf32>
    %swap3A_42 = arith.constant 0 : index
    %swap3A_43 = arith.constant 0 : index
    %swap3A_44 = vector.load %arg8[%swap3A_42, %swap3A_43] : memref<1000x128xf32, #tpu.memory_space<vmem>>, vector<1000x128xf32>
    tpu.vector_store %arg8[%swap3A_42, %swap3A_43], %slice3A_41 {strides = array<i32>} : memref<1000x128xf32, #tpu.memory_space<vmem>>, vector<1000x128xf32>,
    return
  }
  func.func @transform_0(%arg0: i32) -> (i32, i32) {
    %c0_i32 = arith.constant 0 : i32
    %c0_i32_0 = arith.constant 0 : i32
    return %arg0, %c0_i32 : i32, i32
  }
  func.func @transform_1(%arg0: i32) -> (i32, i32) {
    %add3A = arith.constant 10 : i32
    %add3A_0 = arith.addi %add3A, %arg0 : i32
    %c0_i32 = arith.constant 0 : i32
    %c0_i32_1 = arith.constant 0 : i32
    return %add3A_0, %c0_i32 : i32, i32
  }
  func.func @transform_2(%arg0: i32) -> (i32, i32) {
    %c0_i32 = arith.constant 0 : i32
    %c0_i32_0 = arith.constant 0 : i32
    return %arg0, %c0_i32 : i32, i32
  }
  func.func @transform_3(%arg0: i32) -> (i32, i32) {
    %c0_i32 = arith.constant 0 : i32
    %c0_i32_0 = arith.constant 0 : i32
    %c0_i32_1 = arith.constant 0 : i32
    return %c0_i32, %c0_i32_0 : i32, i32
  }
  func.func @transform_4(%arg0: i32) -> (i32, i32) {
    %c0_i32 = arith.constant 0 : i32
    %c0_i32_0 = arith.constant 0 : i32
    %c0_i32_1 = arith.constant 0 : i32
    return %c0_i32, %c0_i32_0 : i32, i32
  }
  func.func @transform_5(%arg0: i32) -> (i32, i32, i32) {
    %c0_i32 = arith.constant 0 : i32
    %c0_i32_0 = arith.constant 0 : i32
    %c0_i32_1 = arith.constant 0 : i32
    return %arg0, %c0_i32, %c0_i32_0 : i32, i32, i32
  }
  func.func @transform_6(%arg0: i32) -> (i32, i32) {
    %c0_i32 = arith.constant 0 : i32
    %c0_i32_0 = arith.constant 0 : i32
    return %arg0, %c0_i32 : i32, i32
  }
  func.func @transform_7(%arg0: i32) -> (i32, i32) {
    %c0_i32 = arith.constant 0 : i32
    %c0_i32_0 = arith.constant 0 : i32
    return %arg0, %c0_i32 : i32, i32
  }
}

module attributes {stable_mosaic.version = 14 : i64} {
  func.func @_pred_body(%arg0: i32, %arg1: memref<1024x128xf32, #tpu.memory_space<vmem>>, %arg2: memref<1024x128xf32, #tpu.memory_space<vmem>>, %arg3: memref<1024x128xf32, #tpu.memory_space<vmem>>, %arg4: memref<1024x128xf32, #tpu.memory_space<vmem>>, %arg5: memref<1024x1xf32, #tpu.memory_space<vmem>>, %arg6: memref<1024x1xf32, #tpu.memory_space<vmem>>, %arg7: memref<1x256xf32, #tpu.memory_space<vmem>>, %arg8: memref<256x256xf32, #tpu.memory_space<vmem>>, %arg9: memref<1x256xf32, #tpu.memory_space<vmem>>, %arg10: memref<256x1xf32, #tpu.memory_space<vmem>>, %arg11: memref<1x1xf32, #tpu.memory_space<vmem>>, %arg12: memref<1024x1xf32, #tpu.memory_space<vmem>>) attributes {dimension_semantics = [#tpu.dimension_semantics<arbitrary>], iteration_bounds = array<i64: 8>, scalar_prefetch = 0 : i64, scratch_operands = 0 : i64, tpu.core_type = #tpu.core_type<tc>, window_params = [{transform_indices = @transform_0, window_bounds = array<i64: 1024, 128>}, {transform_indices = @transform_1, window_bounds = array<i64: 1024, 128>}, {transform_indices = @transform_2, window_bounds = array<i64: 1024, 128>}, {transform_indices = @transform_3, window_bounds = array<i64: 1024, 128>}, {transform_indices = @transform_4, window_bounds = array<i64: 1024, 1>}, {transform_indices = @transform_5, window_bounds = array<i64: 1024, 1>}, {pipeline_mode = #tpu.pipeline_mode<synchronous>, transform_indices = @transform_6, window_bounds = array<i64: 1, 256>}, {pipeline_mode = #tpu.pipeline_mode<synchronous>, transform_indices = @transform_7, window_bounds = array<i64: 256, 256>}, {pipeline_mode = #tpu.pipeline_mode<synchronous>, transform_indices = @transform_8, window_bounds = array<i64: 1, 256>}, {pipeline_mode = #tpu.pipeline_mode<synchronous>, transform_indices = @transform_9, window_bounds = array<i64: 256, 1>}, {pipeline_mode = #tpu.pipeline_mode<synchronous>, transform_indices = @transform_10, window_bounds = array<i64: 1, 1>}, {transform_indices = @transform_11, window_bounds = array<i64: 1024, 1>}]} {
    %get3A = arith.constant 0 : index
    %get3A_0 = arith.constant 0 : index
    %get3A_1 = vector.load %arg7[%get3A, %get3A_0] : memref<1x256xf32, #tpu.memory_space<vmem>>, vector<1x256xf32>
    %get3A_2 = arith.constant 0 : index
    %get3A_3 = arith.constant 0 : index
    %get3A_4 = vector.load %arg5[%get3A_2, %get3A_3] : memref<1024x1xf32, #tpu.memory_space<vmem>>, vector<1024x1xf32>
    %get3A_5 = arith.constant 0 : index
    %get3A_6 = arith.constant 0 : index
    %get3A_7 = vector.load %arg6[%get3A_5, %get3A_6] : memref<1024x1xf32, #tpu.memory_space<vmem>>, vector<1024x1xf32>
    %get3A_8 = arith.constant 0 : index
    %get3A_9 = arith.constant 0 : index
    %get3A_10 = vector.load %arg1[%get3A_8, %get3A_9] : memref<1024x128xf32, #tpu.memory_space<vmem>>, vector<1024x128xf32>
    %mul3A = vector.broadcast %get3A_4 : vector<1024x1xf32> to vector<1024x128xf32>
    %mul3A_11 = arith.mulf %get3A_10, %mul3A : vector<1024x128xf32>
    %slice3A = vector.extract_strided_slice %get3A_1 {offsets = [0, 0], sizes = [1, 128], strides = [1, 1]} : vector<1x256xf32> to vector<1x128xf32>
    %add3A = vector.broadcast %slice3A : vector<1x128xf32> to vector<1024x128xf32>
    %add3A_12 = arith.addf %mul3A_11, %add3A : vector<1024x128xf32>
    %get3A_13 = arith.constant 0 : index
    %get3A_14 = arith.constant 0 : index
    %get3A_15 = vector.load %arg3[%get3A_13, %get3A_14] : memref<1024x128xf32, #tpu.memory_space<vmem>>, vector<1024x128xf32>
    %mul3A_16 = vector.broadcast %get3A_7 : vector<1024x1xf32> to vector<1024x128xf32>
    %mul3A_17 = arith.mulf %get3A_15, %mul3A_16 : vector<1024x128xf32>
    %slice3A_18 = vector.extract_strided_slice %get3A_1 {offsets = [0, 0], sizes = [1, 128], strides = [1, 1]} : vector<1x256xf32> to vector<1x128xf32>
    %add3A_19 = vector.broadcast %slice3A_18 : vector<1x128xf32> to vector<1024x128xf32>
    %add3A_20 = arith.addf %mul3A_17, %add3A_19 : vector<1024x128xf32>
    %mul3A_21 = arith.mulf %add3A_12, %add3A_20 : vector<1024x128xf32>
    %get3A_22 = arith.constant 0 : index
    %get3A_23 = arith.constant 0 : index
    %get3A_24 = vector.load %arg2[%get3A_22, %get3A_23] : memref<1024x128xf32, #tpu.memory_space<vmem>>, vector<1024x128xf32>
    %mul3A_25 = vector.broadcast %get3A_4 : vector<1024x1xf32> to vector<1024x128xf32>
    %mul3A_26 = arith.mulf %get3A_24, %mul3A_25 : vector<1024x128xf32>
    %slice3A_27 = vector.extract_strided_slice %get3A_1 {offsets = [0, 128], sizes = [1, 128], strides = [1, 1]} : vector<1x256xf32> to vector<1x128xf32>
    %add3A_28 = vector.broadcast %slice3A_27 : vector<1x128xf32> to vector<1024x128xf32>
    %add3A_29 = arith.addf %mul3A_26, %add3A_28 : vector<1024x128xf32>
    %get3A_30 = arith.constant 0 : index
    %get3A_31 = arith.constant 0 : index
    %get3A_32 = vector.load %arg4[%get3A_30, %get3A_31] : memref<1024x128xf32, #tpu.memory_space<vmem>>, vector<1024x128xf32>
    %mul3A_33 = vector.broadcast %get3A_7 : vector<1024x1xf32> to vector<1024x128xf32>
    %mul3A_34 = arith.mulf %get3A_32, %mul3A_33 : vector<1024x128xf32>
    %slice3A_35 = vector.extract_strided_slice %get3A_1 {offsets = [0, 128], sizes = [1, 128], strides = [1, 1]} : vector<1x256xf32> to vector<1x128xf32>
    %add3A_36 = vector.broadcast %slice3A_35 : vector<1x128xf32> to vector<1024x128xf32>
    %add3A_37 = arith.addf %mul3A_34, %add3A_36 : vector<1024x128xf32>
    %mul3A_38 = arith.mulf %add3A_29, %add3A_37 : vector<1024x128xf32>
    %get3A_39 = arith.constant 0 : index
    %get3A_40 = arith.constant 0 : index
    %get3A_41 = vector.load %arg8[%get3A_39, %get3A_40] : memref<256x256xf32, #tpu.memory_space<vmem>>, vector<256x256xf32>
    %slice3A_42 = vector.extract_strided_slice %get3A_41 {offsets = [0, 0], sizes = [128, 256], strides = [1, 1]} : vector<256x256xf32> to vector<128x256xf32>
    %dot_general3A = arith.constant dense<0.000000e+00> : vector<1024x256xf32>
    %dot_general3A_43 = tpu.matmul %mul3A_21, %slice3A_42, %dot_general3A {dimension_numbers = #tpu.dot_dimension_numbers<[1], [0], [0], [1], [0, 0, 1, 1], [], []>, transpose_lhs_hint = false} : vector<1024x128xf32>, vector<128x256xf32>, vector<1024x256xf32> -> vector<1024x256xf32>
    %slice3A_44 = vector.extract_strided_slice %get3A_41 {offsets = [128, 0], sizes = [128, 256], strides = [1, 1]} : vector<256x256xf32> to vector<128x256xf32>
    %dot_general3A_45 = arith.constant dense<0.000000e+00> : vector<1024x256xf32>
    %dot_general3A_46 = tpu.matmul %mul3A_38, %slice3A_44, %dot_general3A_45 {dimension_numbers = #tpu.dot_dimension_numbers<[1], [0], [0], [1], [0, 0, 1, 1], [], []>, transpose_lhs_hint = false} : vector<1024x128xf32>, vector<128x256xf32>, vector<1024x256xf32> -> vector<1024x256xf32>
    %add3A_47 = arith.addf %dot_general3A_43, %dot_general3A_46 : vector<1024x256xf32>
    %get3A_48 = arith.constant 0 : index
    %get3A_49 = arith.constant 0 : index
    %get3A_50 = vector.load %arg9[%get3A_48, %get3A_49] : memref<1x256xf32, #tpu.memory_space<vmem>>, vector<1x256xf32>
    %add3A_51 = vector.broadcast %get3A_50 : vector<1x256xf32> to vector<1024x256xf32>
    %add3A_52 = arith.addf %add3A_47, %add3A_51 : vector<1024x256xf32>
    %max3A = arith.constant 0.000000e+00 : f32
    %max3A_53 = vector.broadcast %max3A : f32 to vector<1024x256xf32>
    %max3A_54 = arith.maximumf %add3A_52, %max3A_53 : vector<1024x256xf32>
    %get3A_55 = arith.constant 0 : index
    %get3A_56 = arith.constant 0 : index
    %get3A_57 = vector.load %arg10[%get3A_55, %get3A_56] : memref<256x1xf32, #tpu.memory_space<vmem>>, vector<256x1xf32>
    %dot_general3A_58 = arith.constant dense<0.000000e+00> : vector<1024x1xf32>
    %dot_general3A_59 = tpu.matmul %max3A_54, %get3A_57, %dot_general3A_58 {dimension_numbers = #tpu.dot_dimension_numbers<[1], [0], [0], [1], [0, 0, 1, 1], [], []>, transpose_lhs_hint = false} : vector<1024x256xf32>, vector<256x1xf32>, vector<1024x1xf32> -> vector<1024x1xf32>
    %get3A_60 = arith.constant 0 : index
    %get3A_61 = arith.constant 0 : index
    %get3A_62 = vector.load %arg11[%get3A_60, %get3A_61] : memref<1x1xf32, #tpu.memory_space<vmem>>, vector<1x1xf32>
    %add3A_63 = vector.broadcast %get3A_62 : vector<1x1xf32> to vector<1024x1xf32>
    %add3A_64 = arith.addf %dot_general3A_59, %add3A_63 : vector<1024x1xf32>
    %logistic3A = arith.negf %add3A_64 : vector<1024x1xf32>
    %logistic3A_65 = math.exp %logistic3A : vector<1024x1xf32>
    %logistic3A_66 = arith.constant 1.000000e+00 : f32
    %logistic3A_67 = vector.broadcast %logistic3A_66 : f32 to vector<1024x1xf32>
    %logistic3A_68 = arith.addf %logistic3A_67, %logistic3A_65 : vector<1024x1xf32>
    %logistic3A_69 = arith.divf %logistic3A_67, %logistic3A_68 : vector<1024x1xf32>
    %swap3A = arith.constant 0 : index
    %swap3A_70 = arith.constant 0 : index
    %swap3A_71 = vector.load %arg12[%swap3A, %swap3A_70] : memref<1024x1xf32, #tpu.memory_space<vmem>>, vector<1024x1xf32>
    tpu.vector_store %arg12[%swap3A, %swap3A_70], %logistic3A_69 {strides = array<i32>} : memref<1024x1xf32, #tpu.memory_space<vmem>>, vector<1024x1xf32>,
    return
  }
  func.func @transform_0(%arg0: i32) -> (i32, i32) {
    %c0_i32 = arith.constant 0 : i32
    %c0_i32_0 = arith.constant 0 : i32
    return %arg0, %c0_i32 : i32, i32
  }
  func.func @transform_1(%arg0: i32) -> (i32, i32) {
    %add3A = arith.constant 16 : i32
    %add3A_0 = arith.addi %add3A, %arg0 : i32
    %c0_i32 = arith.constant 0 : i32
    %c0_i32_1 = arith.constant 0 : i32
    return %add3A_0, %c0_i32 : i32, i32
  }
  func.func @transform_2(%arg0: i32) -> (i32, i32) {
    %add3A = arith.constant 8 : i32
    %add3A_0 = arith.addi %add3A, %arg0 : i32
    %c0_i32 = arith.constant 0 : i32
    %c0_i32_1 = arith.constant 0 : i32
    return %add3A_0, %c0_i32 : i32, i32
  }
  func.func @transform_3(%arg0: i32) -> (i32, i32) {
    %add3A = arith.constant 24 : i32
    %add3A_0 = arith.addi %add3A, %arg0 : i32
    %c0_i32 = arith.constant 0 : i32
    %c0_i32_1 = arith.constant 0 : i32
    return %add3A_0, %c0_i32 : i32, i32
  }
  func.func @transform_4(%arg0: i32) -> (i32, i32) {
    %c0_i32 = arith.constant 0 : i32
    %c0_i32_0 = arith.constant 0 : i32
    return %arg0, %c0_i32 : i32, i32
  }
  func.func @transform_5(%arg0: i32) -> (i32, i32) {
    %add3A = arith.constant 8 : i32
    %add3A_0 = arith.addi %add3A, %arg0 : i32
    %c0_i32 = arith.constant 0 : i32
    %c0_i32_1 = arith.constant 0 : i32
    return %add3A_0, %c0_i32 : i32, i32
  }
  func.func @transform_6(%arg0: i32) -> (i32, i32) {
    %c0_i32 = arith.constant 0 : i32
    %c0_i32_0 = arith.constant 0 : i32
    %c0_i32_1 = arith.constant 0 : i32
    return %c0_i32, %c0_i32_0 : i32, i32
  }
  func.func @transform_7(%arg0: i32) -> (i32, i32) {
    %c0_i32 = arith.constant 0 : i32
    %c0_i32_0 = arith.constant 0 : i32
    %c0_i32_1 = arith.constant 0 : i32
    return %c0_i32, %c0_i32_0 : i32, i32
  }
  func.func @transform_8(%arg0: i32) -> (i32, i32) {
    %c0_i32 = arith.constant 0 : i32
    %c0_i32_0 = arith.constant 0 : i32
    %c0_i32_1 = arith.constant 0 : i32
    return %c0_i32, %c0_i32_0 : i32, i32
  }
  func.func @transform_9(%arg0: i32) -> (i32, i32) {
    %c0_i32 = arith.constant 0 : i32
    %c0_i32_0 = arith.constant 0 : i32
    %c0_i32_1 = arith.constant 0 : i32
    return %c0_i32, %c0_i32_0 : i32, i32
  }
  func.func @transform_10(%arg0: i32) -> (i32, i32) {
    %c0_i32 = arith.constant 0 : i32
    %c0_i32_0 = arith.constant 0 : i32
    %c0_i32_1 = arith.constant 0 : i32
    return %c0_i32, %c0_i32_0 : i32, i32
  }
  func.func @transform_11(%arg0: i32) -> (i32, i32) {
    %c0_i32 = arith.constant 0 : i32
    %c0_i32_0 = arith.constant 0 : i32
    return %arg0, %c0_i32 : i32, i32
  }
}

</mosaic_0001>

<sc_bundles>
// kernel: kernel.11.cloned.1.call-start
scs
__scs_entry_jumppad:
0x0: {  	(pc) =	sbr.rel $0x88, $3  }
0x1: {  	(tag) =	ssettag $0x0;
	lr =	simm.s32 $0x1  }
0x2: {  	[smem:$0x3F96] =	sst lr;
	_ =	strace $0xD0000000  }
0x3: {  	_ = 	snop  }
0x4: {  	_ = 	snop  }
0x5: {  	_ = 	snop  }
0x6: {  	_ = 	snop  }
0x7: {  	_ = 	snop  }
__scs_overlays_trampoline_lowered:
0x8: {  	[smem:$0x3FA5] =	sst s0  }
0x9: {  	[smem:$0x3FA6] =	sst s1  }
0xa: {  	[smem:$0x3FA7] =	sst s2  }
0xb: {  	[smem:$0x3FA8] =	sst s3  }
0xc: {  	[smem:$0x3FA9] =	sst s4  }
0xd: {  	[smem:$0x3FAA] =	sst s5  }
0xe: {  	[smem:$0x3FAB] =	sst s6  }
0xf: {  	[smem:$0x3FAC] =	sst s7  }
0x10: {  	[smem:$0x3FAD] =	sst s8  }
0x11: {  	[smem:$0x3FAE] =	sst s9;
	s0 =	simm.s32 @!p0 $0x0  }
0x12: {  	s1 =	sld [smem:$0x3F94];
	s0 =	simm.s32 @p0 $0x1  }
0x13: {  	[smem:$0x3FAF] =	sst s0;
	s0 =	simm.s32 @!p1 $0x0  }
0x14: {  	s2 =	sld [smem:$0x3F93];
	s0 =	simm.s32 @p1 $0x1  }
0x15: {  	[smem:$0x3FB0] =	sst s0;
	s0 =	simm.s32 @!p2 $0x0  }
0x16: {  	s3 =	sld [smem:$0x3FDB];
	s0 =	simm.s32 @p2 $0x1  }
0x17: {  	s4 =	simm.s32 $0x1BF5;
	[smem:$0x3FB2] =	sst s0  }
0x18: {  	s0 =	sld [smem:$0x3F95];
	_ =	swait.ge [sflag:s4], $0x0  }
0x19: {  	s7 =	sld [smem:$0x3F96]  }
0x1a: {  	s8 =	sadd.s32 $0xFFFFE003, lr  }
0x1b: {  	s9 =	sadd.s32 $0xFFFFFEF7, lr;
	s5 =	simm.s32 $0xFFFFFFFF;
	p2 =	slt.u32 s8, $0xFFFFF086  }
0x1c: {  	p1 =	slt.u32 s9, $0xF7A;
	s5 =	simm.s32 @!p2 $0x0  }
0x1d: {  	s5 =	simm.s32 @p1 $0x1;
	p0 =	seq.s32 s7, s2  }
0x1e: {  	s7 =	smul.u32 @!p0 $0xF7A, s2;
	p2 =	seq.s32 @!p0 s5, $0x0  }
0x1f: {  	s9 =	smul.u32 $0xF7A, s1;
	s8 =	simm.s32 @!p0 $0x1BF5;
	p2 =	por !p2, p0  }
0x20: {  	[sflag:s8] =	ssyncset.s32 @!p0 $0xFFFFF086;
	s6 =	sadd.s32 @!p0 s3, s7;
	s7 =	simm.s32 @!p0 $0x108  }
0x21: {  	s3 =	sadd.s32 s3, s9;
	s6 =	sadd.s32 @!p0 $0x88, s6;
	s7 =	simm.s32 @p2 $0x1082  }
0x22: {  	[simem:s7], [sflag:s8] =	dma.local @!p0 [hbm:s6], $0xF7A  }
0x23: {  	s9 =	sor.u32 $0xD0000000, s2;
	s6 =	simm.s32 $0x108;
	_ =	swait.ge @!p0 [sflag:s8], $0x0  }
0x24: {  	s3 =	sadd.s32 $0x88, s3;
	s6 =	simm.s32 @!p1 $0x1082;
	[sflag:s4] =	ssyncset.s32 $0xFFFFF086  }
0x25: {  	[simem:s6], [sflag:s4] =	dma.local [hbm:s3], $0xF7A  }
0x26: {  	[smem:$0x3F96] =	sst s1;
	(tag) =	ssettag s2;
	_ =	strace s9  }
0x27: {  	s1 =	sld [smem:$0x3FA6]  }
0x28: {  	s2 =	sld [smem:$0x3FA7]  }
0x29: {  	s4 =	sld [smem:$0x3FA9]  }
0x2a: {  	p0 =	seq.s32 s5, $0x0;
	s5 =	sld [smem:$0x3FAA]  }
0x2b: {  	s6 =	sld [smem:$0x3FAB]  }
0x2c: {  	s7 =	sld [smem:$0x3FAC]  }
0x2d: {  	s3 =	simm.s32 $0x108;
	s8 =	sld [smem:$0x3FAD]  }
0x2e: {  	s3 =	simm.s32 @!p0 $0x1082;
	s9 =	sld [smem:$0x3FAE]  }
0x2f: {  	lr =	sadd.s32 s0, s3;
	s0 =	sld [smem:$0x3FA5]  }
0x30: {  	s3 =	sld [smem:$0x3FA8]  }
0x31: {  	[smem:$0x3FB1] =	sst s10  }
0x32: {  	s10 =	sld [smem:$0x3FAF];
	_ =	sdelay $0x3  }
0x33: {  	p0 =	seq.s32 s10, $0x1;
	s10 =	sld [smem:$0x3FB1];
	_ =	sdelay $0x3  }
0x34: {  	[smem:$0x3FB1] =	sst s10  }
0x35: {  	s10 =	sld [smem:$0x3FB0];
	_ =	sdelay $0x3  }
0x36: {  	p1 =	seq.s32 s10, $0x1;
	s10 =	sld [smem:$0x3FB1];
	_ =	sdelay $0x3  }
0x37: {  	[smem:$0x3FB1] =	sst s10  }
0x38: {  	s10 =	sld [smem:$0x3FB2]  }
0x39: {  	_ = 	snop;
	(pc) =	sbr.ind lr, $3  }
0x3a: {  	_ = 	snop  }
0x3b: {  	_ = 	snop  }
0x3c: {  	p2 =	seq.s32 s10, $0x1;
	s10 =	sld [smem:$0x3FB1]  }
0x3d: {  	_ =	shalt  }
0x3e: {  	_ =	shalt  }
0x3f: {  	_ =	shalt  }
0x40: {  	_ =	shalt  }
0x41: {  	_ =	shalt  }
0x42: {  	_ =	shalt  }
0x43: {  	_ =	shalt  }
0x44: {  	_ =	shalt  }
0x45: {  	_ =	shalt  }
0x46: {  	_ =	shalt  }
0x47: {  	_ =	shalt  }
0x48: {  	_ =	shalt  }
0x49: {  	_ =	shalt  }
0x4a: {  	_ =	shalt  }
0x4b: {  	_ =	shalt  }
0x4c: {  	_ =	shalt  }
0x4d: {  	_ =	shalt  }
0x4e: {  	_ =	shalt  }
0x4f: {  	_ =	shalt  }
0x50: {  	_ =	shalt  }
0x51: {  	_ =	shalt  }
0x52: {  	_ =	shalt  }
0x53: {  	_ =	shalt  }
0x54: {  	_ =	shalt  }
0x55: {  	_ =	shalt  }
0x56: {  	_ =	shalt  }
0x57: {  	_ =	shalt  }
0x58: {  	_ =	shalt  }
0x59: {  	_ =	shalt  }
0x5a: {  	_ =	shalt  }
0x5b: {  	_ =	shalt  }
0x5c: {  	_ =	shalt  }
0x5d: {  	_ =	shalt  }
0x5e: {  	_ =	shalt  }
0x5f: {  	_ =	shalt  }
0x60: {  	_ =	shalt  }
0x61: {  	_ =	shalt  }
0x62: {  	_ =	shalt  }
0x63: {  	_ =	shalt  }
0x64: {  	_ =	shalt  }
0x65: {  	_ =	shalt  }
0x66: {  	_ =	shalt  }
0x67: {  	_ =	shalt  }
0x68: {  	_ =	shalt  }
0x69: {  	_ =	shalt  }
0x6a: {  	_ =	shalt  }
0x6b: {  	_ =	shalt  }
0x6c: {  	_ =	shalt  }
0x6d: {  	_ =	shalt  }
0x6e: {  	_ =	shalt  }
0x6f: {  	_ =	shalt  }
0x70: {  	_ =	shalt  }
0x71: {  	_ =	shalt  }
0x72: {  	_ =	shalt  }
0x73: {  	_ =	shalt  }
0x74: {  	_ =	shalt  }
0x75: {  	_ =	shalt  }
0x76: {  	_ =	shalt  }
0x77: {  	_ =	shalt  }
0x78: {  	_ =	shalt  }
0x79: {  	_ =	shalt  }
0x7a: {  	_ =	shalt  }
0x7b: {  	_ =	shalt  }
0x7c: {  	_ =	shalt  }
0x7d: {  	_ =	shalt  }
0x7e: {  	_ =	shalt  }
0x7f: {  	_ =	shalt  }
0x80: {  	_ =	shalt  }
0x81: {  	_ =	shalt  }
0x82: {  	_ =	shalt  }
0x83: {  	_ =	shalt  }
0x84: {  	_ =	shalt  }
0x85: {  	_ =	shalt  }
0x86: {  	_ =	shalt  }
0x87: {  	_ =	shalt  }
.Lfunc_end0:
.L_simem_size_0:
called_computation.1_lowered:
.L_overlay_start_0:
0x88: {  	s2 =	sld [smem:$0x3FD9]  }
0x89: {  	s3 =	sld [smem:$0x3FFE];
	_ =	sdelay $0x1  }
0x8a: {  	s1 =	srdreg.scid  }
0x8b: {  	s0 =	sand.u32 $0x1, s1  }
0x8c: {  	s16 =	sshll.u32 s0, $0xA;
	s2 =	sadd.s32 s3, s2  }
0x8d: {  	s2 =	sadd.s32 s2, s16  }
0x8e: {  	[smem:$0x3FBD] =	sst s2  }
0x8f: {  	_ = 	snop  }
0x90: {  	(tm) =	ssettm $0x1  }
0x91: {  	s17 =	sld [smem:$0x3FFB];
	_ =	sdelay $0x3  }
0x92: {  	_ =	strace s17  }
0x93: {  	s2 =	sld [smem:$0x3FFC];
	_ =	sdelay $0x3  }
0x94: {  	_ =	strace s2  }
0x95: {  	s2 =	sld [smem:$0x3FFD];
	_ =	sdelay $0x3  }
0x96: {  	_ =	strace s2  }
0x97: {  	_ =	strace $0x8FFFFFFF  }
0x98: {  	s18 =	sld [smem:$0x3FDB];
	_ =	sdelay $0x1  }
0x99: {  	s19 =	simm.s32 $_scs_section_size  }
0x9a: {  	s4 =	simm.s32 $_size__tile_overlayer_lowered;
	s5 =	simm.s32 $_tile_overlayer_lowered  }
0x9b: {  	s22 =	simm.s32 $0x1BFF;
	s21 =	sshll.u32 s5, $0x1;
	s2 =	sadd.s32 s19, s18  }
0x9c: {  	s6 =	simm.s32 $0x0;
	s20 =	sshll.u32 s4, $0x1;
	s4 =	sadd.s32 s21, s2  }
0x9d: {  	[timem:s6], [sflag:s22] =	dma.local [hbm:s4], s20  }
0x9e: {  	_ =	swait.ge [sflag:s22], s20  }
0x9f: {  	s3 =	ssub.s32 $0x0, s20;
	[sflag:s22] =	ssyncset.done $0x0  }
0xa0: {  	[sflag:s22] =	ssyncadd.s32 s3;
	_ =	sdelay $0x1  }
0xa1: {  	s23 =	simm.s32 $0x1B8B  }
0xa2: {  	_ =	swait.ge [sflag:s23], $0x1  }
0xa3: {  	[sflag:s23] =	ssyncset.done $0x0  }
0xa4: {  	s25 =	simm.s32 $0x1B8E;
	s24 =	sld [smem:$0x3FFE];
	[sflag:s23] =	ssyncadd.s32 $0xFFFFFFFF  }
0xa5: {  	s26 =	simm.s32 $execute0_lowered;
	[smem:$0x3FD2] =	sst s25  }
0xa6: {  	s4 =	sshll.u32 s26, $0x1;
	_ =	strace $0x80000049;
	[dreg:$0x1] =	wrdreg $0xFFFFFFFF  }
0xa7: {  	s28 =	simm.s32 $_size_execute0_lowered;
	s2 =	sadd.s32 s2, s4;
	[dreg:$0x0] =	wrdreg $0x0  }
0xa8: {  	s4 =	sshll.u32 s28, $0x1;
	[dreg:$0x2] =	wrdreg s2  }
0xa9: {  	[dreg:$0x3] =	wrdreg s4  }
0xaa: {  	[dreg:$0x4] =	wrdreg $0xC0  }
0xab: {  	_ =	task [dreg:s6], $0x5FFFF  }
0xac: {  	[dreg:$0x1] =	wrdreg $0xFFFFFFFF  }
0xad: {  	[dreg:$0x0] =	wrdreg $0x60  }
0xae: {  	[dreg:$0x2] =	wrdreg s24  }
0xaf: {  	[dreg:$0x3] =	wrdreg $0xA8000  }
0xb0: {  	[dreg:$0x4] =	wrdreg $0x9  }
0xb1: {  	_ =	task.clear_ibuf [dreg:s6], $0x5FFFF;
	_ =	strace $0x90000049  }
0xb2: {  	s29 =	simm.s32 $0x9;
	_ =	strace $0x8000004B  }
0xb3: {  	_ =	swait.ge [sflag:s29], $0x1  }
0xb4: {  	[sflag:s29] =	ssyncadd.s32 $0xFFFFFFFF  }
0xb5: {  	_ =	strace $0x9000004B  }
0xb6: {  	_ =	sfence  }
0xb7: {  	s30 =	sld [smem:$0x0];
	_ =	sdelay $0x2  }
0xb8: {  	s31 =	sshll.u32 s1, $0xD;
	s1 =	sshrl.u32 s1, $0x2  }
0xb9: {  	s3 =	sand.u32 $0x4000, s31;
	s1 =	sadd.s32 s1, s30  }
0xba: {  	s0 =	sor.u32 s3, s0;
	s1 =	sshll.u32 s1, $0x11  }
0xbb: {  	s0 =	sor.u32 s1, s0  }
0xbc: {  	s0 =	sadd.s32 $0x8F2B, s0  }
0xbd: {  	[sflag:s0] =	ssyncadd.remote.s32 $0x1  }
0xbe: {  	_ =	sfence.sel $0xFFFF  }
0xbf: {  	[dreg:$0x0] =	wrdreg $0xFFFFFFFF;
	(pc) =	sbr.abs _section_cstart, $3  }
0xc0: {  	[dreg:$0x1] =	wrdreg $0xFFFFFFFF  }
0xc1: {  	_ =	task.clear_ibuf [dreg:s6], $0x2FFFF;
	_ =	strace $0x9FFFFFFF  }
0xc2: {  	(tm) =	ssettm $0x7FFFFFFF  }
0xc3: {  	_ =	shalt  }
tec
execute0_lowered:
.L_overlay_start_1:
0x0: {  	(tag) =	ssettag $0x1  }
0x1: {  	s0 =	srdreg.scid;
	s1 =	rddreg [dreg:$0x0]  }
0x2: {  	s2 =	rddreg [dreg:$0x1];
	s26 =	stileid.u32;
	s3 =	simm.s32 $0x0  }
0x3: {  	s28 =	simm.s32 $0x2;
	s29 =	simm.s32 $0x1380;
	s30 =	simm.s32 $0x2700  }
0x4: {  	s31 =	simm.s32 $0x2780;
	s0 =	sand.u32 $0x1, s0;
	s8 =	smul.u32 $0x2800, s26  }
0x5: {  	[smem:$0x7FF] =	sst s3;
	s20 =	sadd.s32 $0x11E00, s1;
	s9 =	smul.u32 $0x4E000, s26  }
0x6: {  	s6 =	sadd.s32 $0x87200, s1;
	s14 =	smul.u32 $0x2700, s26;
	s17 =	sshll.u32 s26, $0x6  }
0x7: {  	p1 =	sne.s32 s26, $0xF;
	p2 =	seq.s32 s26, $0xF;
	s4 =	sshll.u32 s0, $0x4  }
0x8: {  	_ =	strace $0x8000004A;
	s22 =	ssub.s32 $0x2, s0;
	s15 =	smul.u32 $0x27100, s0  }
0x9: {  	p0 =	seq.s32 s0, $0x1;
	[dreg:$0x3] =	wrdreg s20;
	s0 =	smul.u32 $0x138800, s0  }
0xa: {  	s18 =	sor.u32 $0x1C03, s17;
	s4 =	sor.u32 s26, s4;
	s21 =	sshrl.u32 s8, $0x3  }
0xb: {  	s23 =	sshrl.u32 s22, $0x1;
	s24 =	sshrl.u32 s9, $0x2;
	s8 =	sadd.s32 $0x138000, s2  }
0xc: {  	s25 =	sadd.s32 s6, s14;
	s26 =	simm.s32 $0x1;
	s5 =	smul.u32 $0x2800, s4  }
0xd: {  	s4 =	sadd.s32 $0x39000, s1;
	s13 =	sadd.s32 s21, s1;
	s16 =	ssub.s32 s22, s23  }
0xe: {  	s19 =	sadd.s32 s24, s2;
	[dreg:$0x5] =	wrdreg s25;
	s0 =	sshrl.u32 s0, $0x3  }
0xf: {  	s21 =	sshrl.u32 s8, $0x3;
	s22 =	simm.s32 $0x1400;
	s23 =	simm.s32 $0x80  }
0x10: {  	s24 =	simm.s32 $0x2800;
	s25 =	simm.s32 $0x6800;
	s11 =	sadd.s32 $0x1E00, s13  }
0x11: {  	s13 =	sadd.s32 $0x2080, s13;
	s16 =	smax.u32 s16, $0x1;
	s19 =	sshrl.u32 s19, $0x3  }
0x12: {  	s7 =	sshrl.u32 s5, $0x3;
	s5 =	sadd.s32 s20, s14;
	s14 =	sadd.s32 s14, s15  }
0x13: {  	s20 =	simm.s32 $0x3;
	s12 =	sadd.s32 s7, s1;
	s1 =	sadd.s32 $0xAE400, s1  }
0x14: {  	[dreg:$0x4] =	wrdreg s5;
	s10 =	sadd.s32 $0x7E00, s12;
	s0 =	sadd.s32 s1, s0  }
0x15: {  	s12 =	sadd.s32 $0x8080, s12;
	s14 =	sadd.s32 s1, s14;
	s15 =	sadd.s32 $0x27000, s0  }
.LBB2_1:
.Ltmp0:
0x16: {  	(pc) =	sbr.rel @!p0 .LBB2_2-.Ltmp0, $1  }
0x17: {  	_ =	sdelay $0x3  }
0x18: {  	s0 =	rddreg [dreg:$0x5]  }
0x19: {  	[spmem:s19], [sflag:s18] =	dma.local [hbm:s0], $0x2700  }
.Ltmp1:
0x1a: {  	_ = 	snop;
	(pc) =	sbr.rel @p1 .LBB2_5-.Ltmp1, $4  }
.Ltmp2:
0x1b: {  	_ = 	snop;
	(pc) =	sbr.rel @!p1 .LBB2_4-.Ltmp2, $4  }
0x1c: {  	_ =	swait.ge [sflag:s20], $0x2700  }
0x1d: {  	[sflag:s20] =	ssyncset.done $0x0  }
0x1e: {  	s1 =	smov.u32 s6;
	s0 =	smov.u32 s18;
	[sflag:s20] =	ssyncadd.s32 $0xFFFFD900  }
0x1f: {  	_ = 	snop  }
.LBB2_2:
.Ltmp3:
0x20: {  	s0 =	sor.u32 $0x1C03, s17;
	s1 =	rddreg [dreg:$0x4];
	(pc) =	sbr.rel @!p2 .LBB2_5-.Ltmp3, $4  }
0x21: {  	[spmem:s19], [sflag:s0] =	dma.local [hbm:s1], $0x2700  }
0x22: {  	_ =	swait.ge [sflag:s20], $0x2700  }
0x23: {  	[sflag:s20] =	ssyncset.done $0x0  }
0x24: {  	s1 =	rddreg [dreg:$0x3];
	[sflag:s20] =	ssyncadd.s32 $0xFFFFD900  }
.LBB2_4:
0x25: {  	s1 =	sadd.s32 $0x27000, s1  }
0x26: {  	[spmem:s21], [sflag:s0] =	dma.local [hbm:s1], $0x100  }
0x27: {  	_ =	swait.ge [sflag:s20], $0x100  }
0x28: {  	[sflag:s20] =	ssyncset.done $0x0  }
0x29: {  	[sflag:s20] =	ssyncadd.s32 $0xFFFFFF00  }
.LBB2_5:
0x2a: {  	[bflag:$0x0] =	sbarrier.arrive $0xFFFF;
	s0 =	simm.s32 $0x0  }
0x2b: {  	[tilespmem:s0], [sflag:$0x3] =	stream.linear.gather [hbm4b:s10+s0], $0x1400, $0x38;
	[tilespmem:$0x1E0C0] =	vst v63  }
0x2c: {  	_ =	swait.ge [sflag:s20], $0x1400  }
0x2d: {  	[sflag:s20] =	ssyncset.done $0x0  }
0x2e: {  	[sflag:s20] =	ssyncadd.s32 $0xFFFFEC00  }
0x2f: {  	[tilespmem:s22], [sflag:$0x3] =	stream.linear.gather [hbm4b:s11+s0], $0x1400, $0x38;
	[tilespmem:$0x1E0C0] =	vst v63  }
0x30: {  	_ =	swait.ge [sflag:s20], $0x1400  }
0x31: {  	[sflag:s20] =	ssyncset.done $0x0  }
0x32: {  	[sflag:s20] =	ssyncadd.s32 $0xFFFFEC00  }
0x33: {  	[tilespmem:s24], [sflag:$0x1] =	stream.indirect.gather [hbm4b:s4+s23], $0x80, s0, s23, $0xb8;
	[tilespmem:$0x1E0C0] =	vst v63  }
0x34: {  	s1 =	simm.s32 $0x80  }
0x35: {  	[tilespmem:s25], [sflag:$0x2] =	stream.indirect.gather [hbm4b:s4+s23], $0x80, s1, s23, $0xb8;
	[tilespmem:$0x1E0C0] =	vst v63  }
0x36: {  	_ =	swait.ge [sflag:s26], $0x4000  }
0x37: {  	[sflag:s26] =	ssyncset.done $0x0  }
0x38: {  	s5 =	simm.s32 $0x1400;
	[sflag:s26] =	ssyncadd.s32 $0xFFFFC000  }
0x39: {  	[spmem:s2] =	stream.indirect.scatter.add.f32 [tilespmem:s24], [sflag:$0x3], $0x80, s5, s23, $0xb8;
	[tilespmem:$0x1E0C0] =	vst v63  }
0x3a: {  	_ =	swait.ge [sflag:s20], $0x4000  }
0x3b: {  	[sflag:s20] =	ssyncset.done $0x0  }
0x3c: {  	s7 =	simm.s32 $0x100;
	[sflag:s20] =	ssyncadd.s32 $0xFFFFC000  }
0x3d: {  	[tilespmem:s24], [sflag:$0x1] =	stream.indirect.gather [hbm4b:s4+s23], $0x80, s7, s23, $0xb8;
	[tilespmem:$0x1E0C0] =	vst v63  }
0x3e: {  	_ =	swait.ge [sflag:s28], $0x4000  }
0x3f: {  	[sflag:s28] =	ssyncset.done $0x0  }
0x40: {  	s9 =	simm.s32 $0x1480;
	[sflag:s28] =	ssyncadd.s32 $0xFFFFC000  }
0x41: {  	[spmem:s2] =	stream.indirect.scatter.add.f32 [tilespmem:s25], [sflag:$0x3], $0x80, s9, s23, $0xb8;
	[tilespmem:$0x1E0C0] =	vst v63  }
0x42: {  	_ =	swait.ge [sflag:s20], $0x4000  }
0x43: {  	s0 =	simm.s32 $0x100;
	s1 =	simm.s32 $0x800;
	[sflag:s20] =	ssyncset.done $0x0  }
.LBB2_6:
0x44: {  	s7 =	sadd.s32 $0x80, s0  }
0x45: {  	[sflag:s20] =	ssyncadd.s32 $0xFFFFC000;
	s9 =	smov.u32 s1;
	s5 =	sadd.s32 $0x400, s1  }
0x46: {  	[tilespmem:s25], [sflag:$0x2] =	stream.indirect.gather [hbm4b:s4+s23], $0x80, s7, s23, $0xb8;
	[tilespmem:$0x1E0C0] =	vst v63  }
0x47: {  	p3 =	sne.s32 s1, $0x4800;
	_ =	swait.ge [sflag:s26], $0x4000  }
0x48: {  	[sflag:s26] =	ssyncset.done $0x0  }
0x49: {  	s1 =	sadd.s32 $0x1400, s0;
	[sflag:s26] =	ssyncadd.s32 $0xFFFFC000  }
0x4a: {  	[spmem:s2] =	stream.indirect.scatter.add.f32 [tilespmem:s24], [sflag:$0x3], $0x80, s1, s23, $0xb8;
	[tilespmem:$0x1E0C0] =	vst v63  }
0x4b: {  	_ =	swait.ge [sflag:s20], $0x4000  }
0x4c: {  	[sflag:s20] =	ssyncset.done $0x0  }
0x4d: {  	s1 =	sadd.s32 $0x100, s0;
	[sflag:s20] =	ssyncadd.s32 $0xFFFFC000  }
0x4e: {  	[tilespmem:s24], [sflag:$0x1] =	stream.indirect.gather [hbm4b:s4+s23], $0x80, s1, s23, $0xb8;
	[tilespmem:$0x1E0C0] =	vst v63  }
0x4f: {  	_ =	swait.ge [sflag:s28], $0x4000  }
.Ltmp4:
0x50: {  	[sflag:s28] =	ssyncset.done $0x0;
	(pc) =	sbr.rel @p3 .LBB2_6-.Ltmp4, $4  }
0x51: {  	s0 =	sadd.s32 $0x1480, s0;
	[sflag:s28] =	ssyncadd.s32 $0xFFFFC000  }
0x52: {  	[spmem:s2] =	stream.indirect.scatter.add.f32 [tilespmem:s25], [sflag:$0x3], $0x80, s0, s23, $0xb8;
	[tilespmem:$0x1E0C0] =	vst v63  }
0x53: {  	_ =	swait.ge [sflag:s20], $0x4000  }
0x54: {  	s1 =	smov.u32 s5;
	s0 =	sshra.s32 s9, $0x2;
	[sflag:s20] =	ssyncset.done $0x0  }
0x55: {  	s1 =	sadd.s32 $0x80, s0;
	[sflag:s20] =	ssyncadd.s32 $0xFFFFC000  }
0x56: {  	[tilespmem:s25], [sflag:$0x2] =	stream.indirect.gather [hbm4b:s4+s23], $0x80, s1, s23, $0xb8;
	[tilespmem:$0x1E0C0] =	vst v63  }
0x57: {  	_ =	swait.ge [sflag:s26], $0x4000  }
0x58: {  	[sflag:s26] =	ssyncset.done $0x0  }
0x59: {  	s9 =	sadd.s32 $0x1400, s0;
	[sflag:s26] =	ssyncadd.s32 $0xFFFFC000  }
0x5a: {  	[spmem:s2] =	stream.indirect.scatter.add.f32 [tilespmem:s24], [sflag:$0x3], $0x80, s9, s23, $0xb8;
	[tilespmem:$0x1E0C0] =	vst v63  }
0x5b: {  	_ =	swait.ge [sflag:s20], $0x4000  }
0x5c: {  	[sflag:s20] =	ssyncset.done $0x0  }
0x5d: {  	s5 =	sadd.s32 $0x100, s0;
	[sflag:s20] =	ssyncadd.s32 $0xFFFFC000  }
0x5e: {  	[tilespmem:s24], [sflag:$0x1] =	stream.indirect.gather [hbm4b:s4+s23], $0x80, s5, s23, $0xb8;
	[tilespmem:$0x1E0C0] =	vst v63  }
0x5f: {  	_ =	swait.ge [sflag:s28], $0x4000  }
0x60: {  	[sflag:s28] =	ssyncset.done $0x0  }
0x61: {  	s7 =	sadd.s32 $0x1480, s0;
	[sflag:s28] =	ssyncadd.s32 $0xFFFFC000  }
0x62: {  	[spmem:s2] =	stream.indirect.scatter.add.f32 [tilespmem:s25], [sflag:$0x3], $0x80, s7, s23, $0xb8;
	[tilespmem:$0x1E0C0] =	vst v63  }
0x63: {  	_ =	swait.ge [sflag:s20], $0x4000  }
0x64: {  	[sflag:s20] =	ssyncset.done $0x0  }
0x65: {  	[sflag:s20] =	ssyncadd.s32 $0xFFFFC000  }
0x66: {  	[tilespmem:s25], [sflag:$0x2] =	stream.indirect.gather [hbm4b:s4+s23], $0x80, s29, s23, $0xb8;
	[tilespmem:$0x1E0C0] =	vst v63  }
0x67: {  	_ =	swait.ge [sflag:s26], $0x4000  }
0x68: {  	[sflag:s26] =	ssyncset.done $0x0  }
0x69: {  	[sflag:s26] =	ssyncadd.s32 $0xFFFFC000  }
0x6a: {  	[spmem:s2] =	stream.indirect.scatter.add.f32 [tilespmem:s24], [sflag:$0x3], $0x80, s30, s23, $0xb8;
	[tilespmem:$0x1E0C0] =	vst v63  }
0x6b: {  	_ =	swait.ge [sflag:s20], $0x4000  }
0x6c: {  	[sflag:s20] =	ssyncset.done $0x0  }
0x6d: {  	[sflag:s20] =	ssyncadd.s32 $0xFFFFC000  }
0x6e: {  	_ =	swait.ge [sflag:s28], $0x4000  }
0x6f: {  	[sflag:s28] =	ssyncset.done $0x0  }
0x70: {  	[sflag:s28] =	ssyncadd.s32 $0xFFFFC000  }
0x71: {  	[spmem:s2] =	stream.indirect.scatter.add.f32 [tilespmem:s25], [sflag:$0x3], $0x80, s31, s23, $0xb8;
	[tilespmem:$0x1E0C0] =	vst v63  }
0x72: {  	_ =	swait.ge [sflag:s20], $0x4000  }
0x73: {  	[sflag:s20] =	ssyncset.done $0x0  }
0x74: {  	s9 =	simm.s32 $0x0;
	[sflag:s20] =	ssyncadd.s32 $0xFFFFC000  }
0x75: {  	[tilespmem:s9], [sflag:$0x3] =	stream.linear.gather [hbm4b:s12+s9], $0x1400, $0x38;
	[tilespmem:$0x1E0C0] =	vst v63  }
0x76: {  	_ =	swait.ge [sflag:s20], $0x1400  }
0x77: {  	[sflag:s20] =	ssyncset.done $0x0  }
0x78: {  	[sflag:s20] =	ssyncadd.s32 $0xFFFFEC00  }
0x79: {  	[tilespmem:s22], [sflag:$0x3] =	stream.linear.gather [hbm4b:s13+s9], $0x1400, $0x38;
	[tilespmem:$0x1E0C0] =	vst v63  }
0x7a: {  	_ =	swait.ge [sflag:s20], $0x1400  }
0x7b: {  	[sflag:s20] =	ssyncset.done $0x0  }
0x7c: {  	[sflag:s20] =	ssyncadd.s32 $0xFFFFEC00  }
0x7d: {  	[tilespmem:s24], [sflag:$0x1] =	stream.indirect.gather [hbm4b:s4+s23], $0x80, s9, s23, $0xb8;
	[tilespmem:$0x1E0C0] =	vst v63  }
0x7e: {  	s1 =	simm.s32 $0x80  }
0x7f: {  	[tilespmem:s25], [sflag:$0x2] =	stream.indirect.gather [hbm4b:s4+s23], $0x80, s1, s23, $0xb8;
	[tilespmem:$0x1E0C0] =	vst v63  }
0x80: {  	_ =	swait.ge [sflag:s26], $0x4000  }
0x81: {  	[sflag:s26] =	ssyncset.done $0x0  }
0x82: {  	s5 =	simm.s32 $0x1400;
	[sflag:s26] =	ssyncadd.s32 $0xFFFFC000  }
0x83: {  	[spmem:s2] =	stream.indirect.scatter.add.f32 [tilespmem:s24], [sflag:$0x3], $0x80, s5, s23, $0xb8;
	[tilespmem:$0x1E0C0] =	vst v63  }
0x84: {  	_ =	swait.ge [sflag:s20], $0x4000  }
0x85: {  	[sflag:s20] =	ssyncset.done $0x0  }
0x86: {  	s7 =	simm.s32 $0x100;
	[sflag:s20] =	ssyncadd.s32 $0xFFFFC000  }
0x87: {  	[tilespmem:s24], [sflag:$0x1] =	stream.indirect.gather [hbm4b:s4+s23], $0x80, s7, s23, $0xb8;
	[tilespmem:$0x1E0C0] =	vst v63  }
0x88: {  	_ =	swait.ge [sflag:s28], $0x4000  }
0x89: {  	[sflag:s28] =	ssyncset.done $0x0  }
0x8a: {  	s9 =	simm.s32 $0x1480;
	[sflag:s28] =	ssyncadd.s32 $0xFFFFC000  }
0x8b: {  	[spmem:s2] =	stream.indirect.scatter.add.f32 [tilespmem:s25], [sflag:$0x3], $0x80, s9, s23, $0xb8;
	[tilespmem:$0x1E0C0] =	vst v63  }
0x8c: {  	_ =	swait.ge [sflag:s20], $0x4000  }
0x8d: {  	s0 =	simm.s32 $0x100;
	s1 =	simm.s32 $0x800;
	[sflag:s20] =	ssyncset.done $0x0  }
.LBB2_8:
0x8e: {  	s5 =	sadd.s32 $0x80, s0  }
0x8f: {  	[sflag:s20] =	ssyncadd.s32 $0xFFFFC000;
	s7 =	smov.u32 s1;
	s9 =	sadd.s32 $0x400, s1  }
0x90: {  	[tilespmem:s25], [sflag:$0x2] =	stream.indirect.gather [hbm4b:s4+s23], $0x80, s5, s23, $0xb8;
	[tilespmem:$0x1E0C0] =	vst v63  }
0x91: {  	p3 =	sne.s32 s1, $0x4800;
	_ =	swait.ge [sflag:s26], $0x4000  }
0x92: {  	[sflag:s26] =	ssyncset.done $0x0  }
0x93: {  	s1 =	sadd.s32 $0x1400, s0;
	[sflag:s26] =	ssyncadd.s32 $0xFFFFC000  }
0x94: {  	[spmem:s2] =	stream.indirect.scatter.add.f32 [tilespmem:s24], [sflag:$0x3], $0x80, s1, s23, $0xb8;
	[tilespmem:$0x1E0C0] =	vst v63  }
0x95: {  	_ =	swait.ge [sflag:s20], $0x4000  }
0x96: {  	[sflag:s20] =	ssyncset.done $0x0  }
0x97: {  	s1 =	sadd.s32 $0x100, s0;
	[sflag:s20] =	ssyncadd.s32 $0xFFFFC000  }
0x98: {  	[tilespmem:s24], [sflag:$0x1] =	stream.indirect.gather [hbm4b:s4+s23], $0x80, s1, s23, $0xb8;
	[tilespmem:$0x1E0C0] =	vst v63  }
0x99: {  	_ =	swait.ge [sflag:s28], $0x4000  }
.Ltmp5:
0x9a: {  	[sflag:s28] =	ssyncset.done $0x0;
	(pc) =	sbr.rel @p3 .LBB2_8-.Ltmp5, $4  }
0x9b: {  	s0 =	sadd.s32 $0x1480, s0;
	[sflag:s28] =	ssyncadd.s32 $0xFFFFC000  }
0x9c: {  	[spmem:s2] =	stream.indirect.scatter.add.f32 [tilespmem:s25], [sflag:$0x3], $0x80, s0, s23, $0xb8;
	[tilespmem:$0x1E0C0] =	vst v63  }
0x9d: {  	_ =	swait.ge [sflag:s20], $0x4000  }
0x9e: {  	s1 =	smov.u32 s9;
	s0 =	sshra.s32 s7, $0x2;
	[sflag:s20] =	ssyncset.done $0x0  }
0x9f: {  	s1 =	sadd.s32 $0x80, s0;
	[sflag:s20] =	ssyncadd.s32 $0xFFFFC000  }
0xa0: {  	[tilespmem:s25], [sflag:$0x2] =	stream.indirect.gather [hbm4b:s4+s23], $0x80, s1, s23, $0xb8;
	[tilespmem:$0x1E0C0] =	vst v63  }
0xa1: {  	_ =	swait.ge [sflag:s26], $0x4000  }
0xa2: {  	[sflag:s26] =	ssyncset.done $0x0  }
0xa3: {  	s5 =	sadd.s32 $0x1400, s0;
	[sflag:s26] =	ssyncadd.s32 $0xFFFFC000  }
0xa4: {  	[spmem:s2] =	stream.indirect.scatter.add.f32 [tilespmem:s24], [sflag:$0x3], $0x80, s5, s23, $0xb8;
	[tilespmem:$0x1E0C0] =	vst v63  }
0xa5: {  	_ =	swait.ge [sflag:s20], $0x4000  }
0xa6: {  	[sflag:s20] =	ssyncset.done $0x0  }
0xa7: {  	s7 =	sadd.s32 $0x100, s0;
	[sflag:s20] =	ssyncadd.s32 $0xFFFFC000  }
0xa8: {  	[tilespmem:s24], [sflag:$0x1] =	stream.indirect.gather [hbm4b:s4+s23], $0x80, s7, s23, $0xb8;
	[tilespmem:$0x1E0C0] =	vst v63  }
0xa9: {  	_ =	swait.ge [sflag:s28], $0x4000  }
0xaa: {  	[sflag:s28] =	ssyncset.done $0x0  }
0xab: {  	s9 =	sadd.s32 $0x1480, s0;
	[sflag:s28] =	ssyncadd.s32 $0xFFFFC000  }
0xac: {  	[spmem:s2] =	stream.indirect.scatter.add.f32 [tilespmem:s25], [sflag:$0x3], $0x80, s9, s23, $0xb8;
	[tilespmem:$0x1E0C0] =	vst v63  }
0xad: {  	_ =	swait.ge [sflag:s20], $0x4000  }
0xae: {  	[sflag:s20] =	ssyncset.done $0x0  }
0xaf: {  	[sflag:s20] =	ssyncadd.s32 $0xFFFFC000  }
0xb0: {  	[tilespmem:s25], [sflag:$0x2] =	stream.indirect.gather [hbm4b:s4+s23], $0x80, s29, s23, $0xb8;
	[tilespmem:$0x1E0C0] =	vst v63  }
0xb1: {  	_ =	swait.ge [sflag:s26], $0x4000  }
0xb2: {  	[sflag:s26] =	ssyncset.done $0x0  }
0xb3: {  	[sflag:s26] =	ssyncadd.s32 $0xFFFFC000  }
0xb4: {  	[spmem:s2] =	stream.indirect.scatter.add.f32 [tilespmem:s24], [sflag:$0x3], $0x80, s30, s23, $0xb8;
	[tilespmem:$0x1E0C0] =	vst v63  }
0xb5: {  	_ =	swait.ge [sflag:s20], $0x4000  }
0xb6: {  	[sflag:s20] =	ssyncset.done $0x0  }
0xb7: {  	[sflag:s20] =	ssyncadd.s32 $0xFFFFC000  }
0xb8: {  	_ =	swait.ge [sflag:s28], $0x4000  }
0xb9: {  	[sflag:s28] =	ssyncset.done $0x0  }
0xba: {  	[sflag:s28] =	ssyncadd.s32 $0xFFFFC000  }
0xbb: {  	[spmem:s2] =	stream.indirect.scatter.add.f32 [tilespmem:s25], [sflag:$0x3], $0x80, s31, s23, $0xb8;
	[tilespmem:$0x1E0C0] =	vst v63  }
0xbc: {  	_ =	swait.ge [sflag:s20], $0x4000  }
0xbd: {  	[sflag:s20] =	ssyncset.done $0x0  }
0xbe: {  	[sflag:s20] =	ssyncadd.s32 $0xFFFFC000  }
0xbf: {  	s0 =	sor.u32 $0x1C03, s17;
	[bflag:$0x0] =	sbarrier.arrive $0xFFFF  }
0xc0: {  	[hbm:s14], [sflag:s0] =	dma.local [spmem:s19], $0x2700  }
0xc1: {  	_ =	swait.ge [sflag:s20], $0x2700  }
0xc2: {  	s3 =	sadd.s32 $0x1, s3;
	[sflag:s20] =	ssyncset.done $0x0  }
0xc3: {  	s1 =	sshrl.u32 @!p1 s8, $0x3;
	p3 =	sne.s32 s3, s16;
	[sflag:s20] =	ssyncadd.s32 $0xFFFFD900  }
0xc4: {  	[hbm:s15], [sflag:s0] =	dma.local @!p1 [spmem:s1], $0x100  }
.Ltmp6:
0xc5: {  	_ = 	snop;
	(pc) =	sbr.rel @p3 .LBB2_1-.Ltmp6, $4  }
0xc6: {  	s0 =	simm.s32 @!p1 $0x3  }
0xc7: {  	_ =	swait.ge @!p1 [sflag:s0], $0x100  }
0xc8: {  	[sflag:s0] =	ssyncset.done @!p1 $0x0  }
0xc9: {  	[sflag:s0] =	ssyncadd.s32 @!p1 $0xFFFFFF00  }
0xca: {  	_ =	sfence.sel $0x180000  }
0xcb: {  	[bflag:$0x0] =	sbarrier.arrive $0xFFFF  }
0xcc: {  	_ =	strace $0x9000004A  }
0xcd: {  	s0 =	stileid.u32;
	[bflag:$0x2] =	sbarrier.arrive $0xFFFF  }
0xce: {  	p0 =	sne.s32 s0, $0x0;
	s0 =	rddreg [dreg:$0x2]  }
0xcf: {  	s0 =	sadd.s32 @!p0 $0x100000, s0  }
0xd0: {  	[sflag:s0] =	ssyncadd.tile.s32 @!p0 $0x1;
	_ =	shalt  }
.Lfunc_end2:
_tile_overlayer_lowered:
.L_overlay_start_2:
0xd1: {  	(tag) =	ssettag $0x2  }
0xd2: {  	s0 =	rddreg [dreg:$0x0];
	s2 =	stileid.u32  }
0xd3: {  	s1 =	rddreg [dreg:$0x1];
	p0 =	sne.s32 s2, $0x0  }
0xd4: {  	s3 =	rddreg [dreg:$0x2];
	[bflag:$0x3] =	sbarrier.arrive $0xFFFF;
	s2 =	simm.s32 @!p0 $0x1C03  }
0xd5: {  	[timem:s3], [sflag:s2] =	dma.local @!p0 [hbm:s0], s1  }
0xd6: {  	s0 =	simm.s32 @!p0 $0x3  }
0xd7: {  	_ =	swait.ge @!p0 [sflag:s0], s1  }
0xd8: {  	s1 =	ssub.s32 @!p0 $0x0, s1;
	[sflag:s0] =	ssyncset.done @!p0 $0x0  }
0xd9: {  	[sflag:s0] =	ssyncadd.s32 @!p0 s1  }
0xda: {  	[bflag:$0x3] =	sbarrier.arrive $0xFFFF  }
0xdb: {  	_ =	shalt  }

// kernel: kernel.14.cloned.1.call-start
scs
__scs_entry_jumppad:
0x0: {  	(pc) =	sbr.rel $0x88, $3  }
0x1: {  	(tag) =	ssettag $0x0;
	lr =	simm.s32 $0x1  }
0x2: {  	[smem:$0x3F96] =	sst lr;
	_ =	strace $0xD0000000  }
0x3: {  	_ = 	snop  }
0x4: {  	_ = 	snop  }
0x5: {  	_ = 	snop  }
0x6: {  	_ = 	snop  }
0x7: {  	_ = 	snop  }
__scs_overlays_trampoline_lowered:
0x8: {  	[smem:$0x3FA5] =	sst s0  }
0x9: {  	[smem:$0x3FA6] =	sst s1  }
0xa: {  	[smem:$0x3FA7] =	sst s2  }
0xb: {  	[smem:$0x3FA8] =	sst s3  }
0xc: {  	[smem:$0x3FA9] =	sst s4  }
0xd: {  	[smem:$0x3FAA] =	sst s5  }
0xe: {  	[smem:$0x3FAB] =	sst s6  }
0xf: {  	[smem:$0x3FAC] =	sst s7  }
0x10: {  	[smem:$0x3FAD] =	sst s8  }
0x11: {  	[smem:$0x3FAE] =	sst s9;
	s0 =	simm.s32 @!p0 $0x0  }
0x12: {  	s1 =	sld [smem:$0x3F94];
	s0 =	simm.s32 @p0 $0x1  }
0x13: {  	[smem:$0x3FAF] =	sst s0;
	s0 =	simm.s32 @!p1 $0x0  }
0x14: {  	s2 =	sld [smem:$0x3F93];
	s0 =	simm.s32 @p1 $0x1  }
0x15: {  	[smem:$0x3FB0] =	sst s0;
	s0 =	simm.s32 @!p2 $0x0  }
0x16: {  	s3 =	sld [smem:$0x3FDB];
	s0 =	simm.s32 @p2 $0x1  }
0x17: {  	s4 =	simm.s32 $0x1BF5;
	[smem:$0x3FB2] =	sst s0  }
0x18: {  	s0 =	sld [smem:$0x3F95];
	_ =	swait.ge [sflag:s4], $0x0  }
0x19: {  	s7 =	sld [smem:$0x3F96]  }
0x1a: {  	s8 =	sadd.s32 $0xFFFFE003, lr  }
0x1b: {  	s9 =	sadd.s32 $0xFFFFFEF7, lr;
	s5 =	simm.s32 $0xFFFFFFFF;
	p2 =	slt.u32 s8, $0xFFFFF086  }
0x1c: {  	p1 =	slt.u32 s9, $0xF7A;
	s5 =	simm.s32 @!p2 $0x0  }
0x1d: {  	s5 =	simm.s32 @p1 $0x1;
	p0 =	seq.s32 s7, s2  }
0x1e: {  	s7 =	smul.u32 @!p0 $0xF7A, s2;
	p2 =	seq.s32 @!p0 s5, $0x0  }
0x1f: {  	s9 =	smul.u32 $0xF7A, s1;
	s8 =	simm.s32 @!p0 $0x1BF5;
	p2 =	por !p2, p0  }
0x20: {  	[sflag:s8] =	ssyncset.s32 @!p0 $0xFFFFF086;
	s6 =	sadd.s32 @!p0 s3, s7;
	s7 =	simm.s32 @!p0 $0x108  }
0x21: {  	s3 =	sadd.s32 s3, s9;
	s6 =	sadd.s32 @!p0 $0x88, s6;
	s7 =	simm.s32 @p2 $0x1082  }
0x22: {  	[simem:s7], [sflag:s8] =	dma.local @!p0 [hbm:s6], $0xF7A  }
0x23: {  	s9 =	sor.u32 $0xD0000000, s2;
	s6 =	simm.s32 $0x108;
	_ =	swait.ge @!p0 [sflag:s8], $0x0  }
0x24: {  	s3 =	sadd.s32 $0x88, s3;
	s6 =	simm.s32 @!p1 $0x1082;
	[sflag:s4] =	ssyncset.s32 $0xFFFFF086  }
0x25: {  	[simem:s6], [sflag:s4] =	dma.local [hbm:s3], $0xF7A  }
0x26: {  	[smem:$0x3F96] =	sst s1;
	(tag) =	ssettag s2;
	_ =	strace s9  }
0x27: {  	s1 =	sld [smem:$0x3FA6]  }
0x28: {  	s2 =	sld [smem:$0x3FA7]  }
0x29: {  	s4 =	sld [smem:$0x3FA9]  }
0x2a: {  	p0 =	seq.s32 s5, $0x0;
	s5 =	sld [smem:$0x3FAA]  }
0x2b: {  	s6 =	sld [smem:$0x3FAB]  }
0x2c: {  	s7 =	sld [smem:$0x3FAC]  }
0x2d: {  	s3 =	simm.s32 $0x108;
	s8 =	sld [smem:$0x3FAD]  }
0x2e: {  	s3 =	simm.s32 @!p0 $0x1082;
	s9 =	sld [smem:$0x3FAE]  }
0x2f: {  	lr =	sadd.s32 s0, s3;
	s0 =	sld [smem:$0x3FA5]  }
0x30: {  	s3 =	sld [smem:$0x3FA8]  }
0x31: {  	[smem:$0x3FB1] =	sst s10  }
0x32: {  	s10 =	sld [smem:$0x3FAF];
	_ =	sdelay $0x3  }
0x33: {  	p0 =	seq.s32 s10, $0x1;
	s10 =	sld [smem:$0x3FB1];
	_ =	sdelay $0x3  }
0x34: {  	[smem:$0x3FB1] =	sst s10  }
0x35: {  	s10 =	sld [smem:$0x3FB0];
	_ =	sdelay $0x3  }
0x36: {  	p1 =	seq.s32 s10, $0x1;
	s10 =	sld [smem:$0x3FB1];
	_ =	sdelay $0x3  }
0x37: {  	[smem:$0x3FB1] =	sst s10  }
0x38: {  	s10 =	sld [smem:$0x3FB2]  }
0x39: {  	_ = 	snop;
	(pc) =	sbr.ind lr, $3  }
0x3a: {  	_ = 	snop  }
0x3b: {  	_ = 	snop  }
0x3c: {  	p2 =	seq.s32 s10, $0x1;
	s10 =	sld [smem:$0x3FB1]  }
0x3d: {  	_ =	shalt  }
0x3e: {  	_ =	shalt  }
0x3f: {  	_ =	shalt  }
0x40: {  	_ =	shalt  }
0x41: {  	_ =	shalt  }
0x42: {  	_ =	shalt  }
0x43: {  	_ =	shalt  }
0x44: {  	_ =	shalt  }
0x45: {  	_ =	shalt  }
0x46: {  	_ =	shalt  }
0x47: {  	_ =	shalt  }
0x48: {  	_ =	shalt  }
0x49: {  	_ =	shalt  }
0x4a: {  	_ =	shalt  }
0x4b: {  	_ =	shalt  }
0x4c: {  	_ =	shalt  }
0x4d: {  	_ =	shalt  }
0x4e: {  	_ =	shalt  }
0x4f: {  	_ =	shalt  }
0x50: {  	_ =	shalt  }
0x51: {  	_ =	shalt  }
0x52: {  	_ =	shalt  }
0x53: {  	_ =	shalt  }
0x54: {  	_ =	shalt  }
0x55: {  	_ =	shalt  }
0x56: {  	_ =	shalt  }
0x57: {  	_ =	shalt  }
0x58: {  	_ =	shalt  }
0x59: {  	_ =	shalt  }
0x5a: {  	_ =	shalt  }
0x5b: {  	_ =	shalt  }
0x5c: {  	_ =	shalt  }
0x5d: {  	_ =	shalt  }
0x5e: {  	_ =	shalt  }
0x5f: {  	_ =	shalt  }
0x60: {  	_ =	shalt  }
0x61: {  	_ =	shalt  }
0x62: {  	_ =	shalt  }
0x63: {  	_ =	shalt  }
0x64: {  	_ =	shalt  }
0x65: {  	_ =	shalt  }
0x66: {  	_ =	shalt  }
0x67: {  	_ =	shalt  }
0x68: {  	_ =	shalt  }
0x69: {  	_ =	shalt  }
0x6a: {  	_ =	shalt  }
0x6b: {  	_ =	shalt  }
0x6c: {  	_ =	shalt  }
0x6d: {  	_ =	shalt  }
0x6e: {  	_ =	shalt  }
0x6f: {  	_ =	shalt  }
0x70: {  	_ =	shalt  }
0x71: {  	_ =	shalt  }
0x72: {  	_ =	shalt  }
0x73: {  	_ =	shalt  }
0x74: {  	_ =	shalt  }
0x75: {  	_ =	shalt  }
0x76: {  	_ =	shalt  }
0x77: {  	_ =	shalt  }
0x78: {  	_ =	shalt  }
0x79: {  	_ =	shalt  }
0x7a: {  	_ =	shalt  }
0x7b: {  	_ =	shalt  }
0x7c: {  	_ =	shalt  }
0x7d: {  	_ =	shalt  }
0x7e: {  	_ =	shalt  }
0x7f: {  	_ =	shalt  }
0x80: {  	_ =	shalt  }
0x81: {  	_ =	shalt  }
0x82: {  	_ =	shalt  }
0x83: {  	_ =	shalt  }
0x84: {  	_ =	shalt  }
0x85: {  	_ =	shalt  }
0x86: {  	_ =	shalt  }
0x87: {  	_ =	shalt  }
.Lfunc_end0:
.L_simem_size_0:
called_computation.2_lowered:
.L_overlay_start_0:
0x88: {  	s2 =	sld [smem:$0x3FD9]  }
0x89: {  	s3 =	sld [smem:$0x3FFE];
	_ =	sdelay $0x1  }
0x8a: {  	s1 =	srdreg.scid  }
0x8b: {  	s0 =	sand.u32 $0x1, s1  }
0x8c: {  	s16 =	sshll.u32 s0, $0xA;
	s2 =	sadd.s32 s3, s2  }
0x8d: {  	s2 =	sadd.s32 s2, s16  }
0x8e: {  	[smem:$0x3FBD] =	sst s2  }
0x8f: {  	_ = 	snop  }
0x90: {  	(tm) =	ssettm $0x1  }
0x91: {  	s17 =	sld [smem:$0x3FFB];
	_ =	sdelay $0x3  }
0x92: {  	_ =	strace s17  }
0x93: {  	s2 =	sld [smem:$0x3FFC];
	_ =	sdelay $0x3  }
0x94: {  	_ =	strace s2  }
0x95: {  	s2 =	sld [smem:$0x3FFD];
	_ =	sdelay $0x3  }
0x96: {  	_ =	strace s2  }
0x97: {  	_ =	strace $0x8FFFFFFF  }
0x98: {  	s18 =	sld [smem:$0x3FDB];
	_ =	sdelay $0x1  }
0x99: {  	s19 =	simm.s32 $_scs_section_size  }
0x9a: {  	s4 =	simm.s32 $_size__tile_overlayer_lowered;
	s5 =	simm.s32 $_tile_overlayer_lowered  }
0x9b: {  	s22 =	simm.s32 $0x1BFF;
	s21 =	sshll.u32 s5, $0x1;
	s2 =	sadd.s32 s19, s18  }
0x9c: {  	s6 =	simm.s32 $0x0;
	s20 =	sshll.u32 s4, $0x1;
	s4 =	sadd.s32 s21, s2  }
0x9d: {  	[timem:s6], [sflag:s22] =	dma.local [hbm:s4], s20  }
0x9e: {  	_ =	swait.ge [sflag:s22], s20  }
0x9f: {  	s3 =	ssub.s32 $0x0, s20;
	[sflag:s22] =	ssyncset.done $0x0  }
0xa0: {  	[sflag:s22] =	ssyncadd.s32 s3;
	_ =	sdelay $0x1  }
0xa1: {  	s23 =	simm.s32 $0x1B8B  }
0xa2: {  	_ =	swait.ge [sflag:s23], $0x1  }
0xa3: {  	[sflag:s23] =	ssyncset.done $0x0  }
0xa4: {  	s25 =	simm.s32 $0x1B8E;
	s24 =	sld [smem:$0x3FFE];
	[sflag:s23] =	ssyncadd.s32 $0xFFFFFFFF  }
0xa5: {  	s26 =	simm.s32 $execute0_lowered;
	[smem:$0x3FD2] =	sst s25  }
0xa6: {  	s4 =	sshll.u32 s26, $0x1;
	_ =	strace $0x8000004C;
	[dreg:$0x1] =	wrdreg $0xFFFFFFFF  }
0xa7: {  	s28 =	simm.s32 $_size_execute0_lowered;
	s2 =	sadd.s32 s2, s4;
	[dreg:$0x0] =	wrdreg $0x0  }
0xa8: {  	s4 =	sshll.u32 s28, $0x1;
	[dreg:$0x2] =	wrdreg s2  }
0xa9: {  	[dreg:$0x3] =	wrdreg s4  }
0xaa: {  	[dreg:$0x4] =	wrdreg $0xC0  }
0xab: {  	_ =	task [dreg:s6], $0x5FFFF  }
0xac: {  	[dreg:$0x1] =	wrdreg $0xFFFFFFFF  }
0xad: {  	[dreg:$0x0] =	wrdreg $0x60  }
0xae: {  	[dreg:$0x2] =	wrdreg s24  }
0xaf: {  	[dreg:$0x3] =	wrdreg $0xB0000  }
0xb0: {  	[dreg:$0x4] =	wrdreg $0x9  }
0xb1: {  	_ =	task.clear_ibuf [dreg:s6], $0x5FFFF;
	_ =	strace $0x9000004C  }
0xb2: {  	s29 =	simm.s32 $0x9;
	_ =	strace $0x8000004E  }
0xb3: {  	_ =	swait.ge [sflag:s29], $0x1  }
0xb4: {  	[sflag:s29] =	ssyncadd.s32 $0xFFFFFFFF  }
0xb5: {  	_ =	strace $0x9000004E  }
0xb6: {  	_ =	sfence  }
0xb7: {  	s30 =	sld [smem:$0x0];
	_ =	sdelay $0x2  }
0xb8: {  	s31 =	sshll.u32 s1, $0xD;
	s1 =	sshrl.u32 s1, $0x2  }
0xb9: {  	s3 =	sand.u32 $0x4000, s31;
	s1 =	sadd.s32 s1, s30  }
0xba: {  	s0 =	sor.u32 s3, s0;
	s1 =	sshll.u32 s1, $0x11  }
0xbb: {  	s0 =	sor.u32 s1, s0  }
0xbc: {  	s0 =	sadd.s32 $0x8F2B, s0  }
0xbd: {  	[sflag:s0] =	ssyncadd.remote.s32 $0x1  }
0xbe: {  	_ =	sfence.sel $0xFFFF  }
0xbf: {  	[dreg:$0x0] =	wrdreg $0xFFFFFFFF;
	(pc) =	sbr.abs _section_cstart, $3  }
0xc0: {  	[dreg:$0x1] =	wrdreg $0xFFFFFFFF  }
0xc1: {  	_ =	task.clear_ibuf [dreg:s6], $0x2FFFF;
	_ =	strace $0x9FFFFFFF  }
0xc2: {  	(tm) =	ssettm $0x7FFFFFFF  }
0xc3: {  	_ =	shalt  }
tec
execute0_lowered:
.L_overlay_start_1:
0x0: {  	(tag) =	ssettag $0x1  }
0x1: {  	s0 =	srdreg.scid;
	s1 =	rddreg [dreg:$0x0]  }
0x2: {  	s15 =	stileid.u32;
	s2 =	rddreg [dreg:$0x1];
	s31 =	simm.s32 $0x2800  }
0x3: {  	s0 =	sand.u32 $0x1, s0;
	s7 =	smul.u32 $0x2800, s15;
	s4 =	sadd.s32 $0x11E00, s1  }
0x4: {  	s16 =	sadd.s32 $0x60000, s1;
	s17 =	sadd.s32 $0x87200, s1;
	s12 =	smul.u32 $0x4E000, s15  }
0x5: {  	s9 =	sshll.u32 s15, $0x7;
	s10 =	sshll.u32 s15, $0xE;
	s14 =	smul.u32 $0x2700, s15  }
0x6: {  	p1 =	sne.s32 s15, $0xF;
	p2 =	seq.s32 s15, $0xF;
	s3 =	sshll.u32 s0, $0x4  }
0x7: {  	s5 =	sor.u32 s15, s3;
	s3 =	simm.s32 $0x0;
	s22 =	sshrl.u32 s12, $0x2  }
0x8: {  	s11 =	sshll.u32 s0, $0x12;
	[smem:$0x7FF] =	sst s3;
	s23 =	sadd.s32 s22, s2  }
0x9: {  	s9 =	sadd.s32 s9, s1;
	_ =	strace $0x8000004D;
	[dreg:$0x5] =	wrdreg s23  }
0xa: {  	s20 =	ssub.s32 $0x2, s0;
	s24 =	sadd.s32 s16, s14;
	[dreg:$0x3] =	wrdreg s16  }
0xb: {  	s7 =	sshrl.u32 s7, $0x3;
	s10 =	sor.u32 s10, s11;
	[dreg:$0x6] =	wrdreg s24  }
0xc: {  	s13 =	sshrl.u32 s20, $0x1;
	s25 =	sadd.s32 s17, s14;
	[dreg:$0x4] =	wrdreg s17  }
0xd: {  	s26 =	sadd.s32 $0x6E00, s9;
	s8 =	sadd.s32 s7, s1;
	[dreg:$0x7] =	wrdreg s25  }
0xe: {  	s10 =	sadd.s32 s10, s1;
	[dreg:$0x8] =	wrdreg s26;
	s11 =	sadd.s32 $0x1E00, s8  }
0xf: {  	s21 =	ssub.s32 s20, s13;
	s13 =	sadd.s32 $0x2080, s8;
	[dreg:$0xa] =	wrdreg s11  }
0x10: {  	p0 =	seq.s32 s0, $0x1;
	s14 =	sadd.s32 $0xFCC00, s10;
	[dreg:$0xc] =	wrdreg s13  }
0x11: {  	s15 =	simm.s32 $0xAE00;
	s16 =	smax.u32 s21, $0x1;
	[dreg:$0xd] =	wrdreg s14  }
0x12: {  	s6 =	smul.u32 $0x2800, s5;
	s17 =	sadd.s32 $0xFD400, s10;
	[dreg:$0xe] =	wrdreg s16  }
0x13: {  	s7 =	sadd.s32 $0xFC600, s1;
	s18 =	sadd.s32 $0xFDC00, s10;
	[dreg:$0xf] =	wrdreg s17  }
0x14: {  	s5 =	sshll.u32 s5, $0x6;
	s19 =	sadd.s32 $0xFE400, s10;
	[dreg:$0x10] =	wrdreg s18  }
0x15: {  	s20 =	sadd.s32 $0xFEC00, s10;
	s21 =	sadd.s32 $0xFF400, s10;
	[dreg:$0x11] =	wrdreg s19  }
0x16: {  	s22 =	sadd.s32 $0xFFC00, s10;
	s23 =	sadd.s32 $0x100400, s10;
	[dreg:$0x12] =	wrdreg s20  }
0x17: {  	s24 =	sadd.s32 $0x138000, s2;
	s10 =	simm.s32 $0xAC00;
	[dreg:$0x13] =	wrdreg s21  }
0x18: {  	s8 =	simm.s32 $0x1;
	s6 =	sshrl.u32 s6, $0x3;
	[dreg:$0x14] =	wrdreg s22  }
0x19: {  	[dreg:$0x15] =	wrdreg s23;
	s0 =	sshrl.u32 s24, $0x3;
	s11 =	simm.s32 $0x2  }
0x1a: {  	s13 =	simm.s32 $0x2700;
	s14 =	simm.s32 $0x2780;
	s16 =	simm.s32 $0xAE80  }
0x1b: {  	s17 =	simm.s32 $0xAF00;
	s18 =	simm.s32 $0xAF80;
	s19 =	simm.s32 $0x0  }
0x1c: {  	s6 =	sadd.s32 s6, s1;
	s1 =	sadd.s32 s5, s1;
	[dreg:$0x16] =	wrdreg s0  }
0x1d: {  	s5 =	simm.s32 $0x1400;
	s0 =	simm.s32 $0x6800;
	s9 =	sadd.s32 $0x7E00, s6  }
0x1e: {  	s12 =	sadd.s32 $0x8080, s6;
	s25 =	sadd.s32 $0x7600, s1;
	s26 =	sadd.s32 $0xAE400, s1  }
0x1f: {  	s28 =	sadd.s32 $0xAE410, s1;
	s29 =	sadd.s32 $0xAE420, s1;
	s30 =	sadd.s32 $0xAE430, s1  }
0x20: {  	s1 =	simm.s32 $0x3;
	s6 =	simm.s32 $0x80;
	[dreg:$0x9] =	wrdreg s9  }
0x21: {  	[dreg:$0xb] =	wrdreg s12;
	s9 =	simm.s32 $0xA800;
	s12 =	simm.s32 $0x1380  }
.LBB2_1:
.Ltmp0:
0x22: {  	(pc) =	sbr.rel @!p0 .LBB2_2-.Ltmp0, $4  }
0x23: {  	_ = 	snop  }
0x24: {  	s20 =	stileid.u32  }
0x25: {  	s24 =	rddreg [dreg:$0x5];
	s22 =	sshll.u32 s20, $0x6  }
0x26: {  	s21 =	sshrl.u32 s24, $0x3;
	s20 =	sor.u32 $0x1C03, s22  }
0x27: {  	s20 =	sor.u32 $0x1C03, s22;
	s24 =	rddreg [dreg:$0x7]  }
0x28: {  	[spmem:s21], [sflag:s20] =	dma.local [hbm:s24], $0x2700  }
.Ltmp1:
0x29: {  	_ = 	snop;
	(pc) =	sbr.rel @p1 .LBB2_5-.Ltmp1, $4  }
.Ltmp2:
0x2a: {  	_ = 	snop;
	(pc) =	sbr.rel @!p1 .LBB2_4-.Ltmp2, $4  }
0x2b: {  	_ =	swait.ge [sflag:s1], $0x2700  }
0x2c: {  	[sflag:s1] =	ssyncset.done $0x0  }
0x2d: {  	s21 =	rddreg [dreg:$0x4];
	[sflag:s1] =	ssyncadd.s32 $0xFFFFD900  }
0x2e: {  	_ = 	snop  }
.LBB2_2:
.Ltmp3:
0x2f: {  	s22 =	rddreg [dreg:$0x6];
	(pc) =	sbr.rel @!p2 .LBB2_5-.Ltmp3, $4  }
0x30: {  	[spmem:s21], [sflag:s20] =	dma.local [hbm:s22], $0x2700  }
0x31: {  	_ =	swait.ge [sflag:s1], $0x2700  }
0x32: {  	[sflag:s1] =	ssyncset.done $0x0  }
0x33: {  	s21 =	rddreg [dreg:$0x3];
	[sflag:s1] =	ssyncadd.s32 $0xFFFFD900  }
.LBB2_4:
0x34: {  	s21 =	sadd.s32 $0x27000, s21;
	s22 =	rddreg [dreg:$0x16]  }
0x35: {  	[spmem:s22], [sflag:s20] =	dma.local [hbm:s21], $0x100  }
0x36: {  	_ =	swait.ge [sflag:s1], $0x100  }
0x37: {  	[sflag:s1] =	ssyncset.done $0x0  }
0x38: {  	[sflag:s1] =	ssyncadd.s32 $0xFFFFFF00  }
.LBB2_5:
0x39: {  	s20 =	simm.s32 $0x0;
	s21 =	rddreg [dreg:$0x8]  }
0x3a: {  	[tilespmem:s9], [sflag:$0x3] =	stream.linear.gather [hbm4b:s21+s20], $0x400, $0x38;
	[tilespmem:$0x1E8C0] =	vst v63  }
0x3b: {  	_ =	swait.ge [sflag:s1], $0x400  }
0x3c: {  	[sflag:s1] =	ssyncset.done $0x0  }
0x3d: {  	[sflag:s1] =	ssyncadd.s32 $0xFFFFFC00  }
0x3e: {  	[tilespmem:s10], [sflag:$0x3] =	stream.linear.gather [hbm4b:s25+s20], $0x200, $0x38;
	[tilespmem:$0x1E8C0] =	vst v63  }
0x3f: {  	_ =	swait.ge [sflag:s1], $0x200  }
0x40: {  	[sflag:s1] =	ssyncset.done $0x0  }
0x41: {  	[sflag:s1] =	ssyncadd.s32 $0xFFFFFE00  }
0x42: {  	[bflag:$0x0] =	sbarrier.arrive $0xFFFF  }
0x43: {  	s23 =	rddreg [dreg:$0x9]  }
0x44: {  	[tilespmem:s20], [sflag:$0x3] =	stream.linear.gather [hbm4b:s23+s20], $0x1400, $0x38;
	[tilespmem:$0x1E8C0] =	vst v63  }
0x45: {  	_ =	swait.ge [sflag:s1], $0x1400  }
0x46: {  	[sflag:s1] =	ssyncset.done $0x0  }
0x47: {  	s24 =	rddreg [dreg:$0xa];
	[sflag:s1] =	ssyncadd.s32 $0xFFFFEC00  }
0x48: {  	[tilespmem:s5], [sflag:$0x3] =	stream.linear.gather [hbm4b:s24+s20], $0x1400, $0x38;
	[tilespmem:$0x1E8C0] =	vst v63  }
0x49: {  	_ =	swait.ge [sflag:s1], $0x1400  }
0x4a: {  	[sflag:s1] =	ssyncset.done $0x0  }
0x4b: {  	[sflag:s1] =	ssyncadd.s32 $0xFFFFEC00  }
0x4c: {  	[tilespmem:s31], [sflag:$0x1] =	stream.indirect.gather [hbm4b:s4+s6], $0x80, s20, s6, $0xb8;
	[tilespmem:$0x1E8C0] =	vst v63  }
0x4d: {  	s21 =	simm.s32 $0x80  }
0x4e: {  	[tilespmem:s0], [sflag:$0x2] =	stream.indirect.gather [hbm4b:s4+s6], $0x80, s21, s6, $0xb8;
	[tilespmem:$0x1E8C0] =	vst v63  }
0x4f: {  	_ =	swait.ge [sflag:s8], $0x4000  }
0x50: {  	[sflag:s8] =	ssyncset.done $0x0  }
0x51: {  	s22 =	simm.s32 $0x1400;
	[sflag:s8] =	ssyncadd.s32 $0xFFFFC000  }
0x52: {  	[spmem:s2] =	stream.indirect.scatter.add.f32 [tilespmem:s31], [sflag:$0x3], $0x80, s22, s6, $0xb8;
	[tilespmem:$0x1E8C0] =	vst v63  }
0x53: {  	_ =	swait.ge [sflag:s1], $0x4000  }
0x54: {  	[sflag:s1] =	ssyncset.done $0x0  }
0x55: {  	s23 =	simm.s32 $0x100;
	[sflag:s1] =	ssyncadd.s32 $0xFFFFC000  }
0x56: {  	[tilespmem:s31], [sflag:$0x1] =	stream.indirect.gather [hbm4b:s4+s6], $0x80, s23, s6, $0xb8;
	[tilespmem:$0x1E8C0] =	vst v63  }
0x57: {  	_ =	swait.ge [sflag:s11], $0x4000  }
0x58: {  	[sflag:s11] =	ssyncset.done $0x0  }
0x59: {  	s24 =	simm.s32 $0x1480;
	[sflag:s11] =	ssyncadd.s32 $0xFFFFC000  }
0x5a: {  	[spmem:s2] =	stream.indirect.scatter.add.f32 [tilespmem:s0], [sflag:$0x3], $0x80, s24, s6, $0xb8;
	[tilespmem:$0x1E8C0] =	vst v63  }
0x5b: {  	_ =	swait.ge [sflag:s1], $0x4000  }
0x5c: {  	s20 =	simm.s32 $0x100;
	s21 =	simm.s32 $0x800;
	[sflag:s1] =	ssyncset.done $0x0  }
.LBB2_6:
0x5d: {  	s22 =	sadd.s32 $0x80, s20  }
0x5e: {  	[sflag:s1] =	ssyncadd.s32 $0xFFFFC000;
	s23 =	smov.u32 s21;
	s24 =	sadd.s32 $0x400, s21  }
0x5f: {  	[tilespmem:s0], [sflag:$0x2] =	stream.indirect.gather [hbm4b:s4+s6], $0x80, s22, s6, $0xb8;
	[tilespmem:$0x1E8C0] =	vst v63  }
0x60: {  	p3 =	sne.s32 s21, $0x4800;
	_ =	swait.ge [sflag:s8], $0x4000  }
0x61: {  	[sflag:s8] =	ssyncset.done $0x0  }
0x62: {  	s21 =	sadd.s32 $0x1400, s20;
	[sflag:s8] =	ssyncadd.s32 $0xFFFFC000  }
0x63: {  	[spmem:s2] =	stream.indirect.scatter.add.f32 [tilespmem:s31], [sflag:$0x3], $0x80, s21, s6, $0xb8;
	[tilespmem:$0x1E8C0] =	vst v63  }
0x64: {  	_ =	swait.ge [sflag:s1], $0x4000  }
0x65: {  	[sflag:s1] =	ssyncset.done $0x0  }
0x66: {  	s21 =	sadd.s32 $0x100, s20;
	[sflag:s1] =	ssyncadd.s32 $0xFFFFC000  }
0x67: {  	[tilespmem:s31], [sflag:$0x1] =	stream.indirect.gather [hbm4b:s4+s6], $0x80, s21, s6, $0xb8;
	[tilespmem:$0x1E8C0] =	vst v63  }
0x68: {  	_ =	swait.ge [sflag:s11], $0x4000  }
.Ltmp4:
0x69: {  	[sflag:s11] =	ssyncset.done $0x0;
	(pc) =	sbr.rel @p3 .LBB2_6-.Ltmp4, $4  }
0x6a: {  	s20 =	sadd.s32 $0x1480, s20;
	[sflag:s11] =	ssyncadd.s32 $0xFFFFC000  }
0x6b: {  	[spmem:s2] =	stream.indirect.scatter.add.f32 [tilespmem:s0], [sflag:$0x3], $0x80, s20, s6, $0xb8;
	[tilespmem:$0x1E8C0] =	vst v63  }
0x6c: {  	_ =	swait.ge [sflag:s1], $0x4000  }
0x6d: {  	s21 =	smov.u32 s24;
	s20 =	sshra.s32 s23, $0x2;
	[sflag:s1] =	ssyncset.done $0x0  }
0x6e: {  	s21 =	sadd.s32 $0x80, s20;
	[sflag:s1] =	ssyncadd.s32 $0xFFFFC000  }
0x6f: {  	[tilespmem:s0], [sflag:$0x2] =	stream.indirect.gather [hbm4b:s4+s6], $0x80, s21, s6, $0xb8;
	[tilespmem:$0x1E8C0] =	vst v63  }
0x70: {  	_ =	swait.ge [sflag:s8], $0x4000  }
0x71: {  	[sflag:s8] =	ssyncset.done $0x0  }
0x72: {  	s23 =	sadd.s32 $0x1400, s20;
	[sflag:s8] =	ssyncadd.s32 $0xFFFFC000  }
0x73: {  	[spmem:s2] =	stream.indirect.scatter.add.f32 [tilespmem:s31], [sflag:$0x3], $0x80, s23, s6, $0xb8;
	[tilespmem:$0x1E8C0] =	vst v63  }
0x74: {  	_ =	swait.ge [sflag:s1], $0x4000  }
0x75: {  	[sflag:s1] =	ssyncset.done $0x0  }
0x76: {  	s24 =	sadd.s32 $0x100, s20;
	[sflag:s1] =	ssyncadd.s32 $0xFFFFC000  }
0x77: {  	[tilespmem:s31], [sflag:$0x1] =	stream.indirect.gather [hbm4b:s4+s6], $0x80, s24, s6, $0xb8;
	[tilespmem:$0x1E8C0] =	vst v63  }
0x78: {  	_ =	swait.ge [sflag:s11], $0x4000  }
0x79: {  	[sflag:s11] =	ssyncset.done $0x0  }
0x7a: {  	s21 =	sadd.s32 $0x1480, s20;
	[sflag:s11] =	ssyncadd.s32 $0xFFFFC000  }
0x7b: {  	[spmem:s2] =	stream.indirect.scatter.add.f32 [tilespmem:s0], [sflag:$0x3], $0x80, s21, s6, $0xb8;
	[tilespmem:$0x1E8C0] =	vst v63  }
0x7c: {  	_ =	swait.ge [sflag:s1], $0x4000  }
0x7d: {  	[sflag:s1] =	ssyncset.done $0x0  }
0x7e: {  	[sflag:s1] =	ssyncadd.s32 $0xFFFFC000  }
0x7f: {  	[tilespmem:s0], [sflag:$0x2] =	stream.indirect.gather [hbm4b:s4+s6], $0x80, s12, s6, $0xb8;
	[tilespmem:$0x1E8C0] =	vst v63  }
0x80: {  	_ =	swait.ge [sflag:s8], $0x4000  }
0x81: {  	[sflag:s8] =	ssyncset.done $0x0  }
0x82: {  	[sflag:s8] =	ssyncadd.s32 $0xFFFFC000  }
0x83: {  	[spmem:s2] =	stream.indirect.scatter.add.f32 [tilespmem:s31], [sflag:$0x3], $0x80, s13, s6, $0xb8;
	[tilespmem:$0x1E8C0] =	vst v63  }
0x84: {  	_ =	swait.ge [sflag:s1], $0x4000  }
0x85: {  	[sflag:s1] =	ssyncset.done $0x0  }
0x86: {  	[sflag:s1] =	ssyncadd.s32 $0xFFFFC000  }
0x87: {  	_ =	swait.ge [sflag:s11], $0x4000  }
0x88: {  	[sflag:s11] =	ssyncset.done $0x0  }
0x89: {  	[sflag:s11] =	ssyncadd.s32 $0xFFFFC000  }
0x8a: {  	[spmem:s2] =	stream.indirect.scatter.add.f32 [tilespmem:s0], [sflag:$0x3], $0x80, s14, s6, $0xb8;
	[tilespmem:$0x1E8C0] =	vst v63  }
0x8b: {  	_ =	swait.ge [sflag:s1], $0x4000  }
0x8c: {  	[sflag:s1] =	ssyncset.done $0x0  }
0x8d: {  	s22 =	simm.s32 $0x0;
	s23 =	rddreg [dreg:$0xb];
	[sflag:s1] =	ssyncadd.s32 $0xFFFFC000  }
0x8e: {  	[tilespmem:s22], [sflag:$0x3] =	stream.linear.gather [hbm4b:s23+s22], $0x1400, $0x38;
	[tilespmem:$0x1E8C0] =	vst v63  }
0x8f: {  	_ =	swait.ge [sflag:s1], $0x1400  }
0x90: {  	[sflag:s1] =	ssyncset.done $0x0  }
0x91: {  	s24 =	rddreg [dreg:$0xc];
	[sflag:s1] =	ssyncadd.s32 $0xFFFFEC00  }
0x92: {  	[tilespmem:s5], [sflag:$0x3] =	stream.linear.gather [hbm4b:s24+s22], $0x1400, $0x38;
	[tilespmem:$0x1E8C0] =	vst v63  }
0x93: {  	_ =	swait.ge [sflag:s1], $0x1400  }
0x94: {  	[sflag:s1] =	ssyncset.done $0x0  }
0x95: {  	[sflag:s1] =	ssyncadd.s32 $0xFFFFEC00  }
0x96: {  	[tilespmem:s31], [sflag:$0x1] =	stream.indirect.gather [hbm4b:s4+s6], $0x80, s22, s6, $0xb8;
	[tilespmem:$0x1E8C0] =	vst v63  }
0x97: {  	s21 =	simm.s32 $0x80  }
0x98: {  	[tilespmem:s0], [sflag:$0x2] =	stream.indirect.gather [hbm4b:s4+s6], $0x80, s21, s6, $0xb8;
	[tilespmem:$0x1E8C0] =	vst v63  }
0x99: {  	_ =	swait.ge [sflag:s8], $0x4000  }
0x9a: {  	[sflag:s8] =	ssyncset.done $0x0  }
0x9b: {  	s22 =	simm.s32 $0x1400;
	[sflag:s8] =	ssyncadd.s32 $0xFFFFC000  }
0x9c: {  	[spmem:s2] =	stream.indirect.scatter.add.f32 [tilespmem:s31], [sflag:$0x3], $0x80, s22, s6, $0xb8;
	[tilespmem:$0x1E8C0] =	vst v63  }
0x9d: {  	_ =	swait.ge [sflag:s1], $0x4000  }
0x9e: {  	[sflag:s1] =	ssyncset.done $0x0  }
0x9f: {  	s23 =	simm.s32 $0x100;
	[sflag:s1] =	ssyncadd.s32 $0xFFFFC000  }
0xa0: {  	[tilespmem:s31], [sflag:$0x1] =	stream.indirect.gather [hbm4b:s4+s6], $0x80, s23, s6, $0xb8;
	[tilespmem:$0x1E8C0] =	vst v63  }
0xa1: {  	_ =	swait.ge [sflag:s11], $0x4000  }
0xa2: {  	[sflag:s11] =	ssyncset.done $0x0  }
0xa3: {  	s24 =	simm.s32 $0x1480;
	[sflag:s11] =	ssyncadd.s32 $0xFFFFC000  }
0xa4: {  	[spmem:s2] =	stream.indirect.scatter.add.f32 [tilespmem:s0], [sflag:$0x3], $0x80, s24, s6, $0xb8;
	[tilespmem:$0x1E8C0] =	vst v63  }
0xa5: {  	_ =	swait.ge [sflag:s1], $0x4000  }
0xa6: {  	s20 =	simm.s32 $0x100;
	s21 =	simm.s32 $0x800;
	[sflag:s1] =	ssyncset.done $0x0  }
.LBB2_8:
0xa7: {  	s22 =	sadd.s32 $0x80, s20  }
0xa8: {  	[sflag:s1] =	ssyncadd.s32 $0xFFFFC000;
	s23 =	smov.u32 s21;
	s24 =	sadd.s32 $0x400, s21  }
0xa9: {  	[tilespmem:s0], [sflag:$0x2] =	stream.indirect.gather [hbm4b:s4+s6], $0x80, s22, s6, $0xb8;
	[tilespmem:$0x1E8C0] =	vst v63  }
0xaa: {  	p3 =	sne.s32 s21, $0x4800;
	_ =	swait.ge [sflag:s8], $0x4000  }
0xab: {  	[sflag:s8] =	ssyncset.done $0x0  }
0xac: {  	s21 =	sadd.s32 $0x1400, s20;
	[sflag:s8] =	ssyncadd.s32 $0xFFFFC000  }
0xad: {  	[spmem:s2] =	stream.indirect.scatter.add.f32 [tilespmem:s31], [sflag:$0x3], $0x80, s21, s6, $0xb8;
	[tilespmem:$0x1E8C0] =	vst v63  }
0xae: {  	_ =	swait.ge [sflag:s1], $0x4000  }
0xaf: {  	[sflag:s1] =	ssyncset.done $0x0  }
0xb0: {  	s21 =	sadd.s32 $0x100, s20;
	[sflag:s1] =	ssyncadd.s32 $0xFFFFC000  }
0xb1: {  	[tilespmem:s31], [sflag:$0x1] =	stream.indirect.gather [hbm4b:s4+s6], $0x80, s21, s6, $0xb8;
	[tilespmem:$0x1E8C0] =	vst v63  }
0xb2: {  	_ =	swait.ge [sflag:s11], $0x4000  }
.Ltmp5:
0xb3: {  	[sflag:s11] =	ssyncset.done $0x0;
	(pc) =	sbr.rel @p3 .LBB2_8-.Ltmp5, $4  }
0xb4: {  	s20 =	sadd.s32 $0x1480, s20;
	[sflag:s11] =	ssyncadd.s32 $0xFFFFC000  }
0xb5: {  	[spmem:s2] =	stream.indirect.scatter.add.f32 [tilespmem:s0], [sflag:$0x3], $0x80, s20, s6, $0xb8;
	[tilespmem:$0x1E8C0] =	vst v63  }
0xb6: {  	_ =	swait.ge [sflag:s1], $0x4000  }
0xb7: {  	s21 =	smov.u32 s24;
	s20 =	sshra.s32 s23, $0x2;
	[sflag:s1] =	ssyncset.done $0x0  }
0xb8: {  	s21 =	sadd.s32 $0x80, s20;
	[sflag:s1] =	ssyncadd.s32 $0xFFFFC000  }
0xb9: {  	[tilespmem:s0], [sflag:$0x2] =	stream.indirect.gather [hbm4b:s4+s6], $0x80, s21, s6, $0xb8;
	[tilespmem:$0x1E8C0] =	vst v63  }
0xba: {  	_ =	swait.ge [sflag:s8], $0x4000  }
0xbb: {  	[sflag:s8] =	ssyncset.done $0x0  }
0xbc: {  	s23 =	sadd.s32 $0x1400, s20;
	[sflag:s8] =	ssyncadd.s32 $0xFFFFC000  }
0xbd: {  	[spmem:s2] =	stream.indirect.scatter.add.f32 [tilespmem:s31], [sflag:$0x3], $0x80, s23, s6, $0xb8;
	[tilespmem:$0x1E8C0] =	vst v63  }
0xbe: {  	_ =	swait.ge [sflag:s1], $0x4000  }
0xbf: {  	[sflag:s1] =	ssyncset.done $0x0  }
0xc0: {  	s24 =	sadd.s32 $0x100, s20;
	[sflag:s1] =	ssyncadd.s32 $0xFFFFC000  }
0xc1: {  	[tilespmem:s31], [sflag:$0x1] =	stream.indirect.gather [hbm4b:s4+s6], $0x80, s24, s6, $0xb8;
	[tilespmem:$0x1E8C0] =	vst v63  }
0xc2: {  	_ =	swait.ge [sflag:s11], $0x4000  }
0xc3: {  	[sflag:s11] =	ssyncset.done $0x0  }
0xc4: {  	s21 =	sadd.s32 $0x1480, s20;
	[sflag:s11] =	ssyncadd.s32 $0xFFFFC000  }
0xc5: {  	[spmem:s2] =	stream.indirect.scatter.add.f32 [tilespmem:s0], [sflag:$0x3], $0x80, s21, s6, $0xb8;
	[tilespmem:$0x1E8C0] =	vst v63  }
0xc6: {  	_ =	swait.ge [sflag:s1], $0x4000  }
0xc7: {  	[sflag:s1] =	ssyncset.done $0x0  }
0xc8: {  	[sflag:s1] =	ssyncadd.s32 $0xFFFFC000  }
0xc9: {  	[tilespmem:s0], [sflag:$0x2] =	stream.indirect.gather [hbm4b:s4+s6], $0x80, s12, s6, $0xb8;
	[tilespmem:$0x1E8C0] =	vst v63  }
0xca: {  	_ =	swait.ge [sflag:s8], $0x4000  }
0xcb: {  	[sflag:s8] =	ssyncset.done $0x0  }
0xcc: {  	[sflag:s8] =	ssyncadd.s32 $0xFFFFC000  }
0xcd: {  	[spmem:s2] =	stream.indirect.scatter.add.f32 [tilespmem:s31], [sflag:$0x3], $0x80, s13, s6, $0xb8;
	[tilespmem:$0x1E8C0] =	vst v63  }
0xce: {  	_ =	swait.ge [sflag:s1], $0x4000  }
0xcf: {  	[sflag:s1] =	ssyncset.done $0x0  }
0xd0: {  	[sflag:s1] =	ssyncadd.s32 $0xFFFFC000  }
0xd1: {  	_ =	swait.ge [sflag:s11], $0x4000  }
0xd2: {  	[sflag:s11] =	ssyncset.done $0x0  }
0xd3: {  	[sflag:s11] =	ssyncadd.s32 $0xFFFFC000  }
0xd4: {  	[spmem:s2] =	stream.indirect.scatter.add.f32 [tilespmem:s0], [sflag:$0x3], $0x80, s14, s6, $0xb8;
	[tilespmem:$0x1E8C0] =	vst v63  }
0xd5: {  	_ =	swait.ge [sflag:s1], $0x4000  }
0xd6: {  	[sflag:s1] =	ssyncset.done $0x0  }
0xd7: {  	[sflag:s1] =	ssyncadd.s32 $0xFFFFC000  }
0xd8: {  	[bflag:$0x0] =	sbarrier.arrive $0xFFFF  }
0xd9: {  	[tilespmem:s31], [sflag:$0x1] =	stream.indirect.gather [spmem:s2], $0x80, s9, s6, $0xb8;
	[tilespmem:$0x1E8C0] =	vst v63  }
0xda: {  	s22 =	simm.s32 $0xA880  }
0xdb: {  	[tilespmem:s0], [sflag:$0x2] =	stream.indirect.gather [spmem:s2], $0x80, s22, s6, $0xb8;
	[tilespmem:$0x1E8C0] =	vst v63  }
0xdc: {  	_ =	swait.ge [sflag:s8], $0x4000  }
0xdd: {  	[sflag:s8] =	ssyncset.done $0x0  }
0xde: {  	s23 =	rddreg [dreg:$0xd];
	[sflag:s8] =	ssyncadd.s32 $0xFFFFC000  }
0xdf: {  	[hbm4b:s23+s3] =	stream.linear.scatter [tilespmem:s31], [sflag:$0x3], $0x4000, $0x38;
	[tilespmem:$0x1E8C0] =	vst v63  }
0xe0: {  	_ =	swait.ge [sflag:s1], $0x4000  }
0xe1: {  	[sflag:s1] =	ssyncset.done $0x0  }
0xe2: {  	s24 =	simm.s32 $0xA900;
	[sflag:s1] =	ssyncadd.s32 $0xFFFFC000  }
0xe3: {  	[tilespmem:s31], [sflag:$0x1] =	stream.indirect.gather [spmem:s2], $0x80, s24, s6, $0xb8;
	[tilespmem:$0x1E8C0] =	vst v63  }
0xe4: {  	_ =	swait.ge [sflag:s11], $0x4000  }
0xe5: {  	[sflag:s11] =	ssyncset.done $0x0  }
0xe6: {  	s21 =	rddreg [dreg:$0xf];
	[sflag:s11] =	ssyncadd.s32 $0xFFFFC000  }
0xe7: {  	[hbm4b:s21+s3] =	stream.linear.scatter [tilespmem:s0], [sflag:$0x3], $0x4000, $0x38;
	[tilespmem:$0x1E8C0] =	vst v63  }
0xe8: {  	_ =	swait.ge [sflag:s1], $0x4000  }
0xe9: {  	[sflag:s1] =	ssyncset.done $0x0  }
0xea: {  	s22 =	simm.s32 $0xA980;
	[sflag:s1] =	ssyncadd.s32 $0xFFFFC000  }
0xeb: {  	[tilespmem:s0], [sflag:$0x2] =	stream.indirect.gather [spmem:s2], $0x80, s22, s6, $0xb8;
	[tilespmem:$0x1E8C0] =	vst v63  }
0xec: {  	_ =	swait.ge [sflag:s8], $0x4000  }
0xed: {  	[sflag:s8] =	ssyncset.done $0x0  }
0xee: {  	s23 =	rddreg [dreg:$0x10];
	[sflag:s8] =	ssyncadd.s32 $0xFFFFC000  }
0xef: {  	[hbm4b:s23+s3] =	stream.linear.scatter [tilespmem:s31], [sflag:$0x3], $0x4000, $0x38;
	[tilespmem:$0x1E8C0] =	vst v63  }
0xf0: {  	_ =	swait.ge [sflag:s1], $0x4000  }
0xf1: {  	[sflag:s1] =	ssyncset.done $0x0  }
0xf2: {  	s24 =	simm.s32 $0xAA00;
	[sflag:s1] =	ssyncadd.s32 $0xFFFFC000  }
0xf3: {  	[tilespmem:s31], [sflag:$0x1] =	stream.indirect.gather [spmem:s2], $0x80, s24, s6, $0xb8;
	[tilespmem:$0x1E8C0] =	vst v63  }
0xf4: {  	_ =	swait.ge [sflag:s11], $0x4000  }
0xf5: {  	[sflag:s11] =	ssyncset.done $0x0  }
0xf6: {  	s21 =	rddreg [dreg:$0x11];
	[sflag:s11] =	ssyncadd.s32 $0xFFFFC000  }
0xf7: {  	[hbm4b:s21+s3] =	stream.linear.scatter [tilespmem:s0], [sflag:$0x3], $0x4000, $0x38;
	[tilespmem:$0x1E8C0] =	vst v63  }
0xf8: {  	_ =	swait.ge [sflag:s1], $0x4000  }
0xf9: {  	[sflag:s1] =	ssyncset.done $0x0  }
0xfa: {  	s22 =	simm.s32 $0xAA80;
	[sflag:s1] =	ssyncadd.s32 $0xFFFFC000  }
0xfb: {  	[tilespmem:s0], [sflag:$0x2] =	stream.indirect.gather [spmem:s2], $0x80, s22, s6, $0xb8;
	[tilespmem:$0x1E8C0] =	vst v63  }
0xfc: {  	_ =	swait.ge [sflag:s8], $0x4000  }
0xfd: {  	[sflag:s8] =	ssyncset.done $0x0  }
0xfe: {  	s23 =	rddreg [dreg:$0x12];
	[sflag:s8] =	ssyncadd.s32 $0xFFFFC000  }
0xff: {  	[hbm4b:s23+s3] =	stream.linear.scatter [tilespmem:s31], [sflag:$0x3], $0x4000, $0x38;
	[tilespmem:$0x1E8C0] =	vst v63  }
0x100: {  	_ =	swait.ge [sflag:s1], $0x4000  }
0x101: {  	[sflag:s1] =	ssyncset.done $0x0  }
0x102: {  	s24 =	simm.s32 $0xAB00;
	[sflag:s1] =	ssyncadd.s32 $0xFFFFC000  }
0x103: {  	[tilespmem:s31], [sflag:$0x1] =	stream.indirect.gather [spmem:s2], $0x80, s24, s6, $0xb8;
	[tilespmem:$0x1E8C0] =	vst v63  }
0x104: {  	_ =	swait.ge [sflag:s11], $0x4000  }
0x105: {  	[sflag:s11] =	ssyncset.done $0x0  }
0x106: {  	s21 =	rddreg [dreg:$0x13];
	[sflag:s11] =	ssyncadd.s32 $0xFFFFC000  }
0x107: {  	[hbm4b:s21+s3] =	stream.linear.scatter [tilespmem:s0], [sflag:$0x3], $0x4000, $0x38;
	[tilespmem:$0x1E8C0] =	vst v63  }
0x108: {  	_ =	swait.ge [sflag:s1], $0x4000  }
0x109: {  	[sflag:s1] =	ssyncset.done $0x0  }
0x10a: {  	s22 =	simm.s32 $0xAB80;
	[sflag:s1] =	ssyncadd.s32 $0xFFFFC000  }
0x10b: {  	[tilespmem:s0], [sflag:$0x2] =	stream.indirect.gather [spmem:s2], $0x80, s22, s6, $0xb8;
	[tilespmem:$0x1E8C0] =	vst v63  }
0x10c: {  	_ =	swait.ge [sflag:s8], $0x4000  }
0x10d: {  	[sflag:s8] =	ssyncset.done $0x0  }
0x10e: {  	s23 =	rddreg [dreg:$0x14];
	[sflag:s8] =	ssyncadd.s32 $0xFFFFC000  }
0x10f: {  	[hbm4b:s23+s3] =	stream.linear.scatter [tilespmem:s31], [sflag:$0x3], $0x4000, $0x38;
	[tilespmem:$0x1E8C0] =	vst v63  }
0x110: {  	_ =	swait.ge [sflag:s1], $0x4000  }
0x111: {  	[sflag:s1] =	ssyncset.done $0x0  }
0x112: {  	[sflag:s1] =	ssyncadd.s32 $0xFFFFC000  }
0x113: {  	_ =	swait.ge [sflag:s11], $0x4000  }
0x114: {  	[sflag:s11] =	ssyncset.done $0x0  }
0x115: {  	s24 =	rddreg [dreg:$0x15];
	[sflag:s11] =	ssyncadd.s32 $0xFFFFC000  }
0x116: {  	[hbm4b:s24+s3] =	stream.linear.scatter [tilespmem:s0], [sflag:$0x3], $0x4000, $0x38;
	[tilespmem:$0x1E8C0] =	vst v63  }
0x117: {  	_ =	swait.ge [sflag:s1], $0x4000  }
0x118: {  	[sflag:s1] =	ssyncset.done $0x0  }
0x119: {  	[sflag:s1] =	ssyncadd.s32 $0xFFFFC000  }
0x11a: {  	[tilespmem:s15], [sflag:$0x1] =	stream.indirect.gather [hbm4b:s7+s6], $0x1, s10, s6, $0xb8;
	[tilespmem:$0x1E8C0] =	vst v63  }
0x11b: {  	_ =	swait.ge [sflag:s8], $0x80  }
0x11c: {  	[sflag:s8] =	ssyncset.done $0x0  }
0x11d: {  	[sflag:s8] =	ssyncadd.s32 $0xFFFFFF80  }
0x11e: {  	[hbm4b:s26+s3] =	stream.linear.scatter [tilespmem:s15], [sflag:$0x3], $0x80, $0x38;
	[tilespmem:$0x1E8C0] =	vst v63  }
0x11f: {  	_ =	swait.ge [sflag:s1], $0x80  }
0x120: {  	[sflag:s1] =	ssyncset.done $0x0  }
0x121: {  	s21 =	simm.s32 $0xAC80;
	[sflag:s1] =	ssyncadd.s32 $0xFFFFFF80  }
0x122: {  	[tilespmem:s16], [sflag:$0x1] =	stream.indirect.gather [hbm4b:s7+s6], $0x1, s21, s6, $0xb8;
	[tilespmem:$0x1E8C0] =	vst v63  }
0x123: {  	_ =	swait.ge [sflag:s8], $0x80  }
0x124: {  	[sflag:s8] =	ssyncset.done $0x0  }
0x125: {  	[sflag:s8] =	ssyncadd.s32 $0xFFFFFF80  }
0x126: {  	[hbm4b:s28+s3] =	stream.linear.scatter [tilespmem:s16], [sflag:$0x3], $0x80, $0x38;
	[tilespmem:$0x1E8C0] =	vst v63  }
0x127: {  	_ =	swait.ge [sflag:s1], $0x80  }
0x128: {  	[sflag:s1] =	ssyncset.done $0x0  }
0x129: {  	s22 =	simm.s32 $0xAD00;
	[sflag:s1] =	ssyncadd.s32 $0xFFFFFF80  }
0x12a: {  	[tilespmem:s17], [sflag:$0x1] =	stream.indirect.gather [hbm4b:s7+s6], $0x1, s22, s6, $0xb8;
	[tilespmem:$0x1E8C0] =	vst v63  }
0x12b: {  	_ =	swait.ge [sflag:s8], $0x80  }
0x12c: {  	[sflag:s8] =	ssyncset.done $0x0  }
0x12d: {  	[sflag:s8] =	ssyncadd.s32 $0xFFFFFF80  }
0x12e: {  	[hbm4b:s29+s3] =	stream.linear.scatter [tilespmem:s17], [sflag:$0x3], $0x80, $0x38;
	[tilespmem:$0x1E8C0] =	vst v63  }
0x12f: {  	_ =	swait.ge [sflag:s1], $0x80  }
0x130: {  	[sflag:s1] =	ssyncset.done $0x0  }
0x131: {  	s23 =	simm.s32 $0xAD80;
	[sflag:s1] =	ssyncadd.s32 $0xFFFFFF80  }
0x132: {  	[tilespmem:s18], [sflag:$0x1] =	stream.indirect.gather [hbm4b:s7+s6], $0x1, s23, s6, $0xb8;
	[tilespmem:$0x1E8C0] =	vst v63  }
0x133: {  	_ =	swait.ge [sflag:s8], $0x80  }
0x134: {  	[sflag:s8] =	ssyncset.done $0x0  }
0x135: {  	[sflag:s8] =	ssyncadd.s32 $0xFFFFFF80  }
0x136: {  	[hbm4b:s30+s3] =	stream.linear.scatter [tilespmem:s18], [sflag:$0x3], $0x80, $0x38;
	[tilespmem:$0x1E8C0] =	vst v63  }
0x137: {  	_ =	swait.ge [sflag:s1], $0x80  }
0x138: {  	s19 =	sadd.s32 $0x1, s19;
	s24 =	rddreg [dreg:$0xe]  }
0x139: {  	p3 =	sne.s32 s19, s24  }
.Ltmp6:
0x13a: {  	_ = 	snop;
	(pc) =	sbr.rel @p3 .LBB2_1-.Ltmp6, $3  }
0x13b: {  	_ =	sdelay $0x1  }
0x13c: {  	[sflag:s1] =	ssyncset.done $0x0  }
0x13d: {  	[sflag:s1] =	ssyncadd.s32 $0xFFFFFF80  }
0x13e: {  	_ =	sfence.sel $0x180000  }
0x13f: {  	[bflag:$0x0] =	sbarrier.arrive $0xFFFF  }
0x140: {  	_ =	strace $0x9000004D  }
0x141: {  	s0 =	stileid.u32;
	[bflag:$0x2] =	sbarrier.arrive $0xFFFF  }
0x142: {  	p0 =	sne.s32 s0, $0x0;
	s0 =	rddreg [dreg:$0x2]  }
0x143: {  	s0 =	sadd.s32 @!p0 $0x100000, s0  }
0x144: {  	[sflag:s0] =	ssyncadd.tile.s32 @!p0 $0x1;
	_ =	shalt  }
.Lfunc_end2:
_tile_overlayer_lowered:
.L_overlay_start_2:
0x145: {  	(tag) =	ssettag $0x2  }
0x146: {  	s0 =	rddreg [dreg:$0x0];
	s2 =	stileid.u32  }
0x147: {  	s1 =	rddreg [dreg:$0x1];
	p0 =	sne.s32 s2, $0x0  }
0x148: {  	s3 =	rddreg [dreg:$0x2];
	[bflag:$0x3] =	sbarrier.arrive $0xFFFF;
	s2 =	simm.s32 @!p0 $0x1C03  }
0x149: {  	[timem:s3], [sflag:s2] =	dma.local @!p0 [hbm:s0], s1  }
0x14a: {  	s0 =	simm.s32 @!p0 $0x3  }
0x14b: {  	_ =	swait.ge @!p0 [sflag:s0], s1  }
0x14c: {  	s1 =	ssub.s32 @!p0 $0x0, s1;
	[sflag:s0] =	ssyncset.done @!p0 $0x0  }
0x14d: {  	[sflag:s0] =	ssyncadd.s32 @!p0 s1  }
0x14e: {  	[bflag:$0x3] =	sbarrier.arrive $0xFFFF  }
0x14f: {  	_ =	shalt  }

// kernel: kernel.8.cloned.1.call-start
scs
__scs_entry_jumppad:
0x0: {  	(pc) =	sbr.rel $0x88, $3  }
0x1: {  	(tag) =	ssettag $0x0;
	lr =	simm.s32 $0x1  }
0x2: {  	[smem:$0x3F96] =	sst lr;
	_ =	strace $0xD0000000  }
0x3: {  	_ = 	snop  }
0x4: {  	_ = 	snop  }
0x5: {  	_ = 	snop  }
0x6: {  	_ = 	snop  }
0x7: {  	_ = 	snop  }
__scs_overlays_trampoline_lowered:
0x8: {  	[smem:$0x3FA5] =	sst s0  }
0x9: {  	[smem:$0x3FA6] =	sst s1  }
0xa: {  	[smem:$0x3FA7] =	sst s2  }
0xb: {  	[smem:$0x3FA8] =	sst s3  }
0xc: {  	[smem:$0x3FA9] =	sst s4  }
0xd: {  	[smem:$0x3FAA] =	sst s5  }
0xe: {  	[smem:$0x3FAB] =	sst s6  }
0xf: {  	[smem:$0x3FAC] =	sst s7  }
0x10: {  	[smem:$0x3FAD] =	sst s8  }
0x11: {  	[smem:$0x3FAE] =	sst s9;
	s0 =	simm.s32 @!p0 $0x0  }
0x12: {  	s1 =	sld [smem:$0x3F94];
	s0 =	simm.s32 @p0 $0x1  }
0x13: {  	[smem:$0x3FAF] =	sst s0;
	s0 =	simm.s32 @!p1 $0x0  }
0x14: {  	s2 =	sld [smem:$0x3F93];
	s0 =	simm.s32 @p1 $0x1  }
0x15: {  	[smem:$0x3FB0] =	sst s0;
	s0 =	simm.s32 @!p2 $0x0  }
0x16: {  	s3 =	sld [smem:$0x3FDB];
	s0 =	simm.s32 @p2 $0x1  }
0x17: {  	s4 =	simm.s32 $0x1BF5;
	[smem:$0x3FB2] =	sst s0  }
0x18: {  	s0 =	sld [smem:$0x3F95];
	_ =	swait.ge [sflag:s4], $0x0  }
0x19: {  	s7 =	sld [smem:$0x3F96]  }
0x1a: {  	s8 =	sadd.s32 $0xFFFFE003, lr  }
0x1b: {  	s9 =	sadd.s32 $0xFFFFFEF7, lr;
	s5 =	simm.s32 $0xFFFFFFFF;
	p2 =	slt.u32 s8, $0xFFFFF086  }
0x1c: {  	p1 =	slt.u32 s9, $0xF7A;
	s5 =	simm.s32 @!p2 $0x0  }
0x1d: {  	s5 =	simm.s32 @p1 $0x1;
	p0 =	seq.s32 s7, s2  }
0x1e: {  	s7 =	smul.u32 @!p0 $0xF7A, s2;
	p2 =	seq.s32 @!p0 s5, $0x0  }
0x1f: {  	s9 =	smul.u32 $0xF7A, s1;
	s8 =	simm.s32 @!p0 $0x1BF5;
	p2 =	por !p2, p0  }
0x20: {  	[sflag:s8] =	ssyncset.s32 @!p0 $0xFFFFF086;
	s6 =	sadd.s32 @!p0 s3, s7;
	s7 =	simm.s32 @!p0 $0x108  }
0x21: {  	s3 =	sadd.s32 s3, s9;
	s6 =	sadd.s32 @!p0 $0x88, s6;
	s7 =	simm.s32 @p2 $0x1082  }
0x22: {  	[simem:s7], [sflag:s8] =	dma.local @!p0 [hbm:s6], $0xF7A  }
0x23: {  	s9 =	sor.u32 $0xD0000000, s2;
	s6 =	simm.s32 $0x108;
	_ =	swait.ge @!p0 [sflag:s8], $0x0  }
0x24: {  	s3 =	sadd.s32 $0x88, s3;
	s6 =	simm.s32 @!p1 $0x1082;
	[sflag:s4] =	ssyncset.s32 $0xFFFFF086  }
0x25: {  	[simem:s6], [sflag:s4] =	dma.local [hbm:s3], $0xF7A  }
0x26: {  	[smem:$0x3F96] =	sst s1;
	(tag) =	ssettag s2;
	_ =	strace s9  }
0x27: {  	s1 =	sld [smem:$0x3FA6]  }
0x28: {  	s2 =	sld [smem:$0x3FA7]  }
0x29: {  	s4 =	sld [smem:$0x3FA9]  }
0x2a: {  	p0 =	seq.s32 s5, $0x0;
	s5 =	sld [smem:$0x3FAA]  }
0x2b: {  	s6 =	sld [smem:$0x3FAB]  }
0x2c: {  	s7 =	sld [smem:$0x3FAC]  }
0x2d: {  	s3 =	simm.s32 $0x108;
	s8 =	sld [smem:$0x3FAD]  }
0x2e: {  	s3 =	simm.s32 @!p0 $0x1082;
	s9 =	sld [smem:$0x3FAE]  }
0x2f: {  	lr =	sadd.s32 s0, s3;
	s0 =	sld [smem:$0x3FA5]  }
0x30: {  	s3 =	sld [smem:$0x3FA8]  }
0x31: {  	[smem:$0x3FB1] =	sst s10  }
0x32: {  	s10 =	sld [smem:$0x3FAF];
	_ =	sdelay $0x3  }
0x33: {  	p0 =	seq.s32 s10, $0x1;
	s10 =	sld [smem:$0x3FB1];
	_ =	sdelay $0x3  }
0x34: {  	[smem:$0x3FB1] =	sst s10  }
0x35: {  	s10 =	sld [smem:$0x3FB0];
	_ =	sdelay $0x3  }
0x36: {  	p1 =	seq.s32 s10, $0x1;
	s10 =	sld [smem:$0x3FB1];
	_ =	sdelay $0x3  }
0x37: {  	[smem:$0x3FB1] =	sst s10  }
0x38: {  	s10 =	sld [smem:$0x3FB2]  }
0x39: {  	_ = 	snop;
	(pc) =	sbr.ind lr, $3  }
0x3a: {  	_ = 	snop  }
0x3b: {  	_ = 	snop  }
0x3c: {  	p2 =	seq.s32 s10, $0x1;
	s10 =	sld [smem:$0x3FB1]  }
0x3d: {  	_ =	shalt  }
0x3e: {  	_ =	shalt  }
0x3f: {  	_ =	shalt  }
0x40: {  	_ =	shalt  }
0x41: {  	_ =	shalt  }
0x42: {  	_ =	shalt  }
0x43: {  	_ =	shalt  }
0x44: {  	_ =	shalt  }
0x45: {  	_ =	shalt  }
0x46: {  	_ =	shalt  }
0x47: {  	_ =	shalt  }
0x48: {  	_ =	shalt  }
0x49: {  	_ =	shalt  }
0x4a: {  	_ =	shalt  }
0x4b: {  	_ =	shalt  }
0x4c: {  	_ =	shalt  }
0x4d: {  	_ =	shalt  }
0x4e: {  	_ =	shalt  }
0x4f: {  	_ =	shalt  }
0x50: {  	_ =	shalt  }
0x51: {  	_ =	shalt  }
0x52: {  	_ =	shalt  }
0x53: {  	_ =	shalt  }
0x54: {  	_ =	shalt  }
0x55: {  	_ =	shalt  }
0x56: {  	_ =	shalt  }
0x57: {  	_ =	shalt  }
0x58: {  	_ =	shalt  }
0x59: {  	_ =	shalt  }
0x5a: {  	_ =	shalt  }
0x5b: {  	_ =	shalt  }
0x5c: {  	_ =	shalt  }
0x5d: {  	_ =	shalt  }
0x5e: {  	_ =	shalt  }
0x5f: {  	_ =	shalt  }
0x60: {  	_ =	shalt  }
0x61: {  	_ =	shalt  }
0x62: {  	_ =	shalt  }
0x63: {  	_ =	shalt  }
0x64: {  	_ =	shalt  }
0x65: {  	_ =	shalt  }
0x66: {  	_ =	shalt  }
0x67: {  	_ =	shalt  }
0x68: {  	_ =	shalt  }
0x69: {  	_ =	shalt  }
0x6a: {  	_ =	shalt  }
0x6b: {  	_ =	shalt  }
0x6c: {  	_ =	shalt  }
0x6d: {  	_ =	shalt  }
0x6e: {  	_ =	shalt  }
0x6f: {  	_ =	shalt  }
0x70: {  	_ =	shalt  }
0x71: {  	_ =	shalt  }
0x72: {  	_ =	shalt  }
0x73: {  	_ =	shalt  }
0x74: {  	_ =	shalt  }
0x75: {  	_ =	shalt  }
0x76: {  	_ =	shalt  }
0x77: {  	_ =	shalt  }
0x78: {  	_ =	shalt  }
0x79: {  	_ =	shalt  }
0x7a: {  	_ =	shalt  }
0x7b: {  	_ =	shalt  }
0x7c: {  	_ =	shalt  }
0x7d: {  	_ =	shalt  }
0x7e: {  	_ =	shalt  }
0x7f: {  	_ =	shalt  }
0x80: {  	_ =	shalt  }
0x81: {  	_ =	shalt  }
0x82: {  	_ =	shalt  }
0x83: {  	_ =	shalt  }
0x84: {  	_ =	shalt  }
0x85: {  	_ =	shalt  }
0x86: {  	_ =	shalt  }
0x87: {  	_ =	shalt  }
.Lfunc_end0:
.L_simem_size_0:
called_computation_lowered:
.L_overlay_start_0:
0x88: {  	s2 =	sld [smem:$0x3FD9]  }
0x89: {  	s3 =	sld [smem:$0x3FFE];
	_ =	sdelay $0x1  }
0x8a: {  	s1 =	srdreg.scid  }
0x8b: {  	s0 =	sand.u32 $0x1, s1  }
0x8c: {  	s16 =	sshll.u32 s0, $0xA;
	s2 =	sadd.s32 s3, s2  }
0x8d: {  	s2 =	sadd.s32 s2, s16  }
0x8e: {  	[smem:$0x3FBD] =	sst s2  }
0x8f: {  	_ = 	snop  }
0x90: {  	(tm) =	ssettm $0x1  }
0x91: {  	s17 =	sld [smem:$0x3FFB];
	_ =	sdelay $0x3  }
0x92: {  	_ =	strace s17  }
0x93: {  	s2 =	sld [smem:$0x3FFC];
	_ =	sdelay $0x3  }
0x94: {  	_ =	strace s2  }
0x95: {  	s2 =	sld [smem:$0x3FFD];
	_ =	sdelay $0x3  }
0x96: {  	_ =	strace s2  }
0x97: {  	_ =	strace $0x8FFFFFFF  }
0x98: {  	s18 =	sld [smem:$0x3FDB];
	_ =	sdelay $0x1  }
0x99: {  	s19 =	simm.s32 $_scs_section_size  }
0x9a: {  	s4 =	simm.s32 $_size__tile_overlayer_lowered;
	s5 =	simm.s32 $_tile_overlayer_lowered  }
0x9b: {  	s22 =	simm.s32 $0x1BFF;
	s21 =	sshll.u32 s5, $0x1;
	s2 =	sadd.s32 s19, s18  }
0x9c: {  	s6 =	simm.s32 $0x0;
	s20 =	sshll.u32 s4, $0x1;
	s4 =	sadd.s32 s21, s2  }
0x9d: {  	[timem:s6], [sflag:s22] =	dma.local [hbm:s4], s20  }
0x9e: {  	_ =	swait.ge [sflag:s22], s20  }
0x9f: {  	s3 =	ssub.s32 $0x0, s20;
	[sflag:s22] =	ssyncset.done $0x0  }
0xa0: {  	[sflag:s22] =	ssyncadd.s32 s3;
	_ =	sdelay $0x1  }
0xa1: {  	s23 =	simm.s32 $0x1B8B  }
0xa2: {  	_ =	swait.ge [sflag:s23], $0x1  }
0xa3: {  	[sflag:s23] =	ssyncset.done $0x0  }
0xa4: {  	s25 =	simm.s32 $0x1B8E;
	s24 =	sld [smem:$0x3FFE];
	[sflag:s23] =	ssyncadd.s32 $0xFFFFFFFF  }
0xa5: {  	s26 =	simm.s32 $execute0_lowered;
	[smem:$0x3FD2] =	sst s25  }
0xa6: {  	s4 =	sshll.u32 s26, $0x1;
	_ =	strace $0x80000046;
	[dreg:$0x1] =	wrdreg $0xFFFFFFFF  }
0xa7: {  	s28 =	simm.s32 $_size_execute0_lowered;
	s2 =	sadd.s32 s2, s4;
	[dreg:$0x0] =	wrdreg $0x0  }
0xa8: {  	s4 =	sshll.u32 s28, $0x1;
	[dreg:$0x2] =	wrdreg s2  }
0xa9: {  	[dreg:$0x3] =	wrdreg s4  }
0xaa: {  	[dreg:$0x4] =	wrdreg $0xC0  }
0xab: {  	_ =	task [dreg:s6], $0x5FFFF  }
0xac: {  	[dreg:$0x1] =	wrdreg $0xFFFFFFFF  }
0xad: {  	[dreg:$0x0] =	wrdreg $0x60  }
0xae: {  	[dreg:$0x2] =	wrdreg s24  }
0xaf: {  	[dreg:$0x3] =	wrdreg $0x14800  }
0xb0: {  	[dreg:$0x4] =	wrdreg $0x9  }
0xb1: {  	_ =	task.clear_ibuf [dreg:s6], $0x5FFFF;
	_ =	strace $0x90000046  }
0xb2: {  	s29 =	simm.s32 $0x9;
	_ =	strace $0x80000048  }
0xb3: {  	_ =	swait.ge [sflag:s29], $0x1  }
0xb4: {  	[sflag:s29] =	ssyncadd.s32 $0xFFFFFFFF  }
0xb5: {  	_ =	strace $0x90000048  }
0xb6: {  	_ =	sfence  }
0xb7: {  	s30 =	sld [smem:$0x0];
	_ =	sdelay $0x2  }
0xb8: {  	s31 =	sshll.u32 s1, $0xD;
	s1 =	sshrl.u32 s1, $0x2  }
0xb9: {  	s3 =	sand.u32 $0x4000, s31;
	s1 =	sadd.s32 s1, s30  }
0xba: {  	s0 =	sor.u32 s3, s0;
	s1 =	sshll.u32 s1, $0x11  }
0xbb: {  	s0 =	sor.u32 s1, s0  }
0xbc: {  	s0 =	sadd.s32 $0x8F2B, s0  }
0xbd: {  	[sflag:s0] =	ssyncadd.remote.s32 $0x1  }
0xbe: {  	_ =	sfence.sel $0xFFFF  }
0xbf: {  	[dreg:$0x0] =	wrdreg $0xFFFFFFFF;
	(pc) =	sbr.abs _section_cstart, $3  }
0xc0: {  	[dreg:$0x1] =	wrdreg $0xFFFFFFFF  }
0xc1: {  	_ =	task.clear_ibuf [dreg:s6], $0x2FFFF;
	_ =	strace $0x9FFFFFFF  }
0xc2: {  	(tm) =	ssettm $0x7FFFFFFF  }
0xc3: {  	_ =	shalt  }
tec
execute0_lowered:
.L_overlay_start_1:
0x0: {  	(tag) =	ssettag $0x1  }
0x1: {  	s0 =	srdreg.scid;
	s5 =	rddreg [dreg:$0x0]  }
0x2: {  	s2 =	rddreg [dreg:$0x1];
	s3 =	simm.s32 $0x0;
	s12 =	simm.s32 $0x1400  }
0x3: {  	s13 =	simm.s32 $0x0;
	s4 =	sand.u32 $0x1, s0;
	s0 =	stileid.u32  }
0x4: {  	[smem:$0x7FF] =	sst s3;
	s1 =	sshll.u32 s4, $0x4;
	s7 =	smul.u32 $0x280, s0  }
0x5: {  	s8 =	smul.u32 $0x2800, s4;
	s4 =	ssub.s32 $0x2, s4;
	s1 =	sor.u32 s0, s1  }
0x6: {  	s31 =	sshll.u32 s0, $0x6;
	s10 =	sshrl.u32 s4, $0x1;
	s6 =	smul.u32 $0x280, s1  }
0x7: {  	s1 =	rddreg [dreg:$0x2];
	_ =	strace $0x80000047;
	s8 =	sadd.s32 s7, s8  }
0x8: {  	s9 =	sshrl.u32 s7, $0x3;
	s10 =	ssub.s32 s4, s10;
	s11 =	sadd.s32 s7, s2  }
0x9: {  	s8 =	sshrl.u32 s8, $0x3;
	s9 =	sadd.s32 s9, s5;
	s6 =	sadd.s32 s6, s5  }
0xa: {  	s8 =	sadd.s32 s8, s5;
	s4 =	sadd.s32 $0x6E00, s9;
	s5 =	sor.u32 $0x1C01, s31  }
0xb: {  	s9 =	sshrl.u32 s11, $0x3;
	s11 =	simm.s32 $0x80;
	s6 =	sadd.s32 $0x1E00, s6  }
0xc: {  	v0 =	vimm.f32 $1.000000000e+00;
	s7 =	sadd.s32 $0x7400, s8;
	s8 =	smax.u32 s10, $0x1;
	s10 =	simm.s32 $0x1  }
.LBB2_1:
0xd: {  	[spmem:s9], [sflag:s5] =	dma.local [hbm:s4], $0x50  }
0xe: {  	_ =	swait.ge [sflag:s10], $0x50  }
0xf: {  	[sflag:s10] =	ssyncset.done $0x0  }
0x10: {  	[sflag:s10] =	ssyncadd.s32 $0xFFFFFFB0  }
0x11: {  	[tilespmem:s3], [sflag:$0x1] =	stream.linear.gather [hbm4b:s6+s3], $0x1400, $0x38;
	[tilespmem:$0x1700] =	vst v63  }
0x12: {  	_ =	swait.ge [sflag:s10], $0x1400  }
0x13: {  	[sflag:s10] =	ssyncset.done $0x0  }
0x14: {  	[sflag:s10] =	ssyncadd.s32 $0xFFFFEC00  }
0x15: {  	[tilespmem:$0x1400] =	vst v0  }
0x16: {  	[tilespmem:$0x1410] =	vst v0  }
0x17: {  	[tilespmem:$0x1420] =	vst v0  }
0x18: {  	[tilespmem:$0x1430] =	vst v0  }
0x19: {  	[tilespmem:$0x1440] =	vst v0  }
0x1a: {  	[tilespmem:$0x1450] =	vst v0  }
0x1b: {  	[tilespmem:$0x1460] =	vst v0  }
0x1c: {  	[tilespmem:$0x1470] =	vst v0  }
0x1d: {  	s14 =	simm.s32 $0x0;
	[bflag:$0x0] =	sbarrier.arrive $0xFFFF  }
0x1e: {  	[spmem:s2] =	stream.indirect.scatter.add.f32 [tilespmem:s12], [sflag:$0x1], $0x1, s14, s11, $0xb8;
	[tilespmem:$0x1700] =	vst v63  }
0x1f: {  	_ =	swait.ge [sflag:s10], $0x80  }
0x20: {  	s14 =	simm.s32 $0x200;
	[sflag:s10] =	ssyncset.done $0x0  }
.LBB2_2:
0x21: {  	s15 =	sshra.s32 s14, $0x2;
	[sflag:s10] =	ssyncadd.s32 $0xFFFFFF80;
	p0 =	sne.s32 s14, $0x4E00  }
0x22: {  	[spmem:s2] =	stream.indirect.scatter.add.f32 [tilespmem:s12], [sflag:$0x1], $0x1, s15, s11, $0xb8;
	[tilespmem:$0x1700] =	vst v63  }
.Ltmp0:
0x23: {  	_ = 	snop;
	(pc) =	sbr.rel @p0 .LBB2_2-.Ltmp0, $4  }
0x24: {  	_ = 	snop  }
0x25: {  	s14 =	sadd.s32 $0x200, s14  }
0x26: {  	_ =	swait.ge [sflag:s10], $0x80  }
0x27: {  	[sflag:s10] =	ssyncset.done $0x0  }
0x28: {  	s13 =	sadd.s32 $0x1, s13  }
0x29: {  	[sflag:s10] =	ssyncadd.s32 $0xFFFFFF80;
	p0 =	sne.s32 s13, s8  }
.Ltmp1:
0x2a: {  	[bflag:$0x0] =	sbarrier.arrive $0xFFFF;
	(pc) =	sbr.rel @p0 .LBB2_1-.Ltmp1, $4  }
0x2b: {  	[hbm:s7], [sflag:s5] =	dma.local [spmem:s9], $0x50  }
0x2c: {  	_ =	swait.ge [sflag:s10], $0x50  }
0x2d: {  	[sflag:s10] =	ssyncset.done $0x0  }
0x2e: {  	[sflag:s10] =	ssyncadd.s32 $0xFFFFFFB0  }
0x2f: {  	_ =	sfence.sel $0x180000  }
0x30: {  	[bflag:$0x0] =	sbarrier.arrive $0xFFFF  }
0x31: {  	p0 =	sne.s32 s0, $0x0;
	_ =	strace $0x90000047  }
0x32: {  	s0 =	sadd.s32 @!p0 $0x100000, s1;
	[bflag:$0x2] =	sbarrier.arrive $0xFFFF  }
0x33: {  	[sflag:s0] =	ssyncadd.tile.s32 @!p0 $0x1;
	_ =	shalt  }
.Lfunc_end2:
_tile_overlayer_lowered:
.L_overlay_start_2:
0x34: {  	(tag) =	ssettag $0x2  }
0x35: {  	s0 =	rddreg [dreg:$0x0];
	s2 =	stileid.u32  }
0x36: {  	s1 =	rddreg [dreg:$0x1];
	p0 =	sne.s32 s2, $0x0  }
0x37: {  	s3 =	rddreg [dreg:$0x2];
	[bflag:$0x3] =	sbarrier.arrive $0xFFFF;
	s2 =	simm.s32 @!p0 $0x1C01  }
0x38: {  	[timem:s3], [sflag:s2] =	dma.local @!p0 [hbm:s0], s1  }
0x39: {  	s0 =	simm.s32 @!p0 $0x1  }
0x3a: {  	_ =	swait.ge @!p0 [sflag:s0], s1  }
0x3b: {  	s1 =	ssub.s32 @!p0 $0x0, s1;
	[sflag:s0] =	ssyncset.done @!p0 $0x0  }
0x3c: {  	[sflag:s0] =	ssyncadd.s32 @!p0 s1  }
0x3d: {  	[bflag:$0x3] =	sbarrier.arrive $0xFFFF  }
0x3e: {  	_ =	shalt  }

</sc_bundles>
